<compile_context>
chip_gen: v7x
topology: tpu7x:2x2x1
jax: 0.10.2.dev20260603
libtpu: 0.0.44.dev20260713+nightly
codegen_flags: <defaults>
</compile_context>

<pallas_src>
import functools

import jax
import jax.numpy as jnp
from jax import lax
from jax.experimental import pallas as pl
from jax.experimental.pallas import tpu as pltpu
from jax.experimental.pallas import tpu_sc as plsc

_DN0 = (((0,), (0,)), ((), ()))
_DN01 = (((0,), (1,)), ((), ()))

_EDGE_BLOCK = 16000
_SC_WINDOW = 3200


def _prep_nodes_body(x_ref, w_in_ref, b_in_ref, w_top_ref, hv0t_ref, g0t_ref):
    hv0t = lax.dot_general(
        w_in_ref[...], x_ref[...], _DN01, preferred_element_type=jnp.float32
    ) + b_in_ref[...]
    hv0t_ref[...] = hv0t
    g0t_ref[...] = lax.dot_general(
        w_top_ref[...], hv0t, _DN0, preferred_element_type=jnp.float32
    )


def _prep_edges_body(ea_ref, w2_ref, b2_ref, eat0_ref, eat1_ref):
    m = lax.dot_general(
        w2_ref[...], ea_ref[...], _DN01, preferred_element_type=jnp.float32
    ) + b2_ref[...]
    half = m.shape[0] // 2
    eat0_ref[...] = m[:half]
    eat1_ref[...] = m[half:]


def _mid_body(pt_ref, hvt_ref, w_top_ref, hv1t_ref, g1t_ref):
    pooled = jnp.max(pt_ref[...], axis=0)[:, : hvt_ref.shape[1]]
    hv1t = jnp.maximum(pooled, 0.0) + hvt_ref[...]
    hv1t_ref[...] = hv1t
    g1t_ref[...] = lax.dot_general(
        w_top_ref[...], hv1t, _DN0, preferred_element_type=jnp.float32
    )


def _fin_body(pt_ref, hvt_ref, w_r_ref, b_r_ref, out_ref):
    pooled = jnp.max(pt_ref[...], axis=0)[:, : hvt_ref.shape[1]]
    hv2t = jnp.maximum(pooled, 0.0) + hvt_ref[...]
    out_ref[...] = jnp.maximum(
        lax.dot_general(hv2t, w_r_ref[...], _DN0, preferred_element_type=jnp.float32)
        + b_r_ref[...],
        0.0,
    )


_K = 4
_C = 4

_GDN = lax.GatherDimensionNumbers(
    offset_dims=(), collapsed_slice_dims=(0,), start_index_map=(0,)
)


def _take(x, idx):
    return lax.gather(
        x,
        idx[:, None],
        dimension_numbers=_GDN,
        slice_sizes=(1,),
        mode=lax.GatherScatterMode.PROMISE_IN_BOUNDS,
    )


def _sc_round(gt, eat, src, dst):
    n = gt.shape[1]
    e = src.shape[0]
    w = _SC_WINDOW
    ec = e // _C
    mesh = plsc.VectorSubcoreMesh(core_axis_name="c", subcore_axis_name="s")

    @functools.partial(
        pl.kernel,
        out_type=jax.ShapeDtypeStruct((_C * 32, n + 16), jnp.float32),
        mesh=mesh,
        compiler_params=pltpu.CompilerParams(needs_layout_passes=False),
        scratch_types=[pltpu.VMEM((n,), jnp.float32)] * 4
        + [pltpu.VMEM((n + 16,), jnp.float32)] * 4
        + [pltpu.VMEM((w,), jnp.int32)] * 3
        + [pltpu.VMEM((w,), jnp.float32)] * 8
        + [pltpu.SemaphoreType.DMA],
    )
    def k(gt_h, eat_h, src_h, dst_h, out_h, *scr):
        gs = scr[0:4]
        accs = scr[4:8]
        src_v, dst_v, sdst_v = scr[8:11]
        eas = scr[11:15]
        zs = scr[15:19]
        sem = scr[19]
        c = lax.axis_index("c")
        s = lax.axis_index("s")
        wid = s * 2 + c
        grp = wid // _C
        j = wid % _C
        f0 = grp * _K

        for ki in range(_K):
            pltpu.sync_copy(gt_h.at[f0 + ki], gs[ki])

        neg_inf = jnp.full((16,), -jnp.inf, dtype=jnp.float32)

        @plsc.parallel_loop(0, (n + 16) // 16, unroll=4)
        def _init(i):
            for ki in range(_K):
                accs[ki][pl.ds(i * 16, 16)] = neg_inf

        lane = lax.iota(jnp.int32, 16)
        _SHIFT_UP = jnp.minimum(lane + 1, 15)
        _SHIFT_DN = {sh: jnp.maximum(lane - sh, 0) for sh in (1, 2, 4, 8)}
        base0 = j * ec

        def win_body(wi, carry):
            base = pl.multiple_of(base0 + wi * w, 128)
            cps = [
                pltpu.async_copy(src_h.at[pl.ds(base, w)], src_v, sem),
                pltpu.async_copy(dst_h.at[pl.ds(base, w)], dst_v, sem),
            ]
            for ki in range(_K):
                cps.append(
                    pltpu.async_copy(eat_h.at[f0 + ki, pl.ds(base, w)], eas[ki], sem)
                )
            for cp in cps:
                cp.wait()

            @plsc.parallel_loop(0, w // 16, unroll=2)
            def _zloop(i):
                off = i * 16
                sv = src_v[pl.ds(off, 16)]
                dv = dst_v[pl.ds(off, 16)]
                sd, p = plsc.sort_key_val(dv, lane)
                nxt = _take(sd, _SHIFT_UP)
                is_end = (sd != nxt) | (lane == 15)
                sdst_v[pl.ds(off, 16)] = jnp.where(is_end, sd, n + lane)
                eqs = []
                for sh in (1, 2, 4, 8):
                    prev = _take(sd, _SHIFT_DN[sh])
                    eqs.append((sd == prev) & (lane >= sh))
                for ki in range(_K):
                    z = plsc.load_gather(gs[ki], [sv]) + eas[ki][pl.ds(off, 16)]
                    zp = _take(z, p)
                    for sh, eq in zip((1, 2, 4, 8), eqs):
                        zsh = _take(zp, _SHIFT_DN[sh])
                        zp = jnp.maximum(zp, jnp.where(eq, zsh, -jnp.inf))
                    zs[ki][pl.ds(off, 16)] = zp

            def vec_body(i, carry2):
                for u in range(2):
                    off = (i * 2 + u) * 16
                    sd = sdst_v[pl.ds(off, 16)]
                    for ki in range(_K):
                        zf = zs[ki][pl.ds(off, 16)]
                        cur = plsc.load_gather(accs[ki], [sd])
                        plsc.store_scatter(accs[ki], [sd], jnp.maximum(cur, zf))
                return carry2

            lax.fori_loop(0, w // 32, vec_body, 0)
            return carry

        lax.fori_loop(0, ec // w, win_body, 0)
        for ki in range(_K):
            pltpu.sync_copy(accs[ki], out_h.at[j * 32 + f0 + ki])

    return k(gt, eat, src, dst).reshape(_C, 32, n + 16)


def kernel(x, edge_index, edge_attr, W_in, b_in, W_u0, b_u0, W_u1, b_u1, W_r, b_r):
    n, _ = x.shape
    e = edge_index.shape[1]
    out_dim = W_in.shape[1]

    src = edge_index[0].astype(jnp.int32)
    dst = edge_index[1].astype(jnp.int32)

    w2 = jnp.concatenate([W_u0[out_dim:], W_u1[out_dim:]], axis=1)
    b2 = jnp.concatenate([b_u0, b_u1]).reshape(-1, 1)

    hv0t, g0t = pl.pallas_call(
        _prep_nodes_body,
        out_shape=[jax.ShapeDtypeStruct((out_dim, n), jnp.float32)] * 2,
    )(x, W_in, b_in.reshape(-1, 1), W_u0[:out_dim])

    de = edge_attr.shape[1]
    blk = _EDGE_BLOCK
    eat0, eat1 = pl.pallas_call(
        _prep_edges_body,
        grid=(e // blk,),
        in_specs=[
            pl.BlockSpec((blk, de), lambda i: (i, 0)),
            pl.BlockSpec((de, 2 * out_dim), lambda i: (0, 0)),
            pl.BlockSpec((2 * out_dim, 1), lambda i: (0, 0)),
        ],
        out_specs=[
            pl.BlockSpec((out_dim, blk), lambda i: (0, i)),
            pl.BlockSpec((out_dim, blk), lambda i: (0, i)),
        ],
        out_shape=[jax.ShapeDtypeStruct((out_dim, e), jnp.float32)] * 2,
    )(edge_attr, w2, b2)

    p0 = _sc_round(g0t, eat0, src, dst)

    hv1t, g1t = pl.pallas_call(
        _mid_body,
        out_shape=[jax.ShapeDtypeStruct((out_dim, n), jnp.float32)] * 2,
    )(p0, hv0t, W_u1[:out_dim])

    p1 = _sc_round(g1t, eat1, src, dst)

    out = pl.pallas_call(
        _fin_body,
        out_shape=jax.ShapeDtypeStruct((n, out_dim), jnp.float32),
    )(p1, hv1t, W_r, b_r.reshape(1, -1))

    return out

# --- scband reference (transcript-rebuilt; emitter-appended) ---
"""Pipeline reference for scband-edge-graph-layer-420906795685 (READ-ONLY COPY).

The authoritative reference and input builder live on the scoring server;
editing this copy changes nothing except your own understanding.
"""

import jax, jax.numpy as jnp
import numpy as np

N = 10000
E = 320000
F = 128
DE = 16
OUT = 32


def setup_inputs(seed: int = 0) -> dict:
    key = jax.random.key(seed)
    ks = jax.random.split(key, 12)
    x = jax.random.normal(ks[0], (N, F), dtype=jnp.float32)
    edge_index = jax.random.randint(ks[1], (2, E), 0, N, dtype=jnp.int64)
    edge_attr = jax.random.normal(ks[2], (E, DE), dtype=jnp.float32)
    W_in = jax.random.normal(ks[3], (F, OUT), dtype=jnp.float32) * 0.05
    b_in = jnp.zeros((OUT,), dtype=jnp.float32)
    W_u0 = jax.random.normal(ks[4], (OUT + DE, OUT), dtype=jnp.float32) * 0.05
    b_u0 = jnp.zeros((OUT,), dtype=jnp.float32)
    W_u1 = jax.random.normal(ks[5], (OUT + DE, OUT), dtype=jnp.float32) * 0.05
    b_u1 = jnp.zeros((OUT,), dtype=jnp.float32)
    W_r = jax.random.normal(ks[6], (OUT, OUT), dtype=jnp.float32) * 0.05
    b_r = jnp.zeros((OUT,), dtype=jnp.float32)
    return {
        "x": x,
        "edge_index": edge_index,
        "edge_attr": edge_attr,
        "W_in": W_in,
        "b_in": b_in,
        "W_u0": W_u0,
        "b_u0": b_u0,
        "W_u1": W_u1,
        "b_u1": b_u1,
        "W_r": W_r,
        "b_r": b_r,
    }


def reference(x, edge_index, edge_attr, W_in, b_in, W_u0, b_u0, W_u1, b_u1, W_r, b_r):
    # input_layer: hv = Linear(x)
    src = edge_index[0]
    dst = edge_index[1]
    hv = x @ W_in + b_in
    # depth=2 message-passing rounds: msg = FCLayer(concat(src_hv, he)); max-pool over incoming edges; hv = msg + hv
    for (W, b) in ((W_u0, b_u0), (W_u1, b_u1)):
        m = jnp.concatenate([hv[src], edge_attr], axis=-1)  # gather src features per edge
        m = jax.nn.relu(m @ W + b)                           # FCLayer (Linear + ReLU)
        pooled = jax.ops.segment_max(m, dst, num_segments=N)  # max pooling over mailbox per dst node
        pooled = jnp.where(jnp.isfinite(pooled), pooled, 0.0)  # nodes with no incoming edges get 0
        hv = pooled + hv
    # readout FCLayer
    out = jax.nn.relu(hv @ W_r + b_r)
    return out

if __name__ == "__main__":
    import jax
    _d = setup_inputs()
    print(jax.jit(kernel)(*tuple(_d.values())))

</pallas_src>

<mosaic_0001>
#map = affine_map<(d0, d1) -> (0, 0)>
#map1 = affine_map<(d0, d1) -> (0)>
module attributes {stable_mosaic.version = 14 : i64} {
  func.func @k(%arg0: i32, %arg1: i32, %arg2: memref<32x10000xf32, #tpu.memory_space<hbm>>, %arg3: memref<32x320000xf32, #tpu.memory_space<hbm>>, %arg4: memref<320000xi32, #tpu.memory_space<hbm>>, %arg5: memref<320000xi32, #tpu.memory_space<hbm>>, %arg6: memref<128x10016xf32, #tpu.memory_space<hbm>>, %arg7: memref<10000xf32, #tpu.memory_space<vmem>>, %arg8: memref<10000xf32, #tpu.memory_space<vmem>>, %arg9: memref<10000xf32, #tpu.memory_space<vmem>>, %arg10: memref<10000xf32, #tpu.memory_space<vmem>>, %arg11: memref<10016xf32, #tpu.memory_space<vmem>>, %arg12: memref<10016xf32, #tpu.memory_space<vmem>>, %arg13: memref<10016xf32, #tpu.memory_space<vmem>>, %arg14: memref<10016xf32, #tpu.memory_space<vmem>>, %arg15: memref<3200xi32, #tpu.memory_space<vmem>>, %arg16: memref<3200xi32, #tpu.memory_space<vmem>>, %arg17: memref<3200xi32, #tpu.memory_space<vmem>>, %arg18: memref<3200xf32, #tpu.memory_space<vmem>>, %arg19: memref<3200xf32, #tpu.memory_space<vmem>>, %arg20: memref<3200xf32, #tpu.memory_space<vmem>>, %arg21: memref<3200xf32, #tpu.memory_space<vmem>>, %arg22: memref<3200xf32, #tpu.memory_space<vmem>>, %arg23: memref<3200xf32, #tpu.memory_space<vmem>>, %arg24: memref<3200xf32, #tpu.memory_space<vmem>>, %arg25: memref<3200xf32, #tpu.memory_space<vmem>>, %arg26: memref<!tpu.dma_semaphore, #tpu.memory_space<semaphore_mem>>) attributes {dimension_semantics = [#tpu.dimension_semantics<core_parallel>, #tpu.dimension_semantics<subcore_parallel>], iteration_bounds = array<i64: 2, 16>, scalar_prefetch = 0 : i64, scratch_operands = 20 : i64, tpu.core_type = #tpu.core_type<sc_vector_subcore>, window_params = [{transform_indices = #map}, {transform_indices = #map}, {transform_indices = #map1}, {transform_indices = #map1}, {transform_indices = #map}]} {
    %mul3A = arith.constant 2 : i32
    %mul3A_0 = arith.muli %arg1, %mul3A : i32
    %add3A = arith.addi %mul3A_0, %arg0 : i32
    %jit3A = arith.constant 4 : i32
    %div3A = arith.divsi %add3A, %jit3A : i32
    %sign3A = arith.constant 0 : i32
    %sign3A_1 = arith.cmpi sgt, %add3A, %sign3A : i32
    %sign3A_2 = arith.extui %sign3A_1 : i1 to i32
    %sign3A_3 = arith.constant 0 : i32
    %sign3A_4 = arith.cmpi slt, %add3A, %sign3A_3 : i32
    %sign3A_5 = arith.extui %sign3A_4 : i1 to i32
    %sign3A_6 = arith.subi %sign3A_2, %sign3A_5 : i32
    %sign3A_7 = arith.constant 0 : i32
    %sign3A_8 = arith.cmpi sgt, %jit3A, %sign3A_7 : i32
    %sign3A_9 = arith.extui %sign3A_8 : i1 to i32
    %sign3A_10 = arith.constant 0 : i32
    %sign3A_11 = arith.cmpi slt, %jit3A, %sign3A_10 : i32
    %sign3A_12 = arith.extui %sign3A_11 : i1 to i32
    %sign3A_13 = arith.subi %sign3A_9, %sign3A_12 : i32
    %ne3A = arith.cmpi ne, %sign3A_6, %sign3A_13 : i32
    %rem3A = arith.remsi %add3A, %jit3A : i32
    %ne3A_14 = arith.constant 0 : i32
    %ne3A_15 = arith.cmpi ne, %rem3A, %ne3A_14 : i32
    %and3A = arith.andi %ne3A, %ne3A_15 : i1
    %sub3A = arith.constant 1 : i32
    %sub3A_16 = arith.subi %div3A, %sub3A : i32
    %select_n3A = arith.select %and3A, %sub3A_16, %div3A : i32
    %jit3A_17 = arith.constant 4 : i32
    %eq3A = arith.constant 0 : i32
    %eq3A_18 = arith.cmpi eq, %jit3A_17, %eq3A : i32
    %jit3A_19 = arith.constant 1 : i32
    %select_n3A_20 = arith.select %eq3A_18, %jit3A_19, %jit3A_17 : i32
    %rem3A_21 = arith.remsi %add3A, %select_n3A_20 : i32
    %ne3A_22 = arith.constant 0 : i32
    %ne3A_23 = arith.cmpi ne, %rem3A_21, %ne3A_22 : i32
    %lt3A = arith.constant 0 : i32
    %lt3A_24 = arith.cmpi slt, %rem3A_21, %lt3A : i32
    %lt3A_25 = arith.constant 0 : i32
    %lt3A_26 = arith.cmpi slt, %select_n3A_20, %lt3A_25 : i32
    %ne3A_27 = arith.xori %lt3A_24, %lt3A_26 : i1
    %and3A_28 = arith.andi %ne3A_27, %ne3A_23 : i1
    %add3A_29 = arith.addi %rem3A_21, %select_n3A_20 : i32
    %select_n3A_30 = arith.select %and3A_28, %add3A_29, %rem3A_21 : i32
    %mul3A_31 = arith.constant 4 : i32
    %mul3A_32 = arith.muli %select_n3A, %mul3A_31 : i32
    %add3A_33 = arith.constant 0 : i32
    %add3A_34 = arith.addi %mul3A_32, %add3A_33 : i32
    "tpu.region"() ({
      %run_scoped3A = tpu.sem_alloc : memref<!tpu.dma_semaphore, #tpu.memory_space<semaphore_mem>>
      %dma_start3A = arith.constant 0 : i32
      %dma_start3A_99 = tpu.memref_slice %arg2[%add3A_34, %dma_start3A] : memref<32x10000xf32, #tpu.memory_space<hbm>> -> memref<1x10000xf32, #tpu.memory_space<hbm>>
      %dma_start3A_100 = tpu.memref_squeeze %dma_start3A_99 : memref<1x10000xf32, #tpu.memory_space<hbm>> -> memref<10000xf32, #tpu.memory_space<hbm>>
      %dma_start3A_101 = arith.constant 0 : i32
      %dma_start3A_102 = tpu.memref_slice %arg2[%add3A_34, %dma_start3A_101] : memref<32x10000xf32, #tpu.memory_space<hbm>> -> memref<1x10000xf32, #tpu.memory_space<hbm>>
      %dma_start3A_103 = tpu.memref_squeeze %dma_start3A_102 : memref<1x10000xf32, #tpu.memory_space<hbm>> -> memref<10000xf32, #tpu.memory_space<hbm>>
      tpu.enqueue_dma source(%dma_start3A_103 : memref<10000xf32, #tpu.memory_space<hbm>>) target(%arg7 : memref<10000xf32, #tpu.memory_space<vmem>>) target_semaphore(%run_scoped3A : memref<!tpu.dma_semaphore, #tpu.memory_space<semaphore_mem>>)
      %dma_wait3A = arith.constant 0 : i32
      %dma_wait3A_104 = tpu.memref_slice %arg2[%add3A_34, %dma_wait3A] : memref<32x10000xf32, #tpu.memory_space<hbm>> -> memref<1x10000xf32, #tpu.memory_space<hbm>>
      %dma_wait3A_105 = tpu.memref_squeeze %dma_wait3A_104 : memref<1x10000xf32, #tpu.memory_space<hbm>> -> memref<10000xf32, #tpu.memory_space<hbm>>
      %dma_wait3A_106 = arith.constant 0 : i32
      %dma_wait3A_107 = tpu.memref_slice %arg2[%add3A_34, %dma_wait3A_106] : memref<32x10000xf32, #tpu.memory_space<hbm>> -> memref<1x10000xf32, #tpu.memory_space<hbm>>
      %dma_wait3A_108 = tpu.memref_squeeze %dma_wait3A_107 : memref<1x10000xf32, #tpu.memory_space<hbm>> -> memref<10000xf32, #tpu.memory_space<hbm>>
      tpu.wait_dma2 semaphore(%run_scoped3A : memref<!tpu.dma_semaphore, #tpu.memory_space<semaphore_mem>>) src(%dma_wait3A_108 : memref<10000xf32, #tpu.memory_space<hbm>>) dst(%arg7 : memref<10000xf32, #tpu.memory_space<vmem>>)
      tpu.yield
    }) : () -> ()
    %add3A_35 = arith.constant 1 : i32
    %add3A_36 = arith.addi %mul3A_32, %add3A_35 : i32
    "tpu.region"() ({
      %run_scoped3A = tpu.sem_alloc : memref<!tpu.dma_semaphore, #tpu.memory_space<semaphore_mem>>
      %dma_start3A = arith.constant 0 : i32
      %dma_start3A_99 = tpu.memref_slice %arg2[%add3A_36, %dma_start3A] : memref<32x10000xf32, #tpu.memory_space<hbm>> -> memref<1x10000xf32, #tpu.memory_space<hbm>>
      %dma_start3A_100 = tpu.memref_squeeze %dma_start3A_99 : memref<1x10000xf32, #tpu.memory_space<hbm>> -> memref<10000xf32, #tpu.memory_space<hbm>>
      %dma_start3A_101 = arith.constant 0 : i32
      %dma_start3A_102 = tpu.memref_slice %arg2[%add3A_36, %dma_start3A_101] : memref<32x10000xf32, #tpu.memory_space<hbm>> -> memref<1x10000xf32, #tpu.memory_space<hbm>>
      %dma_start3A_103 = tpu.memref_squeeze %dma_start3A_102 : memref<1x10000xf32, #tpu.memory_space<hbm>> -> memref<10000xf32, #tpu.memory_space<hbm>>
      tpu.enqueue_dma source(%dma_start3A_103 : memref<10000xf32, #tpu.memory_space<hbm>>) target(%arg8 : memref<10000xf32, #tpu.memory_space<vmem>>) target_semaphore(%run_scoped3A : memref<!tpu.dma_semaphore, #tpu.memory_space<semaphore_mem>>)
      %dma_wait3A = arith.constant 0 : i32
      %dma_wait3A_104 = tpu.memref_slice %arg2[%add3A_36, %dma_wait3A] : memref<32x10000xf32, #tpu.memory_space<hbm>> -> memref<1x10000xf32, #tpu.memory_space<hbm>>
      %dma_wait3A_105 = tpu.memref_squeeze %dma_wait3A_104 : memref<1x10000xf32, #tpu.memory_space<hbm>> -> memref<10000xf32, #tpu.memory_space<hbm>>
      %dma_wait3A_106 = arith.constant 0 : i32
      %dma_wait3A_107 = tpu.memref_slice %arg2[%add3A_36, %dma_wait3A_106] : memref<32x10000xf32, #tpu.memory_space<hbm>> -> memref<1x10000xf32, #tpu.memory_space<hbm>>
      %dma_wait3A_108 = tpu.memref_squeeze %dma_wait3A_107 : memref<1x10000xf32, #tpu.memory_space<hbm>> -> memref<10000xf32, #tpu.memory_space<hbm>>
      tpu.wait_dma2 semaphore(%run_scoped3A : memref<!tpu.dma_semaphore, #tpu.memory_space<semaphore_mem>>) src(%dma_wait3A_108 : memref<10000xf32, #tpu.memory_space<hbm>>) dst(%arg8 : memref<10000xf32, #tpu.memory_space<vmem>>)
      tpu.yield
    }) : () -> ()
    %add3A_37 = arith.constant 2 : i32
    %add3A_38 = arith.addi %mul3A_32, %add3A_37 : i32
    "tpu.region"() ({
      %run_scoped3A = tpu.sem_alloc : memref<!tpu.dma_semaphore, #tpu.memory_space<semaphore_mem>>
      %dma_start3A = arith.constant 0 : i32
      %dma_start3A_99 = tpu.memref_slice %arg2[%add3A_38, %dma_start3A] : memref<32x10000xf32, #tpu.memory_space<hbm>> -> memref<1x10000xf32, #tpu.memory_space<hbm>>
      %dma_start3A_100 = tpu.memref_squeeze %dma_start3A_99 : memref<1x10000xf32, #tpu.memory_space<hbm>> -> memref<10000xf32, #tpu.memory_space<hbm>>
      %dma_start3A_101 = arith.constant 0 : i32
      %dma_start3A_102 = tpu.memref_slice %arg2[%add3A_38, %dma_start3A_101] : memref<32x10000xf32, #tpu.memory_space<hbm>> -> memref<1x10000xf32, #tpu.memory_space<hbm>>
      %dma_start3A_103 = tpu.memref_squeeze %dma_start3A_102 : memref<1x10000xf32, #tpu.memory_space<hbm>> -> memref<10000xf32, #tpu.memory_space<hbm>>
      tpu.enqueue_dma source(%dma_start3A_103 : memref<10000xf32, #tpu.memory_space<hbm>>) target(%arg9 : memref<10000xf32, #tpu.memory_space<vmem>>) target_semaphore(%run_scoped3A : memref<!tpu.dma_semaphore, #tpu.memory_space<semaphore_mem>>)
      %dma_wait3A = arith.constant 0 : i32
      %dma_wait3A_104 = tpu.memref_slice %arg2[%add3A_38, %dma_wait3A] : memref<32x10000xf32, #tpu.memory_space<hbm>> -> memref<1x10000xf32, #tpu.memory_space<hbm>>
      %dma_wait3A_105 = tpu.memref_squeeze %dma_wait3A_104 : memref<1x10000xf32, #tpu.memory_space<hbm>> -> memref<10000xf32, #tpu.memory_space<hbm>>
      %dma_wait3A_106 = arith.constant 0 : i32
      %dma_wait3A_107 = tpu.memref_slice %arg2[%add3A_38, %dma_wait3A_106] : memref<32x10000xf32, #tpu.memory_space<hbm>> -> memref<1x10000xf32, #tpu.memory_space<hbm>>
      %dma_wait3A_108 = tpu.memref_squeeze %dma_wait3A_107 : memref<1x10000xf32, #tpu.memory_space<hbm>> -> memref<10000xf32, #tpu.memory_space<hbm>>
      tpu.wait_dma2 semaphore(%run_scoped3A : memref<!tpu.dma_semaphore, #tpu.memory_space<semaphore_mem>>) src(%dma_wait3A_108 : memref<10000xf32, #tpu.memory_space<hbm>>) dst(%arg9 : memref<10000xf32, #tpu.memory_space<vmem>>)
      tpu.yield
    }) : () -> ()
    %add3A_39 = arith.constant 3 : i32
    %add3A_40 = arith.addi %mul3A_32, %add3A_39 : i32
    "tpu.region"() ({
      %run_scoped3A = tpu.sem_alloc : memref<!tpu.dma_semaphore, #tpu.memory_space<semaphore_mem>>
      %dma_start3A = arith.constant 0 : i32
      %dma_start3A_99 = tpu.memref_slice %arg2[%add3A_40, %dma_start3A] : memref<32x10000xf32, #tpu.memory_space<hbm>> -> memref<1x10000xf32, #tpu.memory_space<hbm>>
      %dma_start3A_100 = tpu.memref_squeeze %dma_start3A_99 : memref<1x10000xf32, #tpu.memory_space<hbm>> -> memref<10000xf32, #tpu.memory_space<hbm>>
      %dma_start3A_101 = arith.constant 0 : i32
      %dma_start3A_102 = tpu.memref_slice %arg2[%add3A_40, %dma_start3A_101] : memref<32x10000xf32, #tpu.memory_space<hbm>> -> memref<1x10000xf32, #tpu.memory_space<hbm>>
      %dma_start3A_103 = tpu.memref_squeeze %dma_start3A_102 : memref<1x10000xf32, #tpu.memory_space<hbm>> -> memref<10000xf32, #tpu.memory_space<hbm>>
      tpu.enqueue_dma source(%dma_start3A_103 : memref<10000xf32, #tpu.memory_space<hbm>>) target(%arg10 : memref<10000xf32, #tpu.memory_space<vmem>>) target_semaphore(%run_scoped3A : memref<!tpu.dma_semaphore, #tpu.memory_space<semaphore_mem>>)
      %dma_wait3A = arith.constant 0 : i32
      %dma_wait3A_104 = tpu.memref_slice %arg2[%add3A_40, %dma_wait3A] : memref<32x10000xf32, #tpu.memory_space<hbm>> -> memref<1x10000xf32, #tpu.memory_space<hbm>>
      %dma_wait3A_105 = tpu.memref_squeeze %dma_wait3A_104 : memref<1x10000xf32, #tpu.memory_space<hbm>> -> memref<10000xf32, #tpu.memory_space<hbm>>
      %dma_wait3A_106 = arith.constant 0 : i32
      %dma_wait3A_107 = tpu.memref_slice %arg2[%add3A_40, %dma_wait3A_106] : memref<32x10000xf32, #tpu.memory_space<hbm>> -> memref<1x10000xf32, #tpu.memory_space<hbm>>
      %dma_wait3A_108 = tpu.memref_squeeze %dma_wait3A_107 : memref<1x10000xf32, #tpu.memory_space<hbm>> -> memref<10000xf32, #tpu.memory_space<hbm>>
      tpu.wait_dma2 semaphore(%run_scoped3A : memref<!tpu.dma_semaphore, #tpu.memory_space<semaphore_mem>>) src(%dma_wait3A_108 : memref<10000xf32, #tpu.memory_space<hbm>>) dst(%arg10 : memref<10000xf32, #tpu.memory_space<vmem>>)
      tpu.yield
    }) : () -> ()
    %broadcast_in_dim3A = arith.constant 0xFF800000 : f32
    %broadcast_in_dim3A_41 = vector.broadcast %broadcast_in_dim3A : f32 to vector<16xf32>
    %parallel_loop3A = arith.constant 0 : i32
    %parallel_loop3A_42 = arith.constant 626 : i32
    %parallel_loop3A_43 = arith.constant 1 : i32
    scf.for %parallel_loop3A_99 = %parallel_loop3A to %parallel_loop3A_42 step %parallel_loop3A_43  : i32 {
      %parallel_loop3A_100 = arith.constant 16 : i32
      %parallel_loop3A_101 = arith.muli %parallel_loop3A_99, %parallel_loop3A_100 : i32
      %parallel_loop3A_102 = arith.index_cast %parallel_loop3A_101 : i32 to index
      %parallel_loop3A_103 = tpu.vector_load %arg11[%parallel_loop3A_102] {strides = array<i32>} : memref<10016xf32, #tpu.memory_space<vmem>>, vector<16xf32>,
      tpu.vector_store %arg11[%parallel_loop3A_102], %broadcast_in_dim3A_41 {strides = array<i32>} : memref<10016xf32, #tpu.memory_space<vmem>>, vector<16xf32>,
      %parallel_loop3A_104 = arith.constant 16 : i32
      %parallel_loop3A_105 = arith.muli %parallel_loop3A_99, %parallel_loop3A_104 : i32
      %parallel_loop3A_106 = arith.index_cast %parallel_loop3A_105 : i32 to index
      %parallel_loop3A_107 = tpu.vector_load %arg12[%parallel_loop3A_106] {strides = array<i32>} : memref<10016xf32, #tpu.memory_space<vmem>>, vector<16xf32>,
      tpu.vector_store %arg12[%parallel_loop3A_106], %broadcast_in_dim3A_41 {strides = array<i32>} : memref<10016xf32, #tpu.memory_space<vmem>>, vector<16xf32>,
      %parallel_loop3A_108 = arith.constant 16 : i32
      %parallel_loop3A_109 = arith.muli %parallel_loop3A_99, %parallel_loop3A_108 : i32
      %parallel_loop3A_110 = arith.index_cast %parallel_loop3A_109 : i32 to index
      %parallel_loop3A_111 = tpu.vector_load %arg13[%parallel_loop3A_110] {strides = array<i32>} : memref<10016xf32, #tpu.memory_space<vmem>>, vector<16xf32>,
      tpu.vector_store %arg13[%parallel_loop3A_110], %broadcast_in_dim3A_41 {strides = array<i32>} : memref<10016xf32, #tpu.memory_space<vmem>>, vector<16xf32>,
      %parallel_loop3A_112 = arith.constant 16 : i32
      %parallel_loop3A_113 = arith.muli %parallel_loop3A_99, %parallel_loop3A_112 : i32
      %parallel_loop3A_114 = arith.index_cast %parallel_loop3A_113 : i32 to index
      %parallel_loop3A_115 = tpu.vector_load %arg14[%parallel_loop3A_114] {strides = array<i32>} : memref<10016xf32, #tpu.memory_space<vmem>>, vector<16xf32>,
      tpu.vector_store %arg14[%parallel_loop3A_114], %broadcast_in_dim3A_41 {strides = array<i32>} : memref<10016xf32, #tpu.memory_space<vmem>>, vector<16xf32>,
    } {sc.loop_unroll_factor = 4 : i64, sc.parallel_access}
    %iota3A = tpu.iota {dimensions = array<i32: 0>} : vector<16xi32>
    %add3A_44 = arith.constant 1 : i32
    %add3A_45 = vector.broadcast %add3A_44 : i32 to vector<16xi32>
    %add3A_46 = arith.addi %iota3A, %add3A_45 : vector<16xi32>
    %min3A = arith.constant 15 : i32
    %min3A_47 = vector.broadcast %min3A : i32 to vector<16xi32>
    %min3A_48 = arith.minsi %add3A_46, %min3A_47 : vector<16xi32>
    %sub3A_49 = arith.constant 1 : i32
    %sub3A_50 = vector.broadcast %sub3A_49 : i32 to vector<16xi32>
    %sub3A_51 = arith.subi %iota3A, %sub3A_50 : vector<16xi32>
    %max3A = arith.constant 0 : i32
    %max3A_52 = vector.broadcast %max3A : i32 to vector<16xi32>
    %max3A_53 = arith.maxsi %sub3A_51, %max3A_52 : vector<16xi32>
    %sub3A_54 = arith.constant 2 : i32
    %sub3A_55 = vector.broadcast %sub3A_54 : i32 to vector<16xi32>
    %sub3A_56 = arith.subi %iota3A, %sub3A_55 : vector<16xi32>
    %max3A_57 = arith.constant 0 : i32
    %max3A_58 = vector.broadcast %max3A_57 : i32 to vector<16xi32>
    %max3A_59 = arith.maxsi %sub3A_56, %max3A_58 : vector<16xi32>
    %sub3A_60 = arith.constant 4 : i32
    %sub3A_61 = vector.broadcast %sub3A_60 : i32 to vector<16xi32>
    %sub3A_62 = arith.subi %iota3A, %sub3A_61 : vector<16xi32>
    %max3A_63 = arith.constant 0 : i32
    %max3A_64 = vector.broadcast %max3A_63 : i32 to vector<16xi32>
    %max3A_65 = arith.maxsi %sub3A_62, %max3A_64 : vector<16xi32>
    %sub3A_66 = arith.constant 8 : i32
    %sub3A_67 = vector.broadcast %sub3A_66 : i32 to vector<16xi32>
    %sub3A_68 = arith.subi %iota3A, %sub3A_67 : vector<16xi32>
    %max3A_69 = arith.constant 0 : i32
    %max3A_70 = vector.broadcast %max3A_69 : i32 to vector<16xi32>
    %max3A_71 = arith.maxsi %sub3A_68, %max3A_70 : vector<16xi32>
    %mul3A_72 = arith.constant 80000 : i32
    %mul3A_73 = arith.muli %select_n3A_30, %mul3A_72 : i32
    %scan3A = arith.constant 0 : i32
    %scan3A_74 = arith.constant 0 : i32
    %scan3A_75 = arith.constant 25 : i32
    %scan3A_76 = arith.addi %scan3A_74, %scan3A_75 : i32
    %scan3A_77 = arith.constant 1 : i32
    scf.for %scan3A_99 = %scan3A_74 to %scan3A_76 step %scan3A_77  : i32 {
      %mul3A_100 = arith.constant 3200 : i32
      %mul3A_101 = arith.muli %scan3A_99, %mul3A_100 : i32
      %add3A_102 = arith.addi %mul3A_73, %mul3A_101 : i32
      %multiple_of3A = tpu.assume_multiple %add3A_102, 128 : i32
      %dma_start3A = tpu.memref_slice %arg4[%multiple_of3A] : memref<320000xi32, #tpu.memory_space<hbm>> -> memref<3200xi32, #tpu.memory_space<hbm>>
      %dma_start3A_103 = tpu.memref_slice %arg4[%multiple_of3A] : memref<320000xi32, #tpu.memory_space<hbm>> -> memref<3200xi32, #tpu.memory_space<hbm>>
      tpu.enqueue_dma source(%dma_start3A_103 : memref<3200xi32, #tpu.memory_space<hbm>>) target(%arg15 : memref<3200xi32, #tpu.memory_space<vmem>>) target_semaphore(%arg26 : memref<!tpu.dma_semaphore, #tpu.memory_space<semaphore_mem>>)
      %dma_start3A_104 = tpu.memref_slice %arg5[%multiple_of3A] : memref<320000xi32, #tpu.memory_space<hbm>> -> memref<3200xi32, #tpu.memory_space<hbm>>
      %dma_start3A_105 = tpu.memref_slice %arg5[%multiple_of3A] : memref<320000xi32, #tpu.memory_space<hbm>> -> memref<3200xi32, #tpu.memory_space<hbm>>
      tpu.enqueue_dma source(%dma_start3A_105 : memref<3200xi32, #tpu.memory_space<hbm>>) target(%arg16 : memref<3200xi32, #tpu.memory_space<vmem>>) target_semaphore(%arg26 : memref<!tpu.dma_semaphore, #tpu.memory_space<semaphore_mem>>)
      %add3A_106 = arith.constant 0 : i32
      %add3A_107 = arith.addi %mul3A_32, %add3A_106 : i32
      %dma_start3A_108 = tpu.memref_slice %arg3[%add3A_107, %multiple_of3A] : memref<32x320000xf32, #tpu.memory_space<hbm>> -> memref<1x3200xf32, #tpu.memory_space<hbm>>
      %dma_start3A_109 = tpu.memref_squeeze %dma_start3A_108 : memref<1x3200xf32, #tpu.memory_space<hbm>> -> memref<3200xf32, #tpu.memory_space<hbm>>
      %dma_start3A_110 = tpu.memref_slice %arg3[%add3A_107, %multiple_of3A] : memref<32x320000xf32, #tpu.memory_space<hbm>> -> memref<1x3200xf32, #tpu.memory_space<hbm>>
      %dma_start3A_111 = tpu.memref_squeeze %dma_start3A_110 : memref<1x3200xf32, #tpu.memory_space<hbm>> -> memref<3200xf32, #tpu.memory_space<hbm>>
      tpu.enqueue_dma source(%dma_start3A_111 : memref<3200xf32, #tpu.memory_space<hbm>>) target(%arg18 : memref<3200xf32, #tpu.memory_space<vmem>>) target_semaphore(%arg26 : memref<!tpu.dma_semaphore, #tpu.memory_space<semaphore_mem>>)
      %add3A_112 = arith.constant 1 : i32
      %add3A_113 = arith.addi %mul3A_32, %add3A_112 : i32
      %dma_start3A_114 = tpu.memref_slice %arg3[%add3A_113, %multiple_of3A] : memref<32x320000xf32, #tpu.memory_space<hbm>> -> memref<1x3200xf32, #tpu.memory_space<hbm>>
      %dma_start3A_115 = tpu.memref_squeeze %dma_start3A_114 : memref<1x3200xf32, #tpu.memory_space<hbm>> -> memref<3200xf32, #tpu.memory_space<hbm>>
      %dma_start3A_116 = tpu.memref_slice %arg3[%add3A_113, %multiple_of3A] : memref<32x320000xf32, #tpu.memory_space<hbm>> -> memref<1x3200xf32, #tpu.memory_space<hbm>>
      %dma_start3A_117 = tpu.memref_squeeze %dma_start3A_116 : memref<1x3200xf32, #tpu.memory_space<hbm>> -> memref<3200xf32, #tpu.memory_space<hbm>>
      tpu.enqueue_dma source(%dma_start3A_117 : memref<3200xf32, #tpu.memory_space<hbm>>) target(%arg19 : memref<3200xf32, #tpu.memory_space<vmem>>) target_semaphore(%arg26 : memref<!tpu.dma_semaphore, #tpu.memory_space<semaphore_mem>>)
      %add3A_118 = arith.constant 2 : i32
      %add3A_119 = arith.addi %mul3A_32, %add3A_118 : i32
      %dma_start3A_120 = tpu.memref_slice %arg3[%add3A_119, %multiple_of3A] : memref<32x320000xf32, #tpu.memory_space<hbm>> -> memref<1x3200xf32, #tpu.memory_space<hbm>>
      %dma_start3A_121 = tpu.memref_squeeze %dma_start3A_120 : memref<1x3200xf32, #tpu.memory_space<hbm>> -> memref<3200xf32, #tpu.memory_space<hbm>>
      %dma_start3A_122 = tpu.memref_slice %arg3[%add3A_119, %multiple_of3A] : memref<32x320000xf32, #tpu.memory_space<hbm>> -> memref<1x3200xf32, #tpu.memory_space<hbm>>
      %dma_start3A_123 = tpu.memref_squeeze %dma_start3A_122 : memref<1x3200xf32, #tpu.memory_space<hbm>> -> memref<3200xf32, #tpu.memory_space<hbm>>
      tpu.enqueue_dma source(%dma_start3A_123 : memref<3200xf32, #tpu.memory_space<hbm>>) target(%arg20 : memref<3200xf32, #tpu.memory_space<vmem>>) target_semaphore(%arg26 : memref<!tpu.dma_semaphore, #tpu.memory_space<semaphore_mem>>)
      %add3A_124 = arith.constant 3 : i32
      %add3A_125 = arith.addi %mul3A_32, %add3A_124 : i32
      %dma_start3A_126 = tpu.memref_slice %arg3[%add3A_125, %multiple_of3A] : memref<32x320000xf32, #tpu.memory_space<hbm>> -> memref<1x3200xf32, #tpu.memory_space<hbm>>
      %dma_start3A_127 = tpu.memref_squeeze %dma_start3A_126 : memref<1x3200xf32, #tpu.memory_space<hbm>> -> memref<3200xf32, #tpu.memory_space<hbm>>
      %dma_start3A_128 = tpu.memref_slice %arg3[%add3A_125, %multiple_of3A] : memref<32x320000xf32, #tpu.memory_space<hbm>> -> memref<1x3200xf32, #tpu.memory_space<hbm>>
      %dma_start3A_129 = tpu.memref_squeeze %dma_start3A_128 : memref<1x3200xf32, #tpu.memory_space<hbm>> -> memref<3200xf32, #tpu.memory_space<hbm>>
      tpu.enqueue_dma source(%dma_start3A_129 : memref<3200xf32, #tpu.memory_space<hbm>>) target(%arg21 : memref<3200xf32, #tpu.memory_space<vmem>>) target_semaphore(%arg26 : memref<!tpu.dma_semaphore, #tpu.memory_space<semaphore_mem>>)
      %dma_wait3A = tpu.memref_slice %arg4[%multiple_of3A] : memref<320000xi32, #tpu.memory_space<hbm>> -> memref<3200xi32, #tpu.memory_space<hbm>>
      %dma_wait3A_130 = tpu.memref_slice %arg4[%multiple_of3A] : memref<320000xi32, #tpu.memory_space<hbm>> -> memref<3200xi32, #tpu.memory_space<hbm>>
      tpu.wait_dma2 semaphore(%arg26 : memref<!tpu.dma_semaphore, #tpu.memory_space<semaphore_mem>>) src(%dma_wait3A_130 : memref<3200xi32, #tpu.memory_space<hbm>>) dst(%arg15 : memref<3200xi32, #tpu.memory_space<vmem>>)
      %dma_wait3A_131 = tpu.memref_slice %arg5[%multiple_of3A] : memref<320000xi32, #tpu.memory_space<hbm>> -> memref<3200xi32, #tpu.memory_space<hbm>>
      %dma_wait3A_132 = tpu.memref_slice %arg5[%multiple_of3A] : memref<320000xi32, #tpu.memory_space<hbm>> -> memref<3200xi32, #tpu.memory_space<hbm>>
      tpu.wait_dma2 semaphore(%arg26 : memref<!tpu.dma_semaphore, #tpu.memory_space<semaphore_mem>>) src(%dma_wait3A_132 : memref<3200xi32, #tpu.memory_space<hbm>>) dst(%arg16 : memref<3200xi32, #tpu.memory_space<vmem>>)
      %dma_wait3A_133 = tpu.memref_slice %arg3[%add3A_107, %multiple_of3A] : memref<32x320000xf32, #tpu.memory_space<hbm>> -> memref<1x3200xf32, #tpu.memory_space<hbm>>
      %dma_wait3A_134 = tpu.memref_squeeze %dma_wait3A_133 : memref<1x3200xf32, #tpu.memory_space<hbm>> -> memref<3200xf32, #tpu.memory_space<hbm>>
      %dma_wait3A_135 = tpu.memref_slice %arg3[%add3A_107, %multiple_of3A] : memref<32x320000xf32, #tpu.memory_space<hbm>> -> memref<1x3200xf32, #tpu.memory_space<hbm>>
      %dma_wait3A_136 = tpu.memref_squeeze %dma_wait3A_135 : memref<1x3200xf32, #tpu.memory_space<hbm>> -> memref<3200xf32, #tpu.memory_space<hbm>>
      tpu.wait_dma2 semaphore(%arg26 : memref<!tpu.dma_semaphore, #tpu.memory_space<semaphore_mem>>) src(%dma_wait3A_136 : memref<3200xf32, #tpu.memory_space<hbm>>) dst(%arg18 : memref<3200xf32, #tpu.memory_space<vmem>>)
      %dma_wait3A_137 = tpu.memref_slice %arg3[%add3A_113, %multiple_of3A] : memref<32x320000xf32, #tpu.memory_space<hbm>> -> memref<1x3200xf32, #tpu.memory_space<hbm>>
      %dma_wait3A_138 = tpu.memref_squeeze %dma_wait3A_137 : memref<1x3200xf32, #tpu.memory_space<hbm>> -> memref<3200xf32, #tpu.memory_space<hbm>>
      %dma_wait3A_139 = tpu.memref_slice %arg3[%add3A_113, %multiple_of3A] : memref<32x320000xf32, #tpu.memory_space<hbm>> -> memref<1x3200xf32, #tpu.memory_space<hbm>>
      %dma_wait3A_140 = tpu.memref_squeeze %dma_wait3A_139 : memref<1x3200xf32, #tpu.memory_space<hbm>> -> memref<3200xf32, #tpu.memory_space<hbm>>
      tpu.wait_dma2 semaphore(%arg26 : memref<!tpu.dma_semaphore, #tpu.memory_space<semaphore_mem>>) src(%dma_wait3A_140 : memref<3200xf32, #tpu.memory_space<hbm>>) dst(%arg19 : memref<3200xf32, #tpu.memory_space<vmem>>)
      %dma_wait3A_141 = tpu.memref_slice %arg3[%add3A_119, %multiple_of3A] : memref<32x320000xf32, #tpu.memory_space<hbm>> -> memref<1x3200xf32, #tpu.memory_space<hbm>>
      %dma_wait3A_142 = tpu.memref_squeeze %dma_wait3A_141 : memref<1x3200xf32, #tpu.memory_space<hbm>> -> memref<3200xf32, #tpu.memory_space<hbm>>
      %dma_wait3A_143 = tpu.memref_slice %arg3[%add3A_119, %multiple_of3A] : memref<32x320000xf32, #tpu.memory_space<hbm>> -> memref<1x3200xf32, #tpu.memory_space<hbm>>
      %dma_wait3A_144 = tpu.memref_squeeze %dma_wait3A_143 : memref<1x3200xf32, #tpu.memory_space<hbm>> -> memref<3200xf32, #tpu.memory_space<hbm>>
      tpu.wait_dma2 semaphore(%arg26 : memref<!tpu.dma_semaphore, #tpu.memory_space<semaphore_mem>>) src(%dma_wait3A_144 : memref<3200xf32, #tpu.memory_space<hbm>>) dst(%arg20 : memref<3200xf32, #tpu.memory_space<vmem>>)
      %dma_wait3A_145 = tpu.memref_slice %arg3[%add3A_125, %multiple_of3A] : memref<32x320000xf32, #tpu.memory_space<hbm>> -> memref<1x3200xf32, #tpu.memory_space<hbm>>
      %dma_wait3A_146 = tpu.memref_squeeze %dma_wait3A_145 : memref<1x3200xf32, #tpu.memory_space<hbm>> -> memref<3200xf32, #tpu.memory_space<hbm>>
      %dma_wait3A_147 = tpu.memref_slice %arg3[%add3A_125, %multiple_of3A] : memref<32x320000xf32, #tpu.memory_space<hbm>> -> memref<1x3200xf32, #tpu.memory_space<hbm>>
      %dma_wait3A_148 = tpu.memref_squeeze %dma_wait3A_147 : memref<1x3200xf32, #tpu.memory_space<hbm>> -> memref<3200xf32, #tpu.memory_space<hbm>>
      tpu.wait_dma2 semaphore(%arg26 : memref<!tpu.dma_semaphore, #tpu.memory_space<semaphore_mem>>) src(%dma_wait3A_148 : memref<3200xf32, #tpu.memory_space<hbm>>) dst(%arg21 : memref<3200xf32, #tpu.memory_space<vmem>>)
      %parallel_loop3A_149 = arith.constant 0 : i32
      %parallel_loop3A_150 = arith.constant 200 : i32
      %parallel_loop3A_151 = arith.constant 1 : i32
      scf.for %parallel_loop3A_158 = %parallel_loop3A_149 to %parallel_loop3A_150 step %parallel_loop3A_151  : i32 {
        %parallel_loop3A_159 = arith.constant 16 : i32
        %parallel_loop3A_160 = arith.muli %parallel_loop3A_158, %parallel_loop3A_159 : i32
        %parallel_loop3A_161 = arith.index_cast %parallel_loop3A_160 : i32 to index
        %parallel_loop3A_162 = tpu.vector_load %arg15[%parallel_loop3A_161] {strides = array<i32>} : memref<3200xi32, #tpu.memory_space<vmem>>, vector<16xi32>,
        %parallel_loop3A_163 = arith.index_cast %parallel_loop3A_160 : i32 to index
        %parallel_loop3A_164 = tpu.vector_load %arg16[%parallel_loop3A_163] {strides = array<i32>} : memref<3200xi32, #tpu.memory_space<vmem>>, vector<16xi32>,
        %parallel_loop3A_165 = arith.constant dense<true> : vector<16xi1>
        %parallel_loop3A_166 = arith.constant -2147483648 : i32
        %parallel_loop3A_167 = vector.broadcast %parallel_loop3A_166 : i32 to vector<16xi32>
        %parallel_loop3A_168 = arith.xori %parallel_loop3A_164, %parallel_loop3A_167 : vector<16xi32>
        %parallel_loop3A_169, %parallel_loop3A_170, %parallel_loop3A_171 = tpu.sort %parallel_loop3A_168, %iota3A masked %parallel_loop3A_165 : (vector<16xi32>, vector<16xi32>, vector<16xi1>) -> (vector<16xi1>, vector<16xi32>, vector<16xi32>)
        %parallel_loop3A_172 = arith.xori %parallel_loop3A_170, %parallel_loop3A_167 : vector<16xi32>
        %parallel_loop3A_173 = vector.shape_cast %min3A_48 : vector<16xi32> to vector<16x1xi32>
        %parallel_loop3A_174 = vector.shape_cast %parallel_loop3A_173 : vector<16x1xi32> to vector<16xi32>
        %parallel_loop3A_175 = tpu.dynamic_gather %parallel_loop3A_172[%parallel_loop3A_174] in [0] : vector<16xi32>, vector<16xi32> -> vector<16xi32>
        %parallel_loop3A_176 = arith.cmpi ne, %parallel_loop3A_172, %parallel_loop3A_175 : vector<16xi32>
        %parallel_loop3A_177 = arith.constant 15 : i32
        %parallel_loop3A_178 = vector.broadcast %parallel_loop3A_177 : i32 to vector<16xi32>
        %parallel_loop3A_179 = arith.cmpi eq, %iota3A, %parallel_loop3A_178 : vector<16xi32>
        %parallel_loop3A_180 = arith.ori %parallel_loop3A_176, %parallel_loop3A_179 : vector<16xi1>
        %parallel_loop3A_181 = arith.constant 10000 : i32
        %parallel_loop3A_182 = vector.broadcast %parallel_loop3A_181 : i32 to vector<16xi32>
        %parallel_loop3A_183 = arith.addi %parallel_loop3A_182, %iota3A : vector<16xi32>
        %parallel_loop3A_184 = arith.select %parallel_loop3A_180, %parallel_loop3A_172, %parallel_loop3A_183 : vector<16xi1>, vector<16xi32>
        %parallel_loop3A_185 = arith.index_cast %parallel_loop3A_160 : i32 to index
        %parallel_loop3A_186 = tpu.vector_load %arg17[%parallel_loop3A_185] {strides = array<i32>} : memref<3200xi32, #tpu.memory_space<vmem>>, vector<16xi32>,
        tpu.vector_store %arg17[%parallel_loop3A_185], %parallel_loop3A_184 {strides = array<i32>} : memref<3200xi32, #tpu.memory_space<vmem>>, vector<16xi32>,
        %parallel_loop3A_187 = vector.shape_cast %max3A_53 : vector<16xi32> to vector<16x1xi32>
        %parallel_loop3A_188 = vector.shape_cast %parallel_loop3A_187 : vector<16x1xi32> to vector<16xi32>
        %parallel_loop3A_189 = tpu.dynamic_gather %parallel_loop3A_172[%parallel_loop3A_188] in [0] : vector<16xi32>, vector<16xi32> -> vector<16xi32>
        %parallel_loop3A_190 = arith.cmpi eq, %parallel_loop3A_172, %parallel_loop3A_189 : vector<16xi32>
        %parallel_loop3A_191 = arith.constant 1 : i32
        %parallel_loop3A_192 = vector.broadcast %parallel_loop3A_191 : i32 to vector<16xi32>
        %parallel_loop3A_193 = arith.cmpi sge, %iota3A, %parallel_loop3A_192 : vector<16xi32>
        %parallel_loop3A_194 = arith.andi %parallel_loop3A_190, %parallel_loop3A_193 : vector<16xi1>
        %parallel_loop3A_195 = vector.shape_cast %max3A_59 : vector<16xi32> to vector<16x1xi32>
        %parallel_loop3A_196 = vector.shape_cast %parallel_loop3A_195 : vector<16x1xi32> to vector<16xi32>
        %parallel_loop3A_197 = tpu.dynamic_gather %parallel_loop3A_172[%parallel_loop3A_196] in [0] : vector<16xi32>, vector<16xi32> -> vector<16xi32>
        %parallel_loop3A_198 = arith.cmpi eq, %parallel_loop3A_172, %parallel_loop3A_197 : vector<16xi32>
        %parallel_loop3A_199 = arith.constant 2 : i32
        %parallel_loop3A_200 = vector.broadcast %parallel_loop3A_199 : i32 to vector<16xi32>
        %parallel_loop3A_201 = arith.cmpi sge, %iota3A, %parallel_loop3A_200 : vector<16xi32>
        %parallel_loop3A_202 = arith.andi %parallel_loop3A_198, %parallel_loop3A_201 : vector<16xi1>
        %parallel_loop3A_203 = vector.shape_cast %max3A_65 : vector<16xi32> to vector<16x1xi32>
        %parallel_loop3A_204 = vector.shape_cast %parallel_loop3A_203 : vector<16x1xi32> to vector<16xi32>
        %parallel_loop3A_205 = tpu.dynamic_gather %parallel_loop3A_172[%parallel_loop3A_204] in [0] : vector<16xi32>, vector<16xi32> -> vector<16xi32>
        %parallel_loop3A_206 = arith.cmpi eq, %parallel_loop3A_172, %parallel_loop3A_205 : vector<16xi32>
        %parallel_loop3A_207 = arith.constant 4 : i32
        %parallel_loop3A_208 = vector.broadcast %parallel_loop3A_207 : i32 to vector<16xi32>
        %parallel_loop3A_209 = arith.cmpi sge, %iota3A, %parallel_loop3A_208 : vector<16xi32>
        %parallel_loop3A_210 = arith.andi %parallel_loop3A_206, %parallel_loop3A_209 : vector<16xi1>
        %parallel_loop3A_211 = vector.shape_cast %max3A_71 : vector<16xi32> to vector<16x1xi32>
        %parallel_loop3A_212 = vector.shape_cast %parallel_loop3A_211 : vector<16x1xi32> to vector<16xi32>
        %parallel_loop3A_213 = tpu.dynamic_gather %parallel_loop3A_172[%parallel_loop3A_212] in [0] : vector<16xi32>, vector<16xi32> -> vector<16xi32>
        %parallel_loop3A_214 = arith.cmpi eq, %parallel_loop3A_172, %parallel_loop3A_213 : vector<16xi32>
        %parallel_loop3A_215 = arith.constant 8 : i32
        %parallel_loop3A_216 = vector.broadcast %parallel_loop3A_215 : i32 to vector<16xi32>
        %parallel_loop3A_217 = arith.cmpi sge, %iota3A, %parallel_loop3A_216 : vector<16xi32>
        %parallel_loop3A_218 = arith.andi %parallel_loop3A_214, %parallel_loop3A_217 : vector<16xi1>
        %parallel_loop3A_219 = tpu.vector_load_idx %arg7[%parallel_loop3A_162] : memref<10000xf32, #tpu.memory_space<vmem>>[vector<16xi32>], vector<16xf32>,
        %parallel_loop3A_220 = arith.index_cast %parallel_loop3A_160 : i32 to index
        %parallel_loop3A_221 = tpu.vector_load %arg18[%parallel_loop3A_220] {strides = array<i32>} : memref<3200xf32, #tpu.memory_space<vmem>>, vector<16xf32>,
        %parallel_loop3A_222 = arith.addf %parallel_loop3A_219, %parallel_loop3A_221 : vector<16xf32>
        %parallel_loop3A_223 = vector.shape_cast %parallel_loop3A_171 : vector<16xi32> to vector<16x1xi32>
        %parallel_loop3A_224 = vector.shape_cast %parallel_loop3A_223 : vector<16x1xi32> to vector<16xi32>
        %parallel_loop3A_225 = tpu.dynamic_gather %parallel_loop3A_222[%parallel_loop3A_224] in [0] : vector<16xf32>, vector<16xi32> -> vector<16xf32>
        %parallel_loop3A_226 = vector.shape_cast %max3A_53 : vector<16xi32> to vector<16x1xi32>
        %parallel_loop3A_227 = vector.shape_cast %parallel_loop3A_226 : vector<16x1xi32> to vector<16xi32>
        %parallel_loop3A_228 = tpu.dynamic_gather %parallel_loop3A_225[%parallel_loop3A_227] in [0] : vector<16xf32>, vector<16xi32> -> vector<16xf32>
        %parallel_loop3A_229 = arith.constant 0xFF800000 : f32
        %parallel_loop3A_230 = vector.broadcast %parallel_loop3A_229 : f32 to vector<16xf32>
        %parallel_loop3A_231 = arith.select %parallel_loop3A_194, %parallel_loop3A_228, %parallel_loop3A_230 : vector<16xi1>, vector<16xf32>
        %parallel_loop3A_232 = arith.maximumf %parallel_loop3A_225, %parallel_loop3A_231 : vector<16xf32>
        %parallel_loop3A_233 = vector.shape_cast %max3A_59 : vector<16xi32> to vector<16x1xi32>
        %parallel_loop3A_234 = vector.shape_cast %parallel_loop3A_233 : vector<16x1xi32> to vector<16xi32>
        %parallel_loop3A_235 = tpu.dynamic_gather %parallel_loop3A_232[%parallel_loop3A_234] in [0] : vector<16xf32>, vector<16xi32> -> vector<16xf32>
        %parallel_loop3A_236 = arith.constant 0xFF800000 : f32
        %parallel_loop3A_237 = vector.broadcast %parallel_loop3A_236 : f32 to vector<16xf32>
        %parallel_loop3A_238 = arith.select %parallel_loop3A_202, %parallel_loop3A_235, %parallel_loop3A_237 : vector<16xi1>, vector<16xf32>
        %parallel_loop3A_239 = arith.maximumf %parallel_loop3A_232, %parallel_loop3A_238 : vector<16xf32>
        %parallel_loop3A_240 = vector.shape_cast %max3A_65 : vector<16xi32> to vector<16x1xi32>
        %parallel_loop3A_241 = vector.shape_cast %parallel_loop3A_240 : vector<16x1xi32> to vector<16xi32>
        %parallel_loop3A_242 = tpu.dynamic_gather %parallel_loop3A_239[%parallel_loop3A_241] in [0] : vector<16xf32>, vector<16xi32> -> vector<16xf32>
        %parallel_loop3A_243 = arith.constant 0xFF800000 : f32
        %parallel_loop3A_244 = vector.broadcast %parallel_loop3A_243 : f32 to vector<16xf32>
        %parallel_loop3A_245 = arith.select %parallel_loop3A_210, %parallel_loop3A_242, %parallel_loop3A_244 : vector<16xi1>, vector<16xf32>
        %parallel_loop3A_246 = arith.maximumf %parallel_loop3A_239, %parallel_loop3A_245 : vector<16xf32>
        %parallel_loop3A_247 = vector.shape_cast %max3A_71 : vector<16xi32> to vector<16x1xi32>
        %parallel_loop3A_248 = vector.shape_cast %parallel_loop3A_247 : vector<16x1xi32> to vector<16xi32>
        %parallel_loop3A_249 = tpu.dynamic_gather %parallel_loop3A_246[%parallel_loop3A_248] in [0] : vector<16xf32>, vector<16xi32> -> vector<16xf32>
        %parallel_loop3A_250 = arith.constant 0xFF800000 : f32
        %parallel_loop3A_251 = vector.broadcast %parallel_loop3A_250 : f32 to vector<16xf32>
        %parallel_loop3A_252 = arith.select %parallel_loop3A_218, %parallel_loop3A_249, %parallel_loop3A_251 : vector<16xi1>, vector<16xf32>
        %parallel_loop3A_253 = arith.maximumf %parallel_loop3A_246, %parallel_loop3A_252 : vector<16xf32>
        %parallel_loop3A_254 = arith.index_cast %parallel_loop3A_160 : i32 to index
        %parallel_loop3A_255 = tpu.vector_load %arg22[%parallel_loop3A_254] {strides = array<i32>} : memref<3200xf32, #tpu.memory_space<vmem>>, vector<16xf32>,
        tpu.vector_store %arg22[%parallel_loop3A_254], %parallel_loop3A_253 {strides = array<i32>} : memref<3200xf32, #tpu.memory_space<vmem>>, vector<16xf32>,
        %parallel_loop3A_256 = tpu.vector_load_idx %arg8[%parallel_loop3A_162] : memref<10000xf32, #tpu.memory_space<vmem>>[vector<16xi32>], vector<16xf32>,
        %parallel_loop3A_257 = arith.index_cast %parallel_loop3A_160 : i32 to index
        %parallel_loop3A_258 = tpu.vector_load %arg19[%parallel_loop3A_257] {strides = array<i32>} : memref<3200xf32, #tpu.memory_space<vmem>>, vector<16xf32>,
        %parallel_loop3A_259 = arith.addf %parallel_loop3A_256, %parallel_loop3A_258 : vector<16xf32>
        %parallel_loop3A_260 = vector.shape_cast %parallel_loop3A_171 : vector<16xi32> to vector<16x1xi32>
        %parallel_loop3A_261 = vector.shape_cast %parallel_loop3A_260 : vector<16x1xi32> to vector<16xi32>
        %parallel_loop3A_262 = tpu.dynamic_gather %parallel_loop3A_259[%parallel_loop3A_261] in [0] : vector<16xf32>, vector<16xi32> -> vector<16xf32>
        %parallel_loop3A_263 = vector.shape_cast %max3A_53 : vector<16xi32> to vector<16x1xi32>
        %parallel_loop3A_264 = vector.shape_cast %parallel_loop3A_263 : vector<16x1xi32> to vector<16xi32>
        %parallel_loop3A_265 = tpu.dynamic_gather %parallel_loop3A_262[%parallel_loop3A_264] in [0] : vector<16xf32>, vector<16xi32> -> vector<16xf32>
        %parallel_loop3A_266 = arith.constant 0xFF800000 : f32
        %parallel_loop3A_267 = vector.broadcast %parallel_loop3A_266 : f32 to vector<16xf32>
        %parallel_loop3A_268 = arith.select %parallel_loop3A_194, %parallel_loop3A_265, %parallel_loop3A_267 : vector<16xi1>, vector<16xf32>
        %parallel_loop3A_269 = arith.maximumf %parallel_loop3A_262, %parallel_loop3A_268 : vector<16xf32>
        %parallel_loop3A_270 = vector.shape_cast %max3A_59 : vector<16xi32> to vector<16x1xi32>
        %parallel_loop3A_271 = vector.shape_cast %parallel_loop3A_270 : vector<16x1xi32> to vector<16xi32>
        %parallel_loop3A_272 = tpu.dynamic_gather %parallel_loop3A_269[%parallel_loop3A_271] in [0] : vector<16xf32>, vector<16xi32> -> vector<16xf32>
        %parallel_loop3A_273 = arith.constant 0xFF800000 : f32
        %parallel_loop3A_274 = vector.broadcast %parallel_loop3A_273 : f32 to vector<16xf32>
        %parallel_loop3A_275 = arith.select %parallel_loop3A_202, %parallel_loop3A_272, %parallel_loop3A_274 : vector<16xi1>, vector<16xf32>
        %parallel_loop3A_276 = arith.maximumf %parallel_loop3A_269, %parallel_loop3A_275 : vector<16xf32>
        %parallel_loop3A_277 = vector.shape_cast %max3A_65 : vector<16xi32> to vector<16x1xi32>
        %parallel_loop3A_278 = vector.shape_cast %parallel_loop3A_277 : vector<16x1xi32> to vector<16xi32>
        %parallel_loop3A_279 = tpu.dynamic_gather %parallel_loop3A_276[%parallel_loop3A_278] in [0] : vector<16xf32>, vector<16xi32> -> vector<16xf32>
        %parallel_loop3A_280 = arith.constant 0xFF800000 : f32
        %parallel_loop3A_281 = vector.broadcast %parallel_loop3A_280 : f32 to vector<16xf32>
        %parallel_loop3A_282 = arith.select %parallel_loop3A_210, %parallel_loop3A_279, %parallel_loop3A_281 : vector<16xi1>, vector<16xf32>
        %parallel_loop3A_283 = arith.maximumf %parallel_loop3A_276, %parallel_loop3A_282 : vector<16xf32>
        %parallel_loop3A_284 = vector.shape_cast %max3A_71 : vector<16xi32> to vector<16x1xi32>
        %parallel_loop3A_285 = vector.shape_cast %parallel_loop3A_284 : vector<16x1xi32> to vector<16xi32>
        %parallel_loop3A_286 = tpu.dynamic_gather %parallel_loop3A_283[%parallel_loop3A_285] in [0] : vector<16xf32>, vector<16xi32> -> vector<16xf32>
        %parallel_loop3A_287 = arith.constant 0xFF800000 : f32
        %parallel_loop3A_288 = vector.broadcast %parallel_loop3A_287 : f32 to vector<16xf32>
        %parallel_loop3A_289 = arith.select %parallel_loop3A_218, %parallel_loop3A_286, %parallel_loop3A_288 : vector<16xi1>, vector<16xf32>
        %parallel_loop3A_290 = arith.maximumf %parallel_loop3A_283, %parallel_loop3A_289 : vector<16xf32>
        %parallel_loop3A_291 = arith.index_cast %parallel_loop3A_160 : i32 to index
        %parallel_loop3A_292 = tpu.vector_load %arg23[%parallel_loop3A_291] {strides = array<i32>} : memref<3200xf32, #tpu.memory_space<vmem>>, vector<16xf32>,
        tpu.vector_store %arg23[%parallel_loop3A_291], %parallel_loop3A_290 {strides = array<i32>} : memref<3200xf32, #tpu.memory_space<vmem>>, vector<16xf32>,
        %parallel_loop3A_293 = tpu.vector_load_idx %arg9[%parallel_loop3A_162] : memref<10000xf32, #tpu.memory_space<vmem>>[vector<16xi32>], vector<16xf32>,
        %parallel_loop3A_294 = arith.index_cast %parallel_loop3A_160 : i32 to index
        %parallel_loop3A_295 = tpu.vector_load %arg20[%parallel_loop3A_294] {strides = array<i32>} : memref<3200xf32, #tpu.memory_space<vmem>>, vector<16xf32>,
        %parallel_loop3A_296 = arith.addf %parallel_loop3A_293, %parallel_loop3A_295 : vector<16xf32>
        %parallel_loop3A_297 = vector.shape_cast %parallel_loop3A_171 : vector<16xi32> to vector<16x1xi32>
        %parallel_loop3A_298 = vector.shape_cast %parallel_loop3A_297 : vector<16x1xi32> to vector<16xi32>
        %parallel_loop3A_299 = tpu.dynamic_gather %parallel_loop3A_296[%parallel_loop3A_298] in [0] : vector<16xf32>, vector<16xi32> -> vector<16xf32>
        %parallel_loop3A_300 = vector.shape_cast %max3A_53 : vector<16xi32> to vector<16x1xi32>
        %parallel_loop3A_301 = vector.shape_cast %parallel_loop3A_300 : vector<16x1xi32> to vector<16xi32>
        %parallel_loop3A_302 = tpu.dynamic_gather %parallel_loop3A_299[%parallel_loop3A_301] in [0] : vector<16xf32>, vector<16xi32> -> vector<16xf32>
        %parallel_loop3A_303 = arith.constant 0xFF800000 : f32
        %parallel_loop3A_304 = vector.broadcast %parallel_loop3A_303 : f32 to vector<16xf32>
        %parallel_loop3A_305 = arith.select %parallel_loop3A_194, %parallel_loop3A_302, %parallel_loop3A_304 : vector<16xi1>, vector<16xf32>
        %parallel_loop3A_306 = arith.maximumf %parallel_loop3A_299, %parallel_loop3A_305 : vector<16xf32>
        %parallel_loop3A_307 = vector.shape_cast %max3A_59 : vector<16xi32> to vector<16x1xi32>
        %parallel_loop3A_308 = vector.shape_cast %parallel_loop3A_307 : vector<16x1xi32> to vector<16xi32>
        %parallel_loop3A_309 = tpu.dynamic_gather %parallel_loop3A_306[%parallel_loop3A_308] in [0] : vector<16xf32>, vector<16xi32> -> vector<16xf32>
        %parallel_loop3A_310 = arith.constant 0xFF800000 : f32
        %parallel_loop3A_311 = vector.broadcast %parallel_loop3A_310 : f32 to vector<16xf32>
        %parallel_loop3A_312 = arith.select %parallel_loop3A_202, %parallel_loop3A_309, %parallel_loop3A_311 : vector<16xi1>, vector<16xf32>
        %parallel_loop3A_313 = arith.maximumf %parallel_loop3A_306, %parallel_loop3A_312 : vector<16xf32>
        %parallel_loop3A_314 = vector.shape_cast %max3A_65 : vector<16xi32> to vector<16x1xi32>
        %parallel_loop3A_315 = vector.shape_cast %parallel_loop3A_314 : vector<16x1xi32> to vector<16xi32>
        %parallel_loop3A_316 = tpu.dynamic_gather %parallel_loop3A_313[%parallel_loop3A_315] in [0] : vector<16xf32>, vector<16xi32> -> vector<16xf32>
        %parallel_loop3A_317 = arith.constant 0xFF800000 : f32
        %parallel_loop3A_318 = vector.broadcast %parallel_loop3A_317 : f32 to vector<16xf32>
        %parallel_loop3A_319 = arith.select %parallel_loop3A_210, %parallel_loop3A_316, %parallel_loop3A_318 : vector<16xi1>, vector<16xf32>
        %parallel_loop3A_320 = arith.maximumf %parallel_loop3A_313, %parallel_loop3A_319 : vector<16xf32>
        %parallel_loop3A_321 = vector.shape_cast %max3A_71 : vector<16xi32> to vector<16x1xi32>
        %parallel_loop3A_322 = vector.shape_cast %parallel_loop3A_321 : vector<16x1xi32> to vector<16xi32>
        %parallel_loop3A_323 = tpu.dynamic_gather %parallel_loop3A_320[%parallel_loop3A_322] in [0] : vector<16xf32>, vector<16xi32> -> vector<16xf32>
        %parallel_loop3A_324 = arith.constant 0xFF800000 : f32
        %parallel_loop3A_325 = vector.broadcast %parallel_loop3A_324 : f32 to vector<16xf32>
        %parallel_loop3A_326 = arith.select %parallel_loop3A_218, %parallel_loop3A_323, %parallel_loop3A_325 : vector<16xi1>, vector<16xf32>
        %parallel_loop3A_327 = arith.maximumf %parallel_loop3A_320, %parallel_loop3A_326 : vector<16xf32>
        %parallel_loop3A_328 = arith.index_cast %parallel_loop3A_160 : i32 to index
        %parallel_loop3A_329 = tpu.vector_load %arg24[%parallel_loop3A_328] {strides = array<i32>} : memref<3200xf32, #tpu.memory_space<vmem>>, vector<16xf32>,
        tpu.vector_store %arg24[%parallel_loop3A_328], %parallel_loop3A_327 {strides = array<i32>} : memref<3200xf32, #tpu.memory_space<vmem>>, vector<16xf32>,
        %parallel_loop3A_330 = tpu.vector_load_idx %arg10[%parallel_loop3A_162] : memref<10000xf32, #tpu.memory_space<vmem>>[vector<16xi32>], vector<16xf32>,
        %parallel_loop3A_331 = arith.index_cast %parallel_loop3A_160 : i32 to index
        %parallel_loop3A_332 = tpu.vector_load %arg21[%parallel_loop3A_331] {strides = array<i32>} : memref<3200xf32, #tpu.memory_space<vmem>>, vector<16xf32>,
        %parallel_loop3A_333 = arith.addf %parallel_loop3A_330, %parallel_loop3A_332 : vector<16xf32>
        %parallel_loop3A_334 = vector.shape_cast %parallel_loop3A_171 : vector<16xi32> to vector<16x1xi32>
        %parallel_loop3A_335 = vector.shape_cast %parallel_loop3A_334 : vector<16x1xi32> to vector<16xi32>
        %parallel_loop3A_336 = tpu.dynamic_gather %parallel_loop3A_333[%parallel_loop3A_335] in [0] : vector<16xf32>, vector<16xi32> -> vector<16xf32>
        %parallel_loop3A_337 = vector.shape_cast %max3A_53 : vector<16xi32> to vector<16x1xi32>
        %parallel_loop3A_338 = vector.shape_cast %parallel_loop3A_337 : vector<16x1xi32> to vector<16xi32>
        %parallel_loop3A_339 = tpu.dynamic_gather %parallel_loop3A_336[%parallel_loop3A_338] in [0] : vector<16xf32>, vector<16xi32> -> vector<16xf32>
        %parallel_loop3A_340 = arith.constant 0xFF800000 : f32
        %parallel_loop3A_341 = vector.broadcast %parallel_loop3A_340 : f32 to vector<16xf32>
        %parallel_loop3A_342 = arith.select %parallel_loop3A_194, %parallel_loop3A_339, %parallel_loop3A_341 : vector<16xi1>, vector<16xf32>
        %parallel_loop3A_343 = arith.maximumf %parallel_loop3A_336, %parallel_loop3A_342 : vector<16xf32>
        %parallel_loop3A_344 = vector.shape_cast %max3A_59 : vector<16xi32> to vector<16x1xi32>
        %parallel_loop3A_345 = vector.shape_cast %parallel_loop3A_344 : vector<16x1xi32> to vector<16xi32>
        %parallel_loop3A_346 = tpu.dynamic_gather %parallel_loop3A_343[%parallel_loop3A_345] in [0] : vector<16xf32>, vector<16xi32> -> vector<16xf32>
        %parallel_loop3A_347 = arith.constant 0xFF800000 : f32
        %parallel_loop3A_348 = vector.broadcast %parallel_loop3A_347 : f32 to vector<16xf32>
        %parallel_loop3A_349 = arith.select %parallel_loop3A_202, %parallel_loop3A_346, %parallel_loop3A_348 : vector<16xi1>, vector<16xf32>
        %parallel_loop3A_350 = arith.maximumf %parallel_loop3A_343, %parallel_loop3A_349 : vector<16xf32>
        %parallel_loop3A_351 = vector.shape_cast %max3A_65 : vector<16xi32> to vector<16x1xi32>
        %parallel_loop3A_352 = vector.shape_cast %parallel_loop3A_351 : vector<16x1xi32> to vector<16xi32>
        %parallel_loop3A_353 = tpu.dynamic_gather %parallel_loop3A_350[%parallel_loop3A_352] in [0] : vector<16xf32>, vector<16xi32> -> vector<16xf32>
        %parallel_loop3A_354 = arith.constant 0xFF800000 : f32
        %parallel_loop3A_355 = vector.broadcast %parallel_loop3A_354 : f32 to vector<16xf32>
        %parallel_loop3A_356 = arith.select %parallel_loop3A_210, %parallel_loop3A_353, %parallel_loop3A_355 : vector<16xi1>, vector<16xf32>
        %parallel_loop3A_357 = arith.maximumf %parallel_loop3A_350, %parallel_loop3A_356 : vector<16xf32>
        %parallel_loop3A_358 = vector.shape_cast %max3A_71 : vector<16xi32> to vector<16x1xi32>
        %parallel_loop3A_359 = vector.shape_cast %parallel_loop3A_358 : vector<16x1xi32> to vector<16xi32>
        %parallel_loop3A_360 = tpu.dynamic_gather %parallel_loop3A_357[%parallel_loop3A_359] in [0] : vector<16xf32>, vector<16xi32> -> vector<16xf32>
        %parallel_loop3A_361 = arith.constant 0xFF800000 : f32
        %parallel_loop3A_362 = vector.broadcast %parallel_loop3A_361 : f32 to vector<16xf32>
        %parallel_loop3A_363 = arith.select %parallel_loop3A_218, %parallel_loop3A_360, %parallel_loop3A_362 : vector<16xi1>, vector<16xf32>
        %parallel_loop3A_364 = arith.maximumf %parallel_loop3A_357, %parallel_loop3A_363 : vector<16xf32>
        %parallel_loop3A_365 = arith.index_cast %parallel_loop3A_160 : i32 to index
        %parallel_loop3A_366 = tpu.vector_load %arg25[%parallel_loop3A_365] {strides = array<i32>} : memref<3200xf32, #tpu.memory_space<vmem>>, vector<16xf32>,
        tpu.vector_store %arg25[%parallel_loop3A_365], %parallel_loop3A_364 {strides = array<i32>} : memref<3200xf32, #tpu.memory_space<vmem>>, vector<16xf32>,
      } {sc.loop_unroll_factor = 2 : i64, sc.parallel_access}
      %scan3A_152 = arith.constant 0 : i32
      %scan3A_153 = arith.constant 0 : i32
      %scan3A_154 = arith.constant 100 : i32
      %scan3A_155 = arith.addi %scan3A_153, %scan3A_154 : i32
      %scan3A_156 = arith.constant 1 : i32
      scf.for %scan3A_158 = %scan3A_153 to %scan3A_155 step %scan3A_156  : i32 {
        %mul3A_159 = arith.constant 2 : i32
        %mul3A_160 = arith.muli %scan3A_158, %mul3A_159 : i32
        %add3A_161 = arith.constant 0 : i32
        %add3A_162 = arith.addi %mul3A_160, %add3A_161 : i32
        %mul3A_163 = arith.constant 16 : i32
        %mul3A_164 = arith.muli %add3A_162, %mul3A_163 : i32
        %get3A = arith.index_cast %mul3A_164 : i32 to index
        %get3A_165 = tpu.vector_load %arg17[%get3A] {strides = array<i32>} : memref<3200xi32, #tpu.memory_space<vmem>>, vector<16xi32>,
        %get3A_166 = arith.index_cast %mul3A_164 : i32 to index
        %get3A_167 = tpu.vector_load %arg22[%get3A_166] {strides = array<i32>} : memref<3200xf32, #tpu.memory_space<vmem>>, vector<16xf32>,
        %gather3A = tpu.vector_load_idx %arg11[%get3A_165] : memref<10016xf32, #tpu.memory_space<vmem>>[vector<16xi32>], vector<16xf32>,
        %max3A_168 = arith.maximumf %gather3A, %get3A_167 : vector<16xf32>
        tpu.vector_store_idx %arg11[%get3A_165], %max3A_168 : memref<10016xf32, #tpu.memory_space<vmem>>[vector<16xi32>], vector<16xf32>,
        %get3A_169 = arith.index_cast %mul3A_164 : i32 to index
        %get3A_170 = tpu.vector_load %arg23[%get3A_169] {strides = array<i32>} : memref<3200xf32, #tpu.memory_space<vmem>>, vector<16xf32>,
        %gather3A_171 = tpu.vector_load_idx %arg12[%get3A_165] : memref<10016xf32, #tpu.memory_space<vmem>>[vector<16xi32>], vector<16xf32>,
        %max3A_172 = arith.maximumf %gather3A_171, %get3A_170 : vector<16xf32>
        tpu.vector_store_idx %arg12[%get3A_165], %max3A_172 : memref<10016xf32, #tpu.memory_space<vmem>>[vector<16xi32>], vector<16xf32>,
        %get3A_173 = arith.index_cast %mul3A_164 : i32 to index
        %get3A_174 = tpu.vector_load %arg24[%get3A_173] {strides = array<i32>} : memref<3200xf32, #tpu.memory_space<vmem>>, vector<16xf32>,
        %gather3A_175 = tpu.vector_load_idx %arg13[%get3A_165] : memref<10016xf32, #tpu.memory_space<vmem>>[vector<16xi32>], vector<16xf32>,
        %max3A_176 = arith.maximumf %gather3A_175, %get3A_174 : vector<16xf32>
        tpu.vector_store_idx %arg13[%get3A_165], %max3A_176 : memref<10016xf32, #tpu.memory_space<vmem>>[vector<16xi32>], vector<16xf32>,
        %get3A_177 = arith.index_cast %mul3A_164 : i32 to index
        %get3A_178 = tpu.vector_load %arg25[%get3A_177] {strides = array<i32>} : memref<3200xf32, #tpu.memory_space<vmem>>, vector<16xf32>,
        %gather3A_179 = tpu.vector_load_idx %arg14[%get3A_165] : memref<10016xf32, #tpu.memory_space<vmem>>[vector<16xi32>], vector<16xf32>,
        %max3A_180 = arith.maximumf %gather3A_179, %get3A_178 : vector<16xf32>
        tpu.vector_store_idx %arg14[%get3A_165], %max3A_180 : memref<10016xf32, #tpu.memory_space<vmem>>[vector<16xi32>], vector<16xf32>,
        %mul3A_181 = arith.constant 2 : i32
        %mul3A_182 = arith.muli %scan3A_158, %mul3A_181 : i32
        %add3A_183 = arith.constant 1 : i32
        %add3A_184 = arith.addi %mul3A_182, %add3A_183 : i32
        %mul3A_185 = arith.constant 16 : i32
        %mul3A_186 = arith.muli %add3A_184, %mul3A_185 : i32
        %get3A_187 = arith.index_cast %mul3A_186 : i32 to index
        %get3A_188 = tpu.vector_load %arg17[%get3A_187] {strides = array<i32>} : memref<3200xi32, #tpu.memory_space<vmem>>, vector<16xi32>,
        %get3A_189 = arith.index_cast %mul3A_186 : i32 to index
        %get3A_190 = tpu.vector_load %arg22[%get3A_189] {strides = array<i32>} : memref<3200xf32, #tpu.memory_space<vmem>>, vector<16xf32>,
        %gather3A_191 = tpu.vector_load_idx %arg11[%get3A_188] : memref<10016xf32, #tpu.memory_space<vmem>>[vector<16xi32>], vector<16xf32>,
        %max3A_192 = arith.maximumf %gather3A_191, %get3A_190 : vector<16xf32>
        tpu.vector_store_idx %arg11[%get3A_188], %max3A_192 : memref<10016xf32, #tpu.memory_space<vmem>>[vector<16xi32>], vector<16xf32>,
        %get3A_193 = arith.index_cast %mul3A_186 : i32 to index
        %get3A_194 = tpu.vector_load %arg23[%get3A_193] {strides = array<i32>} : memref<3200xf32, #tpu.memory_space<vmem>>, vector<16xf32>,
        %gather3A_195 = tpu.vector_load_idx %arg12[%get3A_188] : memref<10016xf32, #tpu.memory_space<vmem>>[vector<16xi32>], vector<16xf32>,
        %max3A_196 = arith.maximumf %gather3A_195, %get3A_194 : vector<16xf32>
        tpu.vector_store_idx %arg12[%get3A_188], %max3A_196 : memref<10016xf32, #tpu.memory_space<vmem>>[vector<16xi32>], vector<16xf32>,
        %get3A_197 = arith.index_cast %mul3A_186 : i32 to index
        %get3A_198 = tpu.vector_load %arg24[%get3A_197] {strides = array<i32>} : memref<3200xf32, #tpu.memory_space<vmem>>, vector<16xf32>,
        %gather3A_199 = tpu.vector_load_idx %arg13[%get3A_188] : memref<10016xf32, #tpu.memory_space<vmem>>[vector<16xi32>], vector<16xf32>,
        %max3A_200 = arith.maximumf %gather3A_199, %get3A_198 : vector<16xf32>
        tpu.vector_store_idx %arg13[%get3A_188], %max3A_200 : memref<10016xf32, #tpu.memory_space<vmem>>[vector<16xi32>], vector<16xf32>,
        %get3A_201 = arith.index_cast %mul3A_186 : i32 to index
        %get3A_202 = tpu.vector_load %arg25[%get3A_201] {strides = array<i32>} : memref<3200xf32, #tpu.memory_space<vmem>>, vector<16xf32>,
        %gather3A_203 = tpu.vector_load_idx %arg14[%get3A_188] : memref<10016xf32, #tpu.memory_space<vmem>>[vector<16xi32>], vector<16xf32>,
        %max3A_204 = arith.maximumf %gather3A_203, %get3A_202 : vector<16xf32>
        tpu.vector_store_idx %arg14[%get3A_188], %max3A_204 : memref<10016xf32, #tpu.memory_space<vmem>>[vector<16xi32>], vector<16xf32>,
      }
      %scan3A_157 = arith.constant 100 : i32
    }
    %scan3A_78 = arith.constant 25 : i32
    %mul3A_79 = arith.constant 32 : i32
    %mul3A_80 = arith.muli %select_n3A_30, %mul3A_79 : i32
    %add3A_81 = arith.addi %mul3A_80, %mul3A_32 : i32
    %add3A_82 = arith.constant 0 : i32
    %add3A_83 = arith.addi %add3A_81, %add3A_82 : i32
    "tpu.region"() ({
      %run_scoped3A = tpu.sem_alloc : memref<!tpu.dma_semaphore, #tpu.memory_space<semaphore_mem>>
      %dma_start3A = arith.constant 0 : i32
      %dma_start3A_99 = tpu.memref_slice %arg6[%add3A_83, %dma_start3A] : memref<128x10016xf32, #tpu.memory_space<hbm>> -> memref<1x10016xf32, #tpu.memory_space<hbm>>
      %dma_start3A_100 = tpu.memref_squeeze %dma_start3A_99 : memref<1x10016xf32, #tpu.memory_space<hbm>> -> memref<10016xf32, #tpu.memory_space<hbm>>
      %dma_start3A_101 = arith.constant 0 : i32
      %dma_start3A_102 = tpu.memref_slice %arg6[%add3A_83, %dma_start3A_101] : memref<128x10016xf32, #tpu.memory_space<hbm>> -> memref<1x10016xf32, #tpu.memory_space<hbm>>
      %dma_start3A_103 = tpu.memref_squeeze %dma_start3A_102 : memref<1x10016xf32, #tpu.memory_space<hbm>> -> memref<10016xf32, #tpu.memory_space<hbm>>
      tpu.enqueue_dma source(%arg11 : memref<10016xf32, #tpu.memory_space<vmem>>) target(%dma_start3A_103 : memref<10016xf32, #tpu.memory_space<hbm>>) target_semaphore(%run_scoped3A : memref<!tpu.dma_semaphore, #tpu.memory_space<semaphore_mem>>)
      %dma_wait3A = arith.constant 0 : i32
      %dma_wait3A_104 = tpu.memref_slice %arg6[%add3A_83, %dma_wait3A] : memref<128x10016xf32, #tpu.memory_space<hbm>> -> memref<1x10016xf32, #tpu.memory_space<hbm>>
      %dma_wait3A_105 = tpu.memref_squeeze %dma_wait3A_104 : memref<1x10016xf32, #tpu.memory_space<hbm>> -> memref<10016xf32, #tpu.memory_space<hbm>>
      %dma_wait3A_106 = arith.constant 0 : i32
      %dma_wait3A_107 = tpu.memref_slice %arg6[%add3A_83, %dma_wait3A_106] : memref<128x10016xf32, #tpu.memory_space<hbm>> -> memref<1x10016xf32, #tpu.memory_space<hbm>>
      %dma_wait3A_108 = tpu.memref_squeeze %dma_wait3A_107 : memref<1x10016xf32, #tpu.memory_space<hbm>> -> memref<10016xf32, #tpu.memory_space<hbm>>
      tpu.wait_dma2 semaphore(%run_scoped3A : memref<!tpu.dma_semaphore, #tpu.memory_space<semaphore_mem>>) src(%arg11 : memref<10016xf32, #tpu.memory_space<vmem>>) dst(%dma_wait3A_108 : memref<10016xf32, #tpu.memory_space<hbm>>)
      tpu.yield
    }) : () -> ()
    %mul3A_84 = arith.constant 32 : i32
    %mul3A_85 = arith.muli %select_n3A_30, %mul3A_84 : i32
    %add3A_86 = arith.addi %mul3A_85, %mul3A_32 : i32
    %add3A_87 = arith.constant 1 : i32
    %add3A_88 = arith.addi %add3A_86, %add3A_87 : i32
    "tpu.region"() ({
      %run_scoped3A = tpu.sem_alloc : memref<!tpu.dma_semaphore, #tpu.memory_space<semaphore_mem>>
      %dma_start3A = arith.constant 0 : i32
      %dma_start3A_99 = tpu.memref_slice %arg6[%add3A_88, %dma_start3A] : memref<128x10016xf32, #tpu.memory_space<hbm>> -> memref<1x10016xf32, #tpu.memory_space<hbm>>
      %dma_start3A_100 = tpu.memref_squeeze %dma_start3A_99 : memref<1x10016xf32, #tpu.memory_space<hbm>> -> memref<10016xf32, #tpu.memory_space<hbm>>
      %dma_start3A_101 = arith.constant 0 : i32
      %dma_start3A_102 = tpu.memref_slice %arg6[%add3A_88, %dma_start3A_101] : memref<128x10016xf32, #tpu.memory_space<hbm>> -> memref<1x10016xf32, #tpu.memory_space<hbm>>
      %dma_start3A_103 = tpu.memref_squeeze %dma_start3A_102 : memref<1x10016xf32, #tpu.memory_space<hbm>> -> memref<10016xf32, #tpu.memory_space<hbm>>
      tpu.enqueue_dma source(%arg12 : memref<10016xf32, #tpu.memory_space<vmem>>) target(%dma_start3A_103 : memref<10016xf32, #tpu.memory_space<hbm>>) target_semaphore(%run_scoped3A : memref<!tpu.dma_semaphore, #tpu.memory_space<semaphore_mem>>)
      %dma_wait3A = arith.constant 0 : i32
      %dma_wait3A_104 = tpu.memref_slice %arg6[%add3A_88, %dma_wait3A] : memref<128x10016xf32, #tpu.memory_space<hbm>> -> memref<1x10016xf32, #tpu.memory_space<hbm>>
      %dma_wait3A_105 = tpu.memref_squeeze %dma_wait3A_104 : memref<1x10016xf32, #tpu.memory_space<hbm>> -> memref<10016xf32, #tpu.memory_space<hbm>>
      %dma_wait3A_106 = arith.constant 0 : i32
      %dma_wait3A_107 = tpu.memref_slice %arg6[%add3A_88, %dma_wait3A_106] : memref<128x10016xf32, #tpu.memory_space<hbm>> -> memref<1x10016xf32, #tpu.memory_space<hbm>>
      %dma_wait3A_108 = tpu.memref_squeeze %dma_wait3A_107 : memref<1x10016xf32, #tpu.memory_space<hbm>> -> memref<10016xf32, #tpu.memory_space<hbm>>
      tpu.wait_dma2 semaphore(%run_scoped3A : memref<!tpu.dma_semaphore, #tpu.memory_space<semaphore_mem>>) src(%arg12 : memref<10016xf32, #tpu.memory_space<vmem>>) dst(%dma_wait3A_108 : memref<10016xf32, #tpu.memory_space<hbm>>)
      tpu.yield
    }) : () -> ()
    %mul3A_89 = arith.constant 32 : i32
    %mul3A_90 = arith.muli %select_n3A_30, %mul3A_89 : i32
    %add3A_91 = arith.addi %mul3A_90, %mul3A_32 : i32
    %add3A_92 = arith.constant 2 : i32
    %add3A_93 = arith.addi %add3A_91, %add3A_92 : i32
    "tpu.region"() ({
      %run_scoped3A = tpu.sem_alloc : memref<!tpu.dma_semaphore, #tpu.memory_space<semaphore_mem>>
      %dma_start3A = arith.constant 0 : i32
      %dma_start3A_99 = tpu.memref_slice %arg6[%add3A_93, %dma_start3A] : memref<128x10016xf32, #tpu.memory_space<hbm>> -> memref<1x10016xf32, #tpu.memory_space<hbm>>
      %dma_start3A_100 = tpu.memref_squeeze %dma_start3A_99 : memref<1x10016xf32, #tpu.memory_space<hbm>> -> memref<10016xf32, #tpu.memory_space<hbm>>
      %dma_start3A_101 = arith.constant 0 : i32
      %dma_start3A_102 = tpu.memref_slice %arg6[%add3A_93, %dma_start3A_101] : memref<128x10016xf32, #tpu.memory_space<hbm>> -> memref<1x10016xf32, #tpu.memory_space<hbm>>
      %dma_start3A_103 = tpu.memref_squeeze %dma_start3A_102 : memref<1x10016xf32, #tpu.memory_space<hbm>> -> memref<10016xf32, #tpu.memory_space<hbm>>
      tpu.enqueue_dma source(%arg13 : memref<10016xf32, #tpu.memory_space<vmem>>) target(%dma_start3A_103 : memref<10016xf32, #tpu.memory_space<hbm>>) target_semaphore(%run_scoped3A : memref<!tpu.dma_semaphore, #tpu.memory_space<semaphore_mem>>)
      %dma_wait3A = arith.constant 0 : i32
      %dma_wait3A_104 = tpu.memref_slice %arg6[%add3A_93, %dma_wait3A] : memref<128x10016xf32, #tpu.memory_space<hbm>> -> memref<1x10016xf32, #tpu.memory_space<hbm>>
      %dma_wait3A_105 = tpu.memref_squeeze %dma_wait3A_104 : memref<1x10016xf32, #tpu.memory_space<hbm>> -> memref<10016xf32, #tpu.memory_space<hbm>>
      %dma_wait3A_106 = arith.constant 0 : i32
      %dma_wait3A_107 = tpu.memref_slice %arg6[%add3A_93, %dma_wait3A_106] : memref<128x10016xf32, #tpu.memory_space<hbm>> -> memref<1x10016xf32, #tpu.memory_space<hbm>>
      %dma_wait3A_108 = tpu.memref_squeeze %dma_wait3A_107 : memref<1x10016xf32, #tpu.memory_space<hbm>> -> memref<10016xf32, #tpu.memory_space<hbm>>
      tpu.wait_dma2 semaphore(%run_scoped3A : memref<!tpu.dma_semaphore, #tpu.memory_space<semaphore_mem>>) src(%arg13 : memref<10016xf32, #tpu.memory_space<vmem>>) dst(%dma_wait3A_108 : memref<10016xf32, #tpu.memory_space<hbm>>)
      tpu.yield
    }) : () -> ()
    %mul3A_94 = arith.constant 32 : i32
    %mul3A_95 = arith.muli %select_n3A_30, %mul3A_94 : i32
    %add3A_96 = arith.addi %mul3A_95, %mul3A_32 : i32
    %add3A_97 = arith.constant 3 : i32
    %add3A_98 = arith.addi %add3A_96, %add3A_97 : i32
    "tpu.region"() ({
      %run_scoped3A = tpu.sem_alloc : memref<!tpu.dma_semaphore, #tpu.memory_space<semaphore_mem>>
      %dma_start3A = arith.constant 0 : i32
      %dma_start3A_99 = tpu.memref_slice %arg6[%add3A_98, %dma_start3A] : memref<128x10016xf32, #tpu.memory_space<hbm>> -> memref<1x10016xf32, #tpu.memory_space<hbm>>
      %dma_start3A_100 = tpu.memref_squeeze %dma_start3A_99 : memref<1x10016xf32, #tpu.memory_space<hbm>> -> memref<10016xf32, #tpu.memory_space<hbm>>
      %dma_start3A_101 = arith.constant 0 : i32
      %dma_start3A_102 = tpu.memref_slice %arg6[%add3A_98, %dma_start3A_101] : memref<128x10016xf32, #tpu.memory_space<hbm>> -> memref<1x10016xf32, #tpu.memory_space<hbm>>
      %dma_start3A_103 = tpu.memref_squeeze %dma_start3A_102 : memref<1x10016xf32, #tpu.memory_space<hbm>> -> memref<10016xf32, #tpu.memory_space<hbm>>
      tpu.enqueue_dma source(%arg14 : memref<10016xf32, #tpu.memory_space<vmem>>) target(%dma_start3A_103 : memref<10016xf32, #tpu.memory_space<hbm>>) target_semaphore(%run_scoped3A : memref<!tpu.dma_semaphore, #tpu.memory_space<semaphore_mem>>)
      %dma_wait3A = arith.constant 0 : i32
      %dma_wait3A_104 = tpu.memref_slice %arg6[%add3A_98, %dma_wait3A] : memref<128x10016xf32, #tpu.memory_space<hbm>> -> memref<1x10016xf32, #tpu.memory_space<hbm>>
      %dma_wait3A_105 = tpu.memref_squeeze %dma_wait3A_104 : memref<1x10016xf32, #tpu.memory_space<hbm>> -> memref<10016xf32, #tpu.memory_space<hbm>>
      %dma_wait3A_106 = arith.constant 0 : i32
      %dma_wait3A_107 = tpu.memref_slice %arg6[%add3A_98, %dma_wait3A_106] : memref<128x10016xf32, #tpu.memory_space<hbm>> -> memref<1x10016xf32, #tpu.memory_space<hbm>>
      %dma_wait3A_108 = tpu.memref_squeeze %dma_wait3A_107 : memref<1x10016xf32, #tpu.memory_space<hbm>> -> memref<10016xf32, #tpu.memory_space<hbm>>
      tpu.wait_dma2 semaphore(%run_scoped3A : memref<!tpu.dma_semaphore, #tpu.memory_space<semaphore_mem>>) src(%arg14 : memref<10016xf32, #tpu.memory_space<vmem>>) dst(%dma_wait3A_108 : memref<10016xf32, #tpu.memory_space<hbm>>)
      tpu.yield
    }) : () -> ()
    return
  }
}

#map = affine_map<(d0, d1) -> (0, 0)>
#map1 = affine_map<(d0, d1) -> (0)>
module attributes {stable_mosaic.version = 14 : i64} {
  func.func @k(%arg0: i32, %arg1: i32, %arg2: memref<32x10000xf32, #tpu.memory_space<hbm>>, %arg3: memref<32x320000xf32, #tpu.memory_space<hbm>>, %arg4: memref<320000xi32, #tpu.memory_space<hbm>>, %arg5: memref<320000xi32, #tpu.memory_space<hbm>>, %arg6: memref<128x10016xf32, #tpu.memory_space<hbm>>, %arg7: memref<10000xf32, #tpu.memory_space<vmem>>, %arg8: memref<10000xf32, #tpu.memory_space<vmem>>, %arg9: memref<10000xf32, #tpu.memory_space<vmem>>, %arg10: memref<10000xf32, #tpu.memory_space<vmem>>, %arg11: memref<10016xf32, #tpu.memory_space<vmem>>, %arg12: memref<10016xf32, #tpu.memory_space<vmem>>, %arg13: memref<10016xf32, #tpu.memory_space<vmem>>, %arg14: memref<10016xf32, #tpu.memory_space<vmem>>, %arg15: memref<3200xi32, #tpu.memory_space<vmem>>, %arg16: memref<3200xi32, #tpu.memory_space<vmem>>, %arg17: memref<3200xi32, #tpu.memory_space<vmem>>, %arg18: memref<3200xf32, #tpu.memory_space<vmem>>, %arg19: memref<3200xf32, #tpu.memory_space<vmem>>, %arg20: memref<3200xf32, #tpu.memory_space<vmem>>, %arg21: memref<3200xf32, #tpu.memory_space<vmem>>, %arg22: memref<3200xf32, #tpu.memory_space<vmem>>, %arg23: memref<3200xf32, #tpu.memory_space<vmem>>, %arg24: memref<3200xf32, #tpu.memory_space<vmem>>, %arg25: memref<3200xf32, #tpu.memory_space<vmem>>, %arg26: memref<!tpu.dma_semaphore, #tpu.memory_space<semaphore_mem>>) attributes {dimension_semantics = [#tpu.dimension_semantics<core_parallel>, #tpu.dimension_semantics<subcore_parallel>], iteration_bounds = array<i64: 2, 16>, scalar_prefetch = 0 : i64, scratch_operands = 20 : i64, tpu.core_type = #tpu.core_type<sc_vector_subcore>, window_params = [{transform_indices = #map}, {transform_indices = #map}, {transform_indices = #map1}, {transform_indices = #map1}, {transform_indices = #map}]} {
    %mul3A = arith.constant 2 : i32
    %mul3A_0 = arith.muli %arg1, %mul3A : i32
    %add3A = arith.addi %mul3A_0, %arg0 : i32
    %jit3A = arith.constant 4 : i32
    %div3A = arith.divsi %add3A, %jit3A : i32
    %sign3A = arith.constant 0 : i32
    %sign3A_1 = arith.cmpi sgt, %add3A, %sign3A : i32
    %sign3A_2 = arith.extui %sign3A_1 : i1 to i32
    %sign3A_3 = arith.constant 0 : i32
    %sign3A_4 = arith.cmpi slt, %add3A, %sign3A_3 : i32
    %sign3A_5 = arith.extui %sign3A_4 : i1 to i32
    %sign3A_6 = arith.subi %sign3A_2, %sign3A_5 : i32
    %sign3A_7 = arith.constant 0 : i32
    %sign3A_8 = arith.cmpi sgt, %jit3A, %sign3A_7 : i32
    %sign3A_9 = arith.extui %sign3A_8 : i1 to i32
    %sign3A_10 = arith.constant 0 : i32
    %sign3A_11 = arith.cmpi slt, %jit3A, %sign3A_10 : i32
    %sign3A_12 = arith.extui %sign3A_11 : i1 to i32
    %sign3A_13 = arith.subi %sign3A_9, %sign3A_12 : i32
    %ne3A = arith.cmpi ne, %sign3A_6, %sign3A_13 : i32
    %rem3A = arith.remsi %add3A, %jit3A : i32
    %ne3A_14 = arith.constant 0 : i32
    %ne3A_15 = arith.cmpi ne, %rem3A, %ne3A_14 : i32
    %and3A = arith.andi %ne3A, %ne3A_15 : i1
    %sub3A = arith.constant 1 : i32
    %sub3A_16 = arith.subi %div3A, %sub3A : i32
    %select_n3A = arith.select %and3A, %sub3A_16, %div3A : i32
    %jit3A_17 = arith.constant 4 : i32
    %eq3A = arith.constant 0 : i32
    %eq3A_18 = arith.cmpi eq, %jit3A_17, %eq3A : i32
    %jit3A_19 = arith.constant 1 : i32
    %select_n3A_20 = arith.select %eq3A_18, %jit3A_19, %jit3A_17 : i32
    %rem3A_21 = arith.remsi %add3A, %select_n3A_20 : i32
    %ne3A_22 = arith.constant 0 : i32
    %ne3A_23 = arith.cmpi ne, %rem3A_21, %ne3A_22 : i32
    %lt3A = arith.constant 0 : i32
    %lt3A_24 = arith.cmpi slt, %rem3A_21, %lt3A : i32
    %lt3A_25 = arith.constant 0 : i32
    %lt3A_26 = arith.cmpi slt, %select_n3A_20, %lt3A_25 : i32
    %ne3A_27 = arith.xori %lt3A_24, %lt3A_26 : i1
    %and3A_28 = arith.andi %ne3A_27, %ne3A_23 : i1
    %add3A_29 = arith.addi %rem3A_21, %select_n3A_20 : i32
    %select_n3A_30 = arith.select %and3A_28, %add3A_29, %rem3A_21 : i32
    %mul3A_31 = arith.constant 4 : i32
    %mul3A_32 = arith.muli %select_n3A, %mul3A_31 : i32
    %add3A_33 = arith.constant 0 : i32
    %add3A_34 = arith.addi %mul3A_32, %add3A_33 : i32
    "tpu.region"() ({
      %run_scoped3A = tpu.sem_alloc : memref<!tpu.dma_semaphore, #tpu.memory_space<semaphore_mem>>
      %dma_start3A = arith.constant 0 : i32
      %dma_start3A_99 = tpu.memref_slice %arg2[%add3A_34, %dma_start3A] : memref<32x10000xf32, #tpu.memory_space<hbm>> -> memref<1x10000xf32, #tpu.memory_space<hbm>>
      %dma_start3A_100 = tpu.memref_squeeze %dma_start3A_99 : memref<1x10000xf32, #tpu.memory_space<hbm>> -> memref<10000xf32, #tpu.memory_space<hbm>>
      %dma_start3A_101 = arith.constant 0 : i32
      %dma_start3A_102 = tpu.memref_slice %arg2[%add3A_34, %dma_start3A_101] : memref<32x10000xf32, #tpu.memory_space<hbm>> -> memref<1x10000xf32, #tpu.memory_space<hbm>>
      %dma_start3A_103 = tpu.memref_squeeze %dma_start3A_102 : memref<1x10000xf32, #tpu.memory_space<hbm>> -> memref<10000xf32, #tpu.memory_space<hbm>>
      tpu.enqueue_dma source(%dma_start3A_103 : memref<10000xf32, #tpu.memory_space<hbm>>) target(%arg7 : memref<10000xf32, #tpu.memory_space<vmem>>) target_semaphore(%run_scoped3A : memref<!tpu.dma_semaphore, #tpu.memory_space<semaphore_mem>>)
      %dma_wait3A = arith.constant 0 : i32
      %dma_wait3A_104 = tpu.memref_slice %arg2[%add3A_34, %dma_wait3A] : memref<32x10000xf32, #tpu.memory_space<hbm>> -> memref<1x10000xf32, #tpu.memory_space<hbm>>
      %dma_wait3A_105 = tpu.memref_squeeze %dma_wait3A_104 : memref<1x10000xf32, #tpu.memory_space<hbm>> -> memref<10000xf32, #tpu.memory_space<hbm>>
      %dma_wait3A_106 = arith.constant 0 : i32
      %dma_wait3A_107 = tpu.memref_slice %arg2[%add3A_34, %dma_wait3A_106] : memref<32x10000xf32, #tpu.memory_space<hbm>> -> memref<1x10000xf32, #tpu.memory_space<hbm>>
      %dma_wait3A_108 = tpu.memref_squeeze %dma_wait3A_107 : memref<1x10000xf32, #tpu.memory_space<hbm>> -> memref<10000xf32, #tpu.memory_space<hbm>>
      tpu.wait_dma2 semaphore(%run_scoped3A : memref<!tpu.dma_semaphore, #tpu.memory_space<semaphore_mem>>) src(%dma_wait3A_108 : memref<10000xf32, #tpu.memory_space<hbm>>) dst(%arg7 : memref<10000xf32, #tpu.memory_space<vmem>>)
      tpu.yield
    }) : () -> ()
    %add3A_35 = arith.constant 1 : i32
    %add3A_36 = arith.addi %mul3A_32, %add3A_35 : i32
    "tpu.region"() ({
      %run_scoped3A = tpu.sem_alloc : memref<!tpu.dma_semaphore, #tpu.memory_space<semaphore_mem>>
      %dma_start3A = arith.constant 0 : i32
      %dma_start3A_99 = tpu.memref_slice %arg2[%add3A_36, %dma_start3A] : memref<32x10000xf32, #tpu.memory_space<hbm>> -> memref<1x10000xf32, #tpu.memory_space<hbm>>
      %dma_start3A_100 = tpu.memref_squeeze %dma_start3A_99 : memref<1x10000xf32, #tpu.memory_space<hbm>> -> memref<10000xf32, #tpu.memory_space<hbm>>
      %dma_start3A_101 = arith.constant 0 : i32
      %dma_start3A_102 = tpu.memref_slice %arg2[%add3A_36, %dma_start3A_101] : memref<32x10000xf32, #tpu.memory_space<hbm>> -> memref<1x10000xf32, #tpu.memory_space<hbm>>
      %dma_start3A_103 = tpu.memref_squeeze %dma_start3A_102 : memref<1x10000xf32, #tpu.memory_space<hbm>> -> memref<10000xf32, #tpu.memory_space<hbm>>
      tpu.enqueue_dma source(%dma_start3A_103 : memref<10000xf32, #tpu.memory_space<hbm>>) target(%arg8 : memref<10000xf32, #tpu.memory_space<vmem>>) target_semaphore(%run_scoped3A : memref<!tpu.dma_semaphore, #tpu.memory_space<semaphore_mem>>)
      %dma_wait3A = arith.constant 0 : i32
      %dma_wait3A_104 = tpu.memref_slice %arg2[%add3A_36, %dma_wait3A] : memref<32x10000xf32, #tpu.memory_space<hbm>> -> memref<1x10000xf32, #tpu.memory_space<hbm>>
      %dma_wait3A_105 = tpu.memref_squeeze %dma_wait3A_104 : memref<1x10000xf32, #tpu.memory_space<hbm>> -> memref<10000xf32, #tpu.memory_space<hbm>>
      %dma_wait3A_106 = arith.constant 0 : i32
      %dma_wait3A_107 = tpu.memref_slice %arg2[%add3A_36, %dma_wait3A_106] : memref<32x10000xf32, #tpu.memory_space<hbm>> -> memref<1x10000xf32, #tpu.memory_space<hbm>>
      %dma_wait3A_108 = tpu.memref_squeeze %dma_wait3A_107 : memref<1x10000xf32, #tpu.memory_space<hbm>> -> memref<10000xf32, #tpu.memory_space<hbm>>
      tpu.wait_dma2 semaphore(%run_scoped3A : memref<!tpu.dma_semaphore, #tpu.memory_space<semaphore_mem>>) src(%dma_wait3A_108 : memref<10000xf32, #tpu.memory_space<hbm>>) dst(%arg8 : memref<10000xf32, #tpu.memory_space<vmem>>)
      tpu.yield
    }) : () -> ()
    %add3A_37 = arith.constant 2 : i32
    %add3A_38 = arith.addi %mul3A_32, %add3A_37 : i32
    "tpu.region"() ({
      %run_scoped3A = tpu.sem_alloc : memref<!tpu.dma_semaphore, #tpu.memory_space<semaphore_mem>>
      %dma_start3A = arith.constant 0 : i32
      %dma_start3A_99 = tpu.memref_slice %arg2[%add3A_38, %dma_start3A] : memref<32x10000xf32, #tpu.memory_space<hbm>> -> memref<1x10000xf32, #tpu.memory_space<hbm>>
      %dma_start3A_100 = tpu.memref_squeeze %dma_start3A_99 : memref<1x10000xf32, #tpu.memory_space<hbm>> -> memref<10000xf32, #tpu.memory_space<hbm>>
      %dma_start3A_101 = arith.constant 0 : i32
      %dma_start3A_102 = tpu.memref_slice %arg2[%add3A_38, %dma_start3A_101] : memref<32x10000xf32, #tpu.memory_space<hbm>> -> memref<1x10000xf32, #tpu.memory_space<hbm>>
      %dma_start3A_103 = tpu.memref_squeeze %dma_start3A_102 : memref<1x10000xf32, #tpu.memory_space<hbm>> -> memref<10000xf32, #tpu.memory_space<hbm>>
      tpu.enqueue_dma source(%dma_start3A_103 : memref<10000xf32, #tpu.memory_space<hbm>>) target(%arg9 : memref<10000xf32, #tpu.memory_space<vmem>>) target_semaphore(%run_scoped3A : memref<!tpu.dma_semaphore, #tpu.memory_space<semaphore_mem>>)
      %dma_wait3A = arith.constant 0 : i32
      %dma_wait3A_104 = tpu.memref_slice %arg2[%add3A_38, %dma_wait3A] : memref<32x10000xf32, #tpu.memory_space<hbm>> -> memref<1x10000xf32, #tpu.memory_space<hbm>>
      %dma_wait3A_105 = tpu.memref_squeeze %dma_wait3A_104 : memref<1x10000xf32, #tpu.memory_space<hbm>> -> memref<10000xf32, #tpu.memory_space<hbm>>
      %dma_wait3A_106 = arith.constant 0 : i32
      %dma_wait3A_107 = tpu.memref_slice %arg2[%add3A_38, %dma_wait3A_106] : memref<32x10000xf32, #tpu.memory_space<hbm>> -> memref<1x10000xf32, #tpu.memory_space<hbm>>
      %dma_wait3A_108 = tpu.memref_squeeze %dma_wait3A_107 : memref<1x10000xf32, #tpu.memory_space<hbm>> -> memref<10000xf32, #tpu.memory_space<hbm>>
      tpu.wait_dma2 semaphore(%run_scoped3A : memref<!tpu.dma_semaphore, #tpu.memory_space<semaphore_mem>>) src(%dma_wait3A_108 : memref<10000xf32, #tpu.memory_space<hbm>>) dst(%arg9 : memref<10000xf32, #tpu.memory_space<vmem>>)
      tpu.yield
    }) : () -> ()
    %add3A_39 = arith.constant 3 : i32
    %add3A_40 = arith.addi %mul3A_32, %add3A_39 : i32
    "tpu.region"() ({
      %run_scoped3A = tpu.sem_alloc : memref<!tpu.dma_semaphore, #tpu.memory_space<semaphore_mem>>
      %dma_start3A = arith.constant 0 : i32
      %dma_start3A_99 = tpu.memref_slice %arg2[%add3A_40, %dma_start3A] : memref<32x10000xf32, #tpu.memory_space<hbm>> -> memref<1x10000xf32, #tpu.memory_space<hbm>>
      %dma_start3A_100 = tpu.memref_squeeze %dma_start3A_99 : memref<1x10000xf32, #tpu.memory_space<hbm>> -> memref<10000xf32, #tpu.memory_space<hbm>>
      %dma_start3A_101 = arith.constant 0 : i32
      %dma_start3A_102 = tpu.memref_slice %arg2[%add3A_40, %dma_start3A_101] : memref<32x10000xf32, #tpu.memory_space<hbm>> -> memref<1x10000xf32, #tpu.memory_space<hbm>>
      %dma_start3A_103 = tpu.memref_squeeze %dma_start3A_102 : memref<1x10000xf32, #tpu.memory_space<hbm>> -> memref<10000xf32, #tpu.memory_space<hbm>>
      tpu.enqueue_dma source(%dma_start3A_103 : memref<10000xf32, #tpu.memory_space<hbm>>) target(%arg10 : memref<10000xf32, #tpu.memory_space<vmem>>) target_semaphore(%run_scoped3A : memref<!tpu.dma_semaphore, #tpu.memory_space<semaphore_mem>>)
      %dma_wait3A = arith.constant 0 : i32
      %dma_wait3A_104 = tpu.memref_slice %arg2[%add3A_40, %dma_wait3A] : memref<32x10000xf32, #tpu.memory_space<hbm>> -> memref<1x10000xf32, #tpu.memory_space<hbm>>
      %dma_wait3A_105 = tpu.memref_squeeze %dma_wait3A_104 : memref<1x10000xf32, #tpu.memory_space<hbm>> -> memref<10000xf32, #tpu.memory_space<hbm>>
      %dma_wait3A_106 = arith.constant 0 : i32
      %dma_wait3A_107 = tpu.memref_slice %arg2[%add3A_40, %dma_wait3A_106] : memref<32x10000xf32, #tpu.memory_space<hbm>> -> memref<1x10000xf32, #tpu.memory_space<hbm>>
      %dma_wait3A_108 = tpu.memref_squeeze %dma_wait3A_107 : memref<1x10000xf32, #tpu.memory_space<hbm>> -> memref<10000xf32, #tpu.memory_space<hbm>>
      tpu.wait_dma2 semaphore(%run_scoped3A : memref<!tpu.dma_semaphore, #tpu.memory_space<semaphore_mem>>) src(%dma_wait3A_108 : memref<10000xf32, #tpu.memory_space<hbm>>) dst(%arg10 : memref<10000xf32, #tpu.memory_space<vmem>>)
      tpu.yield
    }) : () -> ()
    %broadcast_in_dim3A = arith.constant 0xFF800000 : f32
    %broadcast_in_dim3A_41 = vector.broadcast %broadcast_in_dim3A : f32 to vector<16xf32>
    %parallel_loop3A = arith.constant 0 : i32
    %parallel_loop3A_42 = arith.constant 626 : i32
    %parallel_loop3A_43 = arith.constant 1 : i32
    scf.for %parallel_loop3A_99 = %parallel_loop3A to %parallel_loop3A_42 step %parallel_loop3A_43  : i32 {
      %parallel_loop3A_100 = arith.constant 16 : i32
      %parallel_loop3A_101 = arith.muli %parallel_loop3A_99, %parallel_loop3A_100 : i32
      %parallel_loop3A_102 = arith.index_cast %parallel_loop3A_101 : i32 to index
      %parallel_loop3A_103 = tpu.vector_load %arg11[%parallel_loop3A_102] {strides = array<i32>} : memref<10016xf32, #tpu.memory_space<vmem>>, vector<16xf32>,
      tpu.vector_store %arg11[%parallel_loop3A_102], %broadcast_in_dim3A_41 {strides = array<i32>} : memref<10016xf32, #tpu.memory_space<vmem>>, vector<16xf32>,
      %parallel_loop3A_104 = arith.constant 16 : i32
      %parallel_loop3A_105 = arith.muli %parallel_loop3A_99, %parallel_loop3A_104 : i32
      %parallel_loop3A_106 = arith.index_cast %parallel_loop3A_105 : i32 to index
      %parallel_loop3A_107 = tpu.vector_load %arg12[%parallel_loop3A_106] {strides = array<i32>} : memref<10016xf32, #tpu.memory_space<vmem>>, vector<16xf32>,
      tpu.vector_store %arg12[%parallel_loop3A_106], %broadcast_in_dim3A_41 {strides = array<i32>} : memref<10016xf32, #tpu.memory_space<vmem>>, vector<16xf32>,
      %parallel_loop3A_108 = arith.constant 16 : i32
      %parallel_loop3A_109 = arith.muli %parallel_loop3A_99, %parallel_loop3A_108 : i32
      %parallel_loop3A_110 = arith.index_cast %parallel_loop3A_109 : i32 to index
      %parallel_loop3A_111 = tpu.vector_load %arg13[%parallel_loop3A_110] {strides = array<i32>} : memref<10016xf32, #tpu.memory_space<vmem>>, vector<16xf32>,
      tpu.vector_store %arg13[%parallel_loop3A_110], %broadcast_in_dim3A_41 {strides = array<i32>} : memref<10016xf32, #tpu.memory_space<vmem>>, vector<16xf32>,
      %parallel_loop3A_112 = arith.constant 16 : i32
      %parallel_loop3A_113 = arith.muli %parallel_loop3A_99, %parallel_loop3A_112 : i32
      %parallel_loop3A_114 = arith.index_cast %parallel_loop3A_113 : i32 to index
      %parallel_loop3A_115 = tpu.vector_load %arg14[%parallel_loop3A_114] {strides = array<i32>} : memref<10016xf32, #tpu.memory_space<vmem>>, vector<16xf32>,
      tpu.vector_store %arg14[%parallel_loop3A_114], %broadcast_in_dim3A_41 {strides = array<i32>} : memref<10016xf32, #tpu.memory_space<vmem>>, vector<16xf32>,
    } {sc.loop_unroll_factor = 4 : i64, sc.parallel_access}
    %iota3A = tpu.iota {dimensions = array<i32: 0>} : vector<16xi32>
    %add3A_44 = arith.constant 1 : i32
    %add3A_45 = vector.broadcast %add3A_44 : i32 to vector<16xi32>
    %add3A_46 = arith.addi %iota3A, %add3A_45 : vector<16xi32>
    %min3A = arith.constant 15 : i32
    %min3A_47 = vector.broadcast %min3A : i32 to vector<16xi32>
    %min3A_48 = arith.minsi %add3A_46, %min3A_47 : vector<16xi32>
    %sub3A_49 = arith.constant 1 : i32
    %sub3A_50 = vector.broadcast %sub3A_49 : i32 to vector<16xi32>
    %sub3A_51 = arith.subi %iota3A, %sub3A_50 : vector<16xi32>
    %max3A = arith.constant 0 : i32
    %max3A_52 = vector.broadcast %max3A : i32 to vector<16xi32>
    %max3A_53 = arith.maxsi %sub3A_51, %max3A_52 : vector<16xi32>
    %sub3A_54 = arith.constant 2 : i32
    %sub3A_55 = vector.broadcast %sub3A_54 : i32 to vector<16xi32>
    %sub3A_56 = arith.subi %iota3A, %sub3A_55 : vector<16xi32>
    %max3A_57 = arith.constant 0 : i32
    %max3A_58 = vector.broadcast %max3A_57 : i32 to vector<16xi32>
    %max3A_59 = arith.maxsi %sub3A_56, %max3A_58 : vector<16xi32>
    %sub3A_60 = arith.constant 4 : i32
    %sub3A_61 = vector.broadcast %sub3A_60 : i32 to vector<16xi32>
    %sub3A_62 = arith.subi %iota3A, %sub3A_61 : vector<16xi32>
    %max3A_63 = arith.constant 0 : i32
    %max3A_64 = vector.broadcast %max3A_63 : i32 to vector<16xi32>
    %max3A_65 = arith.maxsi %sub3A_62, %max3A_64 : vector<16xi32>
    %sub3A_66 = arith.constant 8 : i32
    %sub3A_67 = vector.broadcast %sub3A_66 : i32 to vector<16xi32>
    %sub3A_68 = arith.subi %iota3A, %sub3A_67 : vector<16xi32>
    %max3A_69 = arith.constant 0 : i32
    %max3A_70 = vector.broadcast %max3A_69 : i32 to vector<16xi32>
    %max3A_71 = arith.maxsi %sub3A_68, %max3A_70 : vector<16xi32>
    %mul3A_72 = arith.constant 80000 : i32
    %mul3A_73 = arith.muli %select_n3A_30, %mul3A_72 : i32
    %scan3A = arith.constant 0 : i32
    %scan3A_74 = arith.constant 0 : i32
    %scan3A_75 = arith.constant 25 : i32
    %scan3A_76 = arith.addi %scan3A_74, %scan3A_75 : i32
    %scan3A_77 = arith.constant 1 : i32
    scf.for %scan3A_99 = %scan3A_74 to %scan3A_76 step %scan3A_77  : i32 {
      %mul3A_100 = arith.constant 3200 : i32
      %mul3A_101 = arith.muli %scan3A_99, %mul3A_100 : i32
      %add3A_102 = arith.addi %mul3A_73, %mul3A_101 : i32
      %multiple_of3A = tpu.assume_multiple %add3A_102, 128 : i32
      %dma_start3A = tpu.memref_slice %arg4[%multiple_of3A] : memref<320000xi32, #tpu.memory_space<hbm>> -> memref<3200xi32, #tpu.memory_space<hbm>>
      %dma_start3A_103 = tpu.memref_slice %arg4[%multiple_of3A] : memref<320000xi32, #tpu.memory_space<hbm>> -> memref<3200xi32, #tpu.memory_space<hbm>>
      tpu.enqueue_dma source(%dma_start3A_103 : memref<3200xi32, #tpu.memory_space<hbm>>) target(%arg15 : memref<3200xi32, #tpu.memory_space<vmem>>) target_semaphore(%arg26 : memref<!tpu.dma_semaphore, #tpu.memory_space<semaphore_mem>>)
      %dma_start3A_104 = tpu.memref_slice %arg5[%multiple_of3A] : memref<320000xi32, #tpu.memory_space<hbm>> -> memref<3200xi32, #tpu.memory_space<hbm>>
      %dma_start3A_105 = tpu.memref_slice %arg5[%multiple_of3A] : memref<320000xi32, #tpu.memory_space<hbm>> -> memref<3200xi32, #tpu.memory_space<hbm>>
      tpu.enqueue_dma source(%dma_start3A_105 : memref<3200xi32, #tpu.memory_space<hbm>>) target(%arg16 : memref<3200xi32, #tpu.memory_space<vmem>>) target_semaphore(%arg26 : memref<!tpu.dma_semaphore, #tpu.memory_space<semaphore_mem>>)
      %add3A_106 = arith.constant 0 : i32
      %add3A_107 = arith.addi %mul3A_32, %add3A_106 : i32
      %dma_start3A_108 = tpu.memref_slice %arg3[%add3A_107, %multiple_of3A] : memref<32x320000xf32, #tpu.memory_space<hbm>> -> memref<1x3200xf32, #tpu.memory_space<hbm>>
      %dma_start3A_109 = tpu.memref_squeeze %dma_start3A_108 : memref<1x3200xf32, #tpu.memory_space<hbm>> -> memref<3200xf32, #tpu.memory_space<hbm>>
      %dma_start3A_110 = tpu.memref_slice %arg3[%add3A_107, %multiple_of3A] : memref<32x320000xf32, #tpu.memory_space<hbm>> -> memref<1x3200xf32, #tpu.memory_space<hbm>>
      %dma_start3A_111 = tpu.memref_squeeze %dma_start3A_110 : memref<1x3200xf32, #tpu.memory_space<hbm>> -> memref<3200xf32, #tpu.memory_space<hbm>>
      tpu.enqueue_dma source(%dma_start3A_111 : memref<3200xf32, #tpu.memory_space<hbm>>) target(%arg18 : memref<3200xf32, #tpu.memory_space<vmem>>) target_semaphore(%arg26 : memref<!tpu.dma_semaphore, #tpu.memory_space<semaphore_mem>>)
      %add3A_112 = arith.constant 1 : i32
      %add3A_113 = arith.addi %mul3A_32, %add3A_112 : i32
      %dma_start3A_114 = tpu.memref_slice %arg3[%add3A_113, %multiple_of3A] : memref<32x320000xf32, #tpu.memory_space<hbm>> -> memref<1x3200xf32, #tpu.memory_space<hbm>>
      %dma_start3A_115 = tpu.memref_squeeze %dma_start3A_114 : memref<1x3200xf32, #tpu.memory_space<hbm>> -> memref<3200xf32, #tpu.memory_space<hbm>>
      %dma_start3A_116 = tpu.memref_slice %arg3[%add3A_113, %multiple_of3A] : memref<32x320000xf32, #tpu.memory_space<hbm>> -> memref<1x3200xf32, #tpu.memory_space<hbm>>
      %dma_start3A_117 = tpu.memref_squeeze %dma_start3A_116 : memref<1x3200xf32, #tpu.memory_space<hbm>> -> memref<3200xf32, #tpu.memory_space<hbm>>
      tpu.enqueue_dma source(%dma_start3A_117 : memref<3200xf32, #tpu.memory_space<hbm>>) target(%arg19 : memref<3200xf32, #tpu.memory_space<vmem>>) target_semaphore(%arg26 : memref<!tpu.dma_semaphore, #tpu.memory_space<semaphore_mem>>)
      %add3A_118 = arith.constant 2 : i32
      %add3A_119 = arith.addi %mul3A_32, %add3A_118 : i32
      %dma_start3A_120 = tpu.memref_slice %arg3[%add3A_119, %multiple_of3A] : memref<32x320000xf32, #tpu.memory_space<hbm>> -> memref<1x3200xf32, #tpu.memory_space<hbm>>
      %dma_start3A_121 = tpu.memref_squeeze %dma_start3A_120 : memref<1x3200xf32, #tpu.memory_space<hbm>> -> memref<3200xf32, #tpu.memory_space<hbm>>
      %dma_start3A_122 = tpu.memref_slice %arg3[%add3A_119, %multiple_of3A] : memref<32x320000xf32, #tpu.memory_space<hbm>> -> memref<1x3200xf32, #tpu.memory_space<hbm>>
      %dma_start3A_123 = tpu.memref_squeeze %dma_start3A_122 : memref<1x3200xf32, #tpu.memory_space<hbm>> -> memref<3200xf32, #tpu.memory_space<hbm>>
      tpu.enqueue_dma source(%dma_start3A_123 : memref<3200xf32, #tpu.memory_space<hbm>>) target(%arg20 : memref<3200xf32, #tpu.memory_space<vmem>>) target_semaphore(%arg26 : memref<!tpu.dma_semaphore, #tpu.memory_space<semaphore_mem>>)
      %add3A_124 = arith.constant 3 : i32
      %add3A_125 = arith.addi %mul3A_32, %add3A_124 : i32
      %dma_start3A_126 = tpu.memref_slice %arg3[%add3A_125, %multiple_of3A] : memref<32x320000xf32, #tpu.memory_space<hbm>> -> memref<1x3200xf32, #tpu.memory_space<hbm>>
      %dma_start3A_127 = tpu.memref_squeeze %dma_start3A_126 : memref<1x3200xf32, #tpu.memory_space<hbm>> -> memref<3200xf32, #tpu.memory_space<hbm>>
      %dma_start3A_128 = tpu.memref_slice %arg3[%add3A_125, %multiple_of3A] : memref<32x320000xf32, #tpu.memory_space<hbm>> -> memref<1x3200xf32, #tpu.memory_space<hbm>>
      %dma_start3A_129 = tpu.memref_squeeze %dma_start3A_128 : memref<1x3200xf32, #tpu.memory_space<hbm>> -> memref<3200xf32, #tpu.memory_space<hbm>>
      tpu.enqueue_dma source(%dma_start3A_129 : memref<3200xf32, #tpu.memory_space<hbm>>) target(%arg21 : memref<3200xf32, #tpu.memory_space<vmem>>) target_semaphore(%arg26 : memref<!tpu.dma_semaphore, #tpu.memory_space<semaphore_mem>>)
      %dma_wait3A = tpu.memref_slice %arg4[%multiple_of3A] : memref<320000xi32, #tpu.memory_space<hbm>> -> memref<3200xi32, #tpu.memory_space<hbm>>
      %dma_wait3A_130 = tpu.memref_slice %arg4[%multiple_of3A] : memref<320000xi32, #tpu.memory_space<hbm>> -> memref<3200xi32, #tpu.memory_space<hbm>>
      tpu.wait_dma2 semaphore(%arg26 : memref<!tpu.dma_semaphore, #tpu.memory_space<semaphore_mem>>) src(%dma_wait3A_130 : memref<3200xi32, #tpu.memory_space<hbm>>) dst(%arg15 : memref<3200xi32, #tpu.memory_space<vmem>>)
      %dma_wait3A_131 = tpu.memref_slice %arg5[%multiple_of3A] : memref<320000xi32, #tpu.memory_space<hbm>> -> memref<3200xi32, #tpu.memory_space<hbm>>
      %dma_wait3A_132 = tpu.memref_slice %arg5[%multiple_of3A] : memref<320000xi32, #tpu.memory_space<hbm>> -> memref<3200xi32, #tpu.memory_space<hbm>>
      tpu.wait_dma2 semaphore(%arg26 : memref<!tpu.dma_semaphore, #tpu.memory_space<semaphore_mem>>) src(%dma_wait3A_132 : memref<3200xi32, #tpu.memory_space<hbm>>) dst(%arg16 : memref<3200xi32, #tpu.memory_space<vmem>>)
      %dma_wait3A_133 = tpu.memref_slice %arg3[%add3A_107, %multiple_of3A] : memref<32x320000xf32, #tpu.memory_space<hbm>> -> memref<1x3200xf32, #tpu.memory_space<hbm>>
      %dma_wait3A_134 = tpu.memref_squeeze %dma_wait3A_133 : memref<1x3200xf32, #tpu.memory_space<hbm>> -> memref<3200xf32, #tpu.memory_space<hbm>>
      %dma_wait3A_135 = tpu.memref_slice %arg3[%add3A_107, %multiple_of3A] : memref<32x320000xf32, #tpu.memory_space<hbm>> -> memref<1x3200xf32, #tpu.memory_space<hbm>>
      %dma_wait3A_136 = tpu.memref_squeeze %dma_wait3A_135 : memref<1x3200xf32, #tpu.memory_space<hbm>> -> memref<3200xf32, #tpu.memory_space<hbm>>
      tpu.wait_dma2 semaphore(%arg26 : memref<!tpu.dma_semaphore, #tpu.memory_space<semaphore_mem>>) src(%dma_wait3A_136 : memref<3200xf32, #tpu.memory_space<hbm>>) dst(%arg18 : memref<3200xf32, #tpu.memory_space<vmem>>)
      %dma_wait3A_137 = tpu.memref_slice %arg3[%add3A_113, %multiple_of3A] : memref<32x320000xf32, #tpu.memory_space<hbm>> -> memref<1x3200xf32, #tpu.memory_space<hbm>>
      %dma_wait3A_138 = tpu.memref_squeeze %dma_wait3A_137 : memref<1x3200xf32, #tpu.memory_space<hbm>> -> memref<3200xf32, #tpu.memory_space<hbm>>
      %dma_wait3A_139 = tpu.memref_slice %arg3[%add3A_113, %multiple_of3A] : memref<32x320000xf32, #tpu.memory_space<hbm>> -> memref<1x3200xf32, #tpu.memory_space<hbm>>
      %dma_wait3A_140 = tpu.memref_squeeze %dma_wait3A_139 : memref<1x3200xf32, #tpu.memory_space<hbm>> -> memref<3200xf32, #tpu.memory_space<hbm>>
      tpu.wait_dma2 semaphore(%arg26 : memref<!tpu.dma_semaphore, #tpu.memory_space<semaphore_mem>>) src(%dma_wait3A_140 : memref<3200xf32, #tpu.memory_space<hbm>>) dst(%arg19 : memref<3200xf32, #tpu.memory_space<vmem>>)
      %dma_wait3A_141 = tpu.memref_slice %arg3[%add3A_119, %multiple_of3A] : memref<32x320000xf32, #tpu.memory_space<hbm>> -> memref<1x3200xf32, #tpu.memory_space<hbm>>
      %dma_wait3A_142 = tpu.memref_squeeze %dma_wait3A_141 : memref<1x3200xf32, #tpu.memory_space<hbm>> -> memref<3200xf32, #tpu.memory_space<hbm>>
      %dma_wait3A_143 = tpu.memref_slice %arg3[%add3A_119, %multiple_of3A] : memref<32x320000xf32, #tpu.memory_space<hbm>> -> memref<1x3200xf32, #tpu.memory_space<hbm>>
      %dma_wait3A_144 = tpu.memref_squeeze %dma_wait3A_143 : memref<1x3200xf32, #tpu.memory_space<hbm>> -> memref<3200xf32, #tpu.memory_space<hbm>>
      tpu.wait_dma2 semaphore(%arg26 : memref<!tpu.dma_semaphore, #tpu.memory_space<semaphore_mem>>) src(%dma_wait3A_144 : memref<3200xf32, #tpu.memory_space<hbm>>) dst(%arg20 : memref<3200xf32, #tpu.memory_space<vmem>>)
      %dma_wait3A_145 = tpu.memref_slice %arg3[%add3A_125, %multiple_of3A] : memref<32x320000xf32, #tpu.memory_space<hbm>> -> memref<1x3200xf32, #tpu.memory_space<hbm>>
      %dma_wait3A_146 = tpu.memref_squeeze %dma_wait3A_145 : memref<1x3200xf32, #tpu.memory_space<hbm>> -> memref<3200xf32, #tpu.memory_space<hbm>>
      %dma_wait3A_147 = tpu.memref_slice %arg3[%add3A_125, %multiple_of3A] : memref<32x320000xf32, #tpu.memory_space<hbm>> -> memref<1x3200xf32, #tpu.memory_space<hbm>>
      %dma_wait3A_148 = tpu.memref_squeeze %dma_wait3A_147 : memref<1x3200xf32, #tpu.memory_space<hbm>> -> memref<3200xf32, #tpu.memory_space<hbm>>
      tpu.wait_dma2 semaphore(%arg26 : memref<!tpu.dma_semaphore, #tpu.memory_space<semaphore_mem>>) src(%dma_wait3A_148 : memref<3200xf32, #tpu.memory_space<hbm>>) dst(%arg21 : memref<3200xf32, #tpu.memory_space<vmem>>)
      %parallel_loop3A_149 = arith.constant 0 : i32
      %parallel_loop3A_150 = arith.constant 200 : i32
      %parallel_loop3A_151 = arith.constant 1 : i32
      scf.for %parallel_loop3A_158 = %parallel_loop3A_149 to %parallel_loop3A_150 step %parallel_loop3A_151  : i32 {
        %parallel_loop3A_159 = arith.constant 16 : i32
        %parallel_loop3A_160 = arith.muli %parallel_loop3A_158, %parallel_loop3A_159 : i32
        %parallel_loop3A_161 = arith.index_cast %parallel_loop3A_160 : i32 to index
        %parallel_loop3A_162 = tpu.vector_load %arg15[%parallel_loop3A_161] {strides = array<i32>} : memref<3200xi32, #tpu.memory_space<vmem>>, vector<16xi32>,
        %parallel_loop3A_163 = arith.index_cast %parallel_loop3A_160 : i32 to index
        %parallel_loop3A_164 = tpu.vector_load %arg16[%parallel_loop3A_163] {strides = array<i32>} : memref<3200xi32, #tpu.memory_space<vmem>>, vector<16xi32>,
        %parallel_loop3A_165 = arith.constant dense<true> : vector<16xi1>
        %parallel_loop3A_166 = arith.constant -2147483648 : i32
        %parallel_loop3A_167 = vector.broadcast %parallel_loop3A_166 : i32 to vector<16xi32>
        %parallel_loop3A_168 = arith.xori %parallel_loop3A_164, %parallel_loop3A_167 : vector<16xi32>
        %parallel_loop3A_169, %parallel_loop3A_170, %parallel_loop3A_171 = tpu.sort %parallel_loop3A_168, %iota3A masked %parallel_loop3A_165 : (vector<16xi32>, vector<16xi32>, vector<16xi1>) -> (vector<16xi1>, vector<16xi32>, vector<16xi32>)
        %parallel_loop3A_172 = arith.xori %parallel_loop3A_170, %parallel_loop3A_167 : vector<16xi32>
        %parallel_loop3A_173 = vector.shape_cast %min3A_48 : vector<16xi32> to vector<16x1xi32>
        %parallel_loop3A_174 = vector.shape_cast %parallel_loop3A_173 : vector<16x1xi32> to vector<16xi32>
        %parallel_loop3A_175 = tpu.dynamic_gather %parallel_loop3A_172[%parallel_loop3A_174] in [0] : vector<16xi32>, vector<16xi32> -> vector<16xi32>
        %parallel_loop3A_176 = arith.cmpi ne, %parallel_loop3A_172, %parallel_loop3A_175 : vector<16xi32>
        %parallel_loop3A_177 = arith.constant 15 : i32
        %parallel_loop3A_178 = vector.broadcast %parallel_loop3A_177 : i32 to vector<16xi32>
        %parallel_loop3A_179 = arith.cmpi eq, %iota3A, %parallel_loop3A_178 : vector<16xi32>
        %parallel_loop3A_180 = arith.ori %parallel_loop3A_176, %parallel_loop3A_179 : vector<16xi1>
        %parallel_loop3A_181 = arith.constant 10000 : i32
        %parallel_loop3A_182 = vector.broadcast %parallel_loop3A_181 : i32 to vector<16xi32>
        %parallel_loop3A_183 = arith.addi %parallel_loop3A_182, %iota3A : vector<16xi32>
        %parallel_loop3A_184 = arith.select %parallel_loop3A_180, %parallel_loop3A_172, %parallel_loop3A_183 : vector<16xi1>, vector<16xi32>
        %parallel_loop3A_185 = arith.index_cast %parallel_loop3A_160 : i32 to index
        %parallel_loop3A_186 = tpu.vector_load %arg17[%parallel_loop3A_185] {strides = array<i32>} : memref<3200xi32, #tpu.memory_space<vmem>>, vector<16xi32>,
        tpu.vector_store %arg17[%parallel_loop3A_185], %parallel_loop3A_184 {strides = array<i32>} : memref<3200xi32, #tpu.memory_space<vmem>>, vector<16xi32>,
        %parallel_loop3A_187 = vector.shape_cast %max3A_53 : vector<16xi32> to vector<16x1xi32>
        %parallel_loop3A_188 = vector.shape_cast %parallel_loop3A_187 : vector<16x1xi32> to vector<16xi32>
        %parallel_loop3A_189 = tpu.dynamic_gather %parallel_loop3A_172[%parallel_loop3A_188] in [0] : vector<16xi32>, vector<16xi32> -> vector<16xi32>
        %parallel_loop3A_190 = arith.cmpi eq, %parallel_loop3A_172, %parallel_loop3A_189 : vector<16xi32>
        %parallel_loop3A_191 = arith.constant 1 : i32
        %parallel_loop3A_192 = vector.broadcast %parallel_loop3A_191 : i32 to vector<16xi32>
        %parallel_loop3A_193 = arith.cmpi sge, %iota3A, %parallel_loop3A_192 : vector<16xi32>
        %parallel_loop3A_194 = arith.andi %parallel_loop3A_190, %parallel_loop3A_193 : vector<16xi1>
        %parallel_loop3A_195 = vector.shape_cast %max3A_59 : vector<16xi32> to vector<16x1xi32>
        %parallel_loop3A_196 = vector.shape_cast %parallel_loop3A_195 : vector<16x1xi32> to vector<16xi32>
        %parallel_loop3A_197 = tpu.dynamic_gather %parallel_loop3A_172[%parallel_loop3A_196] in [0] : vector<16xi32>, vector<16xi32> -> vector<16xi32>
        %parallel_loop3A_198 = arith.cmpi eq, %parallel_loop3A_172, %parallel_loop3A_197 : vector<16xi32>
        %parallel_loop3A_199 = arith.constant 2 : i32
        %parallel_loop3A_200 = vector.broadcast %parallel_loop3A_199 : i32 to vector<16xi32>
        %parallel_loop3A_201 = arith.cmpi sge, %iota3A, %parallel_loop3A_200 : vector<16xi32>
        %parallel_loop3A_202 = arith.andi %parallel_loop3A_198, %parallel_loop3A_201 : vector<16xi1>
        %parallel_loop3A_203 = vector.shape_cast %max3A_65 : vector<16xi32> to vector<16x1xi32>
        %parallel_loop3A_204 = vector.shape_cast %parallel_loop3A_203 : vector<16x1xi32> to vector<16xi32>
        %parallel_loop3A_205 = tpu.dynamic_gather %parallel_loop3A_172[%parallel_loop3A_204] in [0] : vector<16xi32>, vector<16xi32> -> vector<16xi32>
        %parallel_loop3A_206 = arith.cmpi eq, %parallel_loop3A_172, %parallel_loop3A_205 : vector<16xi32>
        %parallel_loop3A_207 = arith.constant 4 : i32
        %parallel_loop3A_208 = vector.broadcast %parallel_loop3A_207 : i32 to vector<16xi32>
        %parallel_loop3A_209 = arith.cmpi sge, %iota3A, %parallel_loop3A_208 : vector<16xi32>
        %parallel_loop3A_210 = arith.andi %parallel_loop3A_206, %parallel_loop3A_209 : vector<16xi1>
        %parallel_loop3A_211 = vector.shape_cast %max3A_71 : vector<16xi32> to vector<16x1xi32>
        %parallel_loop3A_212 = vector.shape_cast %parallel_loop3A_211 : vector<16x1xi32> to vector<16xi32>
        %parallel_loop3A_213 = tpu.dynamic_gather %parallel_loop3A_172[%parallel_loop3A_212] in [0] : vector<16xi32>, vector<16xi32> -> vector<16xi32>
        %parallel_loop3A_214 = arith.cmpi eq, %parallel_loop3A_172, %parallel_loop3A_213 : vector<16xi32>
        %parallel_loop3A_215 = arith.constant 8 : i32
        %parallel_loop3A_216 = vector.broadcast %parallel_loop3A_215 : i32 to vector<16xi32>
        %parallel_loop3A_217 = arith.cmpi sge, %iota3A, %parallel_loop3A_216 : vector<16xi32>
        %parallel_loop3A_218 = arith.andi %parallel_loop3A_214, %parallel_loop3A_217 : vector<16xi1>
        %parallel_loop3A_219 = tpu.vector_load_idx %arg7[%parallel_loop3A_162] : memref<10000xf32, #tpu.memory_space<vmem>>[vector<16xi32>], vector<16xf32>,
        %parallel_loop3A_220 = arith.index_cast %parallel_loop3A_160 : i32 to index
        %parallel_loop3A_221 = tpu.vector_load %arg18[%parallel_loop3A_220] {strides = array<i32>} : memref<3200xf32, #tpu.memory_space<vmem>>, vector<16xf32>,
        %parallel_loop3A_222 = arith.addf %parallel_loop3A_219, %parallel_loop3A_221 : vector<16xf32>
        %parallel_loop3A_223 = vector.shape_cast %parallel_loop3A_171 : vector<16xi32> to vector<16x1xi32>
        %parallel_loop3A_224 = vector.shape_cast %parallel_loop3A_223 : vector<16x1xi32> to vector<16xi32>
        %parallel_loop3A_225 = tpu.dynamic_gather %parallel_loop3A_222[%parallel_loop3A_224] in [0] : vector<16xf32>, vector<16xi32> -> vector<16xf32>
        %parallel_loop3A_226 = vector.shape_cast %max3A_53 : vector<16xi32> to vector<16x1xi32>
        %parallel_loop3A_227 = vector.shape_cast %parallel_loop3A_226 : vector<16x1xi32> to vector<16xi32>
        %parallel_loop3A_228 = tpu.dynamic_gather %parallel_loop3A_225[%parallel_loop3A_227] in [0] : vector<16xf32>, vector<16xi32> -> vector<16xf32>
        %parallel_loop3A_229 = arith.constant 0xFF800000 : f32
        %parallel_loop3A_230 = vector.broadcast %parallel_loop3A_229 : f32 to vector<16xf32>
        %parallel_loop3A_231 = arith.select %parallel_loop3A_194, %parallel_loop3A_228, %parallel_loop3A_230 : vector<16xi1>, vector<16xf32>
        %parallel_loop3A_232 = arith.maximumf %parallel_loop3A_225, %parallel_loop3A_231 : vector<16xf32>
        %parallel_loop3A_233 = vector.shape_cast %max3A_59 : vector<16xi32> to vector<16x1xi32>
        %parallel_loop3A_234 = vector.shape_cast %parallel_loop3A_233 : vector<16x1xi32> to vector<16xi32>
        %parallel_loop3A_235 = tpu.dynamic_gather %parallel_loop3A_232[%parallel_loop3A_234] in [0] : vector<16xf32>, vector<16xi32> -> vector<16xf32>
        %parallel_loop3A_236 = arith.constant 0xFF800000 : f32
        %parallel_loop3A_237 = vector.broadcast %parallel_loop3A_236 : f32 to vector<16xf32>
        %parallel_loop3A_238 = arith.select %parallel_loop3A_202, %parallel_loop3A_235, %parallel_loop3A_237 : vector<16xi1>, vector<16xf32>
        %parallel_loop3A_239 = arith.maximumf %parallel_loop3A_232, %parallel_loop3A_238 : vector<16xf32>
        %parallel_loop3A_240 = vector.shape_cast %max3A_65 : vector<16xi32> to vector<16x1xi32>
        %parallel_loop3A_241 = vector.shape_cast %parallel_loop3A_240 : vector<16x1xi32> to vector<16xi32>
        %parallel_loop3A_242 = tpu.dynamic_gather %parallel_loop3A_239[%parallel_loop3A_241] in [0] : vector<16xf32>, vector<16xi32> -> vector<16xf32>
        %parallel_loop3A_243 = arith.constant 0xFF800000 : f32
        %parallel_loop3A_244 = vector.broadcast %parallel_loop3A_243 : f32 to vector<16xf32>
        %parallel_loop3A_245 = arith.select %parallel_loop3A_210, %parallel_loop3A_242, %parallel_loop3A_244 : vector<16xi1>, vector<16xf32>
        %parallel_loop3A_246 = arith.maximumf %parallel_loop3A_239, %parallel_loop3A_245 : vector<16xf32>
        %parallel_loop3A_247 = vector.shape_cast %max3A_71 : vector<16xi32> to vector<16x1xi32>
        %parallel_loop3A_248 = vector.shape_cast %parallel_loop3A_247 : vector<16x1xi32> to vector<16xi32>
        %parallel_loop3A_249 = tpu.dynamic_gather %parallel_loop3A_246[%parallel_loop3A_248] in [0] : vector<16xf32>, vector<16xi32> -> vector<16xf32>
        %parallel_loop3A_250 = arith.constant 0xFF800000 : f32
        %parallel_loop3A_251 = vector.broadcast %parallel_loop3A_250 : f32 to vector<16xf32>
        %parallel_loop3A_252 = arith.select %parallel_loop3A_218, %parallel_loop3A_249, %parallel_loop3A_251 : vector<16xi1>, vector<16xf32>
        %parallel_loop3A_253 = arith.maximumf %parallel_loop3A_246, %parallel_loop3A_252 : vector<16xf32>
        %parallel_loop3A_254 = arith.index_cast %parallel_loop3A_160 : i32 to index
        %parallel_loop3A_255 = tpu.vector_load %arg22[%parallel_loop3A_254] {strides = array<i32>} : memref<3200xf32, #tpu.memory_space<vmem>>, vector<16xf32>,
        tpu.vector_store %arg22[%parallel_loop3A_254], %parallel_loop3A_253 {strides = array<i32>} : memref<3200xf32, #tpu.memory_space<vmem>>, vector<16xf32>,
        %parallel_loop3A_256 = tpu.vector_load_idx %arg8[%parallel_loop3A_162] : memref<10000xf32, #tpu.memory_space<vmem>>[vector<16xi32>], vector<16xf32>,
        %parallel_loop3A_257 = arith.index_cast %parallel_loop3A_160 : i32 to index
        %parallel_loop3A_258 = tpu.vector_load %arg19[%parallel_loop3A_257] {strides = array<i32>} : memref<3200xf32, #tpu.memory_space<vmem>>, vector<16xf32>,
        %parallel_loop3A_259 = arith.addf %parallel_loop3A_256, %parallel_loop3A_258 : vector<16xf32>
        %parallel_loop3A_260 = vector.shape_cast %parallel_loop3A_171 : vector<16xi32> to vector<16x1xi32>
        %parallel_loop3A_261 = vector.shape_cast %parallel_loop3A_260 : vector<16x1xi32> to vector<16xi32>
        %parallel_loop3A_262 = tpu.dynamic_gather %parallel_loop3A_259[%parallel_loop3A_261] in [0] : vector<16xf32>, vector<16xi32> -> vector<16xf32>
        %parallel_loop3A_263 = vector.shape_cast %max3A_53 : vector<16xi32> to vector<16x1xi32>
        %parallel_loop3A_264 = vector.shape_cast %parallel_loop3A_263 : vector<16x1xi32> to vector<16xi32>
        %parallel_loop3A_265 = tpu.dynamic_gather %parallel_loop3A_262[%parallel_loop3A_264] in [0] : vector<16xf32>, vector<16xi32> -> vector<16xf32>
        %parallel_loop3A_266 = arith.constant 0xFF800000 : f32
        %parallel_loop3A_267 = vector.broadcast %parallel_loop3A_266 : f32 to vector<16xf32>
        %parallel_loop3A_268 = arith.select %parallel_loop3A_194, %parallel_loop3A_265, %parallel_loop3A_267 : vector<16xi1>, vector<16xf32>
        %parallel_loop3A_269 = arith.maximumf %parallel_loop3A_262, %parallel_loop3A_268 : vector<16xf32>
        %parallel_loop3A_270 = vector.shape_cast %max3A_59 : vector<16xi32> to vector<16x1xi32>
        %parallel_loop3A_271 = vector.shape_cast %parallel_loop3A_270 : vector<16x1xi32> to vector<16xi32>
        %parallel_loop3A_272 = tpu.dynamic_gather %parallel_loop3A_269[%parallel_loop3A_271] in [0] : vector<16xf32>, vector<16xi32> -> vector<16xf32>
        %parallel_loop3A_273 = arith.constant 0xFF800000 : f32
        %parallel_loop3A_274 = vector.broadcast %parallel_loop3A_273 : f32 to vector<16xf32>
        %parallel_loop3A_275 = arith.select %parallel_loop3A_202, %parallel_loop3A_272, %parallel_loop3A_274 : vector<16xi1>, vector<16xf32>
        %parallel_loop3A_276 = arith.maximumf %parallel_loop3A_269, %parallel_loop3A_275 : vector<16xf32>
        %parallel_loop3A_277 = vector.shape_cast %max3A_65 : vector<16xi32> to vector<16x1xi32>
        %parallel_loop3A_278 = vector.shape_cast %parallel_loop3A_277 : vector<16x1xi32> to vector<16xi32>
        %parallel_loop3A_279 = tpu.dynamic_gather %parallel_loop3A_276[%parallel_loop3A_278] in [0] : vector<16xf32>, vector<16xi32> -> vector<16xf32>
        %parallel_loop3A_280 = arith.constant 0xFF800000 : f32
        %parallel_loop3A_281 = vector.broadcast %parallel_loop3A_280 : f32 to vector<16xf32>
        %parallel_loop3A_282 = arith.select %parallel_loop3A_210, %parallel_loop3A_279, %parallel_loop3A_281 : vector<16xi1>, vector<16xf32>
        %parallel_loop3A_283 = arith.maximumf %parallel_loop3A_276, %parallel_loop3A_282 : vector<16xf32>
        %parallel_loop3A_284 = vector.shape_cast %max3A_71 : vector<16xi32> to vector<16x1xi32>
        %parallel_loop3A_285 = vector.shape_cast %parallel_loop3A_284 : vector<16x1xi32> to vector<16xi32>
        %parallel_loop3A_286 = tpu.dynamic_gather %parallel_loop3A_283[%parallel_loop3A_285] in [0] : vector<16xf32>, vector<16xi32> -> vector<16xf32>
        %parallel_loop3A_287 = arith.constant 0xFF800000 : f32
        %parallel_loop3A_288 = vector.broadcast %parallel_loop3A_287 : f32 to vector<16xf32>
        %parallel_loop3A_289 = arith.select %parallel_loop3A_218, %parallel_loop3A_286, %parallel_loop3A_288 : vector<16xi1>, vector<16xf32>
        %parallel_loop3A_290 = arith.maximumf %parallel_loop3A_283, %parallel_loop3A_289 : vector<16xf32>
        %parallel_loop3A_291 = arith.index_cast %parallel_loop3A_160 : i32 to index
        %parallel_loop3A_292 = tpu.vector_load %arg23[%parallel_loop3A_291] {strides = array<i32>} : memref<3200xf32, #tpu.memory_space<vmem>>, vector<16xf32>,
        tpu.vector_store %arg23[%parallel_loop3A_291], %parallel_loop3A_290 {strides = array<i32>} : memref<3200xf32, #tpu.memory_space<vmem>>, vector<16xf32>,
        %parallel_loop3A_293 = tpu.vector_load_idx %arg9[%parallel_loop3A_162] : memref<10000xf32, #tpu.memory_space<vmem>>[vector<16xi32>], vector<16xf32>,
        %parallel_loop3A_294 = arith.index_cast %parallel_loop3A_160 : i32 to index
        %parallel_loop3A_295 = tpu.vector_load %arg20[%parallel_loop3A_294] {strides = array<i32>} : memref<3200xf32, #tpu.memory_space<vmem>>, vector<16xf32>,
        %parallel_loop3A_296 = arith.addf %parallel_loop3A_293, %parallel_loop3A_295 : vector<16xf32>
        %parallel_loop3A_297 = vector.shape_cast %parallel_loop3A_171 : vector<16xi32> to vector<16x1xi32>
        %parallel_loop3A_298 = vector.shape_cast %parallel_loop3A_297 : vector<16x1xi32> to vector<16xi32>
        %parallel_loop3A_299 = tpu.dynamic_gather %parallel_loop3A_296[%parallel_loop3A_298] in [0] : vector<16xf32>, vector<16xi32> -> vector<16xf32>
        %parallel_loop3A_300 = vector.shape_cast %max3A_53 : vector<16xi32> to vector<16x1xi32>
        %parallel_loop3A_301 = vector.shape_cast %parallel_loop3A_300 : vector<16x1xi32> to vector<16xi32>
        %parallel_loop3A_302 = tpu.dynamic_gather %parallel_loop3A_299[%parallel_loop3A_301] in [0] : vector<16xf32>, vector<16xi32> -> vector<16xf32>
        %parallel_loop3A_303 = arith.constant 0xFF800000 : f32
        %parallel_loop3A_304 = vector.broadcast %parallel_loop3A_303 : f32 to vector<16xf32>
        %parallel_loop3A_305 = arith.select %parallel_loop3A_194, %parallel_loop3A_302, %parallel_loop3A_304 : vector<16xi1>, vector<16xf32>
        %parallel_loop3A_306 = arith.maximumf %parallel_loop3A_299, %parallel_loop3A_305 : vector<16xf32>
        %parallel_loop3A_307 = vector.shape_cast %max3A_59 : vector<16xi32> to vector<16x1xi32>
        %parallel_loop3A_308 = vector.shape_cast %parallel_loop3A_307 : vector<16x1xi32> to vector<16xi32>
        %parallel_loop3A_309 = tpu.dynamic_gather %parallel_loop3A_306[%parallel_loop3A_308] in [0] : vector<16xf32>, vector<16xi32> -> vector<16xf32>
        %parallel_loop3A_310 = arith.constant 0xFF800000 : f32
        %parallel_loop3A_311 = vector.broadcast %parallel_loop3A_310 : f32 to vector<16xf32>
        %parallel_loop3A_312 = arith.select %parallel_loop3A_202, %parallel_loop3A_309, %parallel_loop3A_311 : vector<16xi1>, vector<16xf32>
        %parallel_loop3A_313 = arith.maximumf %parallel_loop3A_306, %parallel_loop3A_312 : vector<16xf32>
        %parallel_loop3A_314 = vector.shape_cast %max3A_65 : vector<16xi32> to vector<16x1xi32>
        %parallel_loop3A_315 = vector.shape_cast %parallel_loop3A_314 : vector<16x1xi32> to vector<16xi32>
        %parallel_loop3A_316 = tpu.dynamic_gather %parallel_loop3A_313[%parallel_loop3A_315] in [0] : vector<16xf32>, vector<16xi32> -> vector<16xf32>
        %parallel_loop3A_317 = arith.constant 0xFF800000 : f32
        %parallel_loop3A_318 = vector.broadcast %parallel_loop3A_317 : f32 to vector<16xf32>
        %parallel_loop3A_319 = arith.select %parallel_loop3A_210, %parallel_loop3A_316, %parallel_loop3A_318 : vector<16xi1>, vector<16xf32>
        %parallel_loop3A_320 = arith.maximumf %parallel_loop3A_313, %parallel_loop3A_319 : vector<16xf32>
        %parallel_loop3A_321 = vector.shape_cast %max3A_71 : vector<16xi32> to vector<16x1xi32>
        %parallel_loop3A_322 = vector.shape_cast %parallel_loop3A_321 : vector<16x1xi32> to vector<16xi32>
        %parallel_loop3A_323 = tpu.dynamic_gather %parallel_loop3A_320[%parallel_loop3A_322] in [0] : vector<16xf32>, vector<16xi32> -> vector<16xf32>
        %parallel_loop3A_324 = arith.constant 0xFF800000 : f32
        %parallel_loop3A_325 = vector.broadcast %parallel_loop3A_324 : f32 to vector<16xf32>
        %parallel_loop3A_326 = arith.select %parallel_loop3A_218, %parallel_loop3A_323, %parallel_loop3A_325 : vector<16xi1>, vector<16xf32>
        %parallel_loop3A_327 = arith.maximumf %parallel_loop3A_320, %parallel_loop3A_326 : vector<16xf32>
        %parallel_loop3A_328 = arith.index_cast %parallel_loop3A_160 : i32 to index
        %parallel_loop3A_329 = tpu.vector_load %arg24[%parallel_loop3A_328] {strides = array<i32>} : memref<3200xf32, #tpu.memory_space<vmem>>, vector<16xf32>,
        tpu.vector_store %arg24[%parallel_loop3A_328], %parallel_loop3A_327 {strides = array<i32>} : memref<3200xf32, #tpu.memory_space<vmem>>, vector<16xf32>,
        %parallel_loop3A_330 = tpu.vector_load_idx %arg10[%parallel_loop3A_162] : memref<10000xf32, #tpu.memory_space<vmem>>[vector<16xi32>], vector<16xf32>,
        %parallel_loop3A_331 = arith.index_cast %parallel_loop3A_160 : i32 to index
        %parallel_loop3A_332 = tpu.vector_load %arg21[%parallel_loop3A_331] {strides = array<i32>} : memref<3200xf32, #tpu.memory_space<vmem>>, vector<16xf32>,
        %parallel_loop3A_333 = arith.addf %parallel_loop3A_330, %parallel_loop3A_332 : vector<16xf32>
        %parallel_loop3A_334 = vector.shape_cast %parallel_loop3A_171 : vector<16xi32> to vector<16x1xi32>
        %parallel_loop3A_335 = vector.shape_cast %parallel_loop3A_334 : vector<16x1xi32> to vector<16xi32>
        %parallel_loop3A_336 = tpu.dynamic_gather %parallel_loop3A_333[%parallel_loop3A_335] in [0] : vector<16xf32>, vector<16xi32> -> vector<16xf32>
        %parallel_loop3A_337 = vector.shape_cast %max3A_53 : vector<16xi32> to vector<16x1xi32>
        %parallel_loop3A_338 = vector.shape_cast %parallel_loop3A_337 : vector<16x1xi32> to vector<16xi32>
        %parallel_loop3A_339 = tpu.dynamic_gather %parallel_loop3A_336[%parallel_loop3A_338] in [0] : vector<16xf32>, vector<16xi32> -> vector<16xf32>
        %parallel_loop3A_340 = arith.constant 0xFF800000 : f32
        %parallel_loop3A_341 = vector.broadcast %parallel_loop3A_340 : f32 to vector<16xf32>
        %parallel_loop3A_342 = arith.select %parallel_loop3A_194, %parallel_loop3A_339, %parallel_loop3A_341 : vector<16xi1>, vector<16xf32>
        %parallel_loop3A_343 = arith.maximumf %parallel_loop3A_336, %parallel_loop3A_342 : vector<16xf32>
        %parallel_loop3A_344 = vector.shape_cast %max3A_59 : vector<16xi32> to vector<16x1xi32>
        %parallel_loop3A_345 = vector.shape_cast %parallel_loop3A_344 : vector<16x1xi32> to vector<16xi32>
        %parallel_loop3A_346 = tpu.dynamic_gather %parallel_loop3A_343[%parallel_loop3A_345] in [0] : vector<16xf32>, vector<16xi32> -> vector<16xf32>
        %parallel_loop3A_347 = arith.constant 0xFF800000 : f32
        %parallel_loop3A_348 = vector.broadcast %parallel_loop3A_347 : f32 to vector<16xf32>
        %parallel_loop3A_349 = arith.select %parallel_loop3A_202, %parallel_loop3A_346, %parallel_loop3A_348 : vector<16xi1>, vector<16xf32>
        %parallel_loop3A_350 = arith.maximumf %parallel_loop3A_343, %parallel_loop3A_349 : vector<16xf32>
        %parallel_loop3A_351 = vector.shape_cast %max3A_65 : vector<16xi32> to vector<16x1xi32>
        %parallel_loop3A_352 = vector.shape_cast %parallel_loop3A_351 : vector<16x1xi32> to vector<16xi32>
        %parallel_loop3A_353 = tpu.dynamic_gather %parallel_loop3A_350[%parallel_loop3A_352] in [0] : vector<16xf32>, vector<16xi32> -> vector<16xf32>
        %parallel_loop3A_354 = arith.constant 0xFF800000 : f32
        %parallel_loop3A_355 = vector.broadcast %parallel_loop3A_354 : f32 to vector<16xf32>
        %parallel_loop3A_356 = arith.select %parallel_loop3A_210, %parallel_loop3A_353, %parallel_loop3A_355 : vector<16xi1>, vector<16xf32>
        %parallel_loop3A_357 = arith.maximumf %parallel_loop3A_350, %parallel_loop3A_356 : vector<16xf32>
        %parallel_loop3A_358 = vector.shape_cast %max3A_71 : vector<16xi32> to vector<16x1xi32>
        %parallel_loop3A_359 = vector.shape_cast %parallel_loop3A_358 : vector<16x1xi32> to vector<16xi32>
        %parallel_loop3A_360 = tpu.dynamic_gather %parallel_loop3A_357[%parallel_loop3A_359] in [0] : vector<16xf32>, vector<16xi32> -> vector<16xf32>
        %parallel_loop3A_361 = arith.constant 0xFF800000 : f32
        %parallel_loop3A_362 = vector.broadcast %parallel_loop3A_361 : f32 to vector<16xf32>
        %parallel_loop3A_363 = arith.select %parallel_loop3A_218, %parallel_loop3A_360, %parallel_loop3A_362 : vector<16xi1>, vector<16xf32>
        %parallel_loop3A_364 = arith.maximumf %parallel_loop3A_357, %parallel_loop3A_363 : vector<16xf32>
        %parallel_loop3A_365 = arith.index_cast %parallel_loop3A_160 : i32 to index
        %parallel_loop3A_366 = tpu.vector_load %arg25[%parallel_loop3A_365] {strides = array<i32>} : memref<3200xf32, #tpu.memory_space<vmem>>, vector<16xf32>,
        tpu.vector_store %arg25[%parallel_loop3A_365], %parallel_loop3A_364 {strides = array<i32>} : memref<3200xf32, #tpu.memory_space<vmem>>, vector<16xf32>,
      } {sc.loop_unroll_factor = 2 : i64, sc.parallel_access}
      %scan3A_152 = arith.constant 0 : i32
      %scan3A_153 = arith.constant 0 : i32
      %scan3A_154 = arith.constant 100 : i32
      %scan3A_155 = arith.addi %scan3A_153, %scan3A_154 : i32
      %scan3A_156 = arith.constant 1 : i32
      scf.for %scan3A_158 = %scan3A_153 to %scan3A_155 step %scan3A_156  : i32 {
        %mul3A_159 = arith.constant 2 : i32
        %mul3A_160 = arith.muli %scan3A_158, %mul3A_159 : i32
        %add3A_161 = arith.constant 0 : i32
        %add3A_162 = arith.addi %mul3A_160, %add3A_161 : i32
        %mul3A_163 = arith.constant 16 : i32
        %mul3A_164 = arith.muli %add3A_162, %mul3A_163 : i32
        %get3A = arith.index_cast %mul3A_164 : i32 to index
        %get3A_165 = tpu.vector_load %arg17[%get3A] {strides = array<i32>} : memref<3200xi32, #tpu.memory_space<vmem>>, vector<16xi32>,
        %get3A_166 = arith.index_cast %mul3A_164 : i32 to index
        %get3A_167 = tpu.vector_load %arg22[%get3A_166] {strides = array<i32>} : memref<3200xf32, #tpu.memory_space<vmem>>, vector<16xf32>,
        %gather3A = tpu.vector_load_idx %arg11[%get3A_165] : memref<10016xf32, #tpu.memory_space<vmem>>[vector<16xi32>], vector<16xf32>,
        %max3A_168 = arith.maximumf %gather3A, %get3A_167 : vector<16xf32>
        tpu.vector_store_idx %arg11[%get3A_165], %max3A_168 : memref<10016xf32, #tpu.memory_space<vmem>>[vector<16xi32>], vector<16xf32>,
        %get3A_169 = arith.index_cast %mul3A_164 : i32 to index
        %get3A_170 = tpu.vector_load %arg23[%get3A_169] {strides = array<i32>} : memref<3200xf32, #tpu.memory_space<vmem>>, vector<16xf32>,
        %gather3A_171 = tpu.vector_load_idx %arg12[%get3A_165] : memref<10016xf32, #tpu.memory_space<vmem>>[vector<16xi32>], vector<16xf32>,
        %max3A_172 = arith.maximumf %gather3A_171, %get3A_170 : vector<16xf32>
        tpu.vector_store_idx %arg12[%get3A_165], %max3A_172 : memref<10016xf32, #tpu.memory_space<vmem>>[vector<16xi32>], vector<16xf32>,
        %get3A_173 = arith.index_cast %mul3A_164 : i32 to index
        %get3A_174 = tpu.vector_load %arg24[%get3A_173] {strides = array<i32>} : memref<3200xf32, #tpu.memory_space<vmem>>, vector<16xf32>,
        %gather3A_175 = tpu.vector_load_idx %arg13[%get3A_165] : memref<10016xf32, #tpu.memory_space<vmem>>[vector<16xi32>], vector<16xf32>,
        %max3A_176 = arith.maximumf %gather3A_175, %get3A_174 : vector<16xf32>
        tpu.vector_store_idx %arg13[%get3A_165], %max3A_176 : memref<10016xf32, #tpu.memory_space<vmem>>[vector<16xi32>], vector<16xf32>,
        %get3A_177 = arith.index_cast %mul3A_164 : i32 to index
        %get3A_178 = tpu.vector_load %arg25[%get3A_177] {strides = array<i32>} : memref<3200xf32, #tpu.memory_space<vmem>>, vector<16xf32>,
        %gather3A_179 = tpu.vector_load_idx %arg14[%get3A_165] : memref<10016xf32, #tpu.memory_space<vmem>>[vector<16xi32>], vector<16xf32>,
        %max3A_180 = arith.maximumf %gather3A_179, %get3A_178 : vector<16xf32>
        tpu.vector_store_idx %arg14[%get3A_165], %max3A_180 : memref<10016xf32, #tpu.memory_space<vmem>>[vector<16xi32>], vector<16xf32>,
        %mul3A_181 = arith.constant 2 : i32
        %mul3A_182 = arith.muli %scan3A_158, %mul3A_181 : i32
        %add3A_183 = arith.constant 1 : i32
        %add3A_184 = arith.addi %mul3A_182, %add3A_183 : i32
        %mul3A_185 = arith.constant 16 : i32
        %mul3A_186 = arith.muli %add3A_184, %mul3A_185 : i32
        %get3A_187 = arith.index_cast %mul3A_186 : i32 to index
        %get3A_188 = tpu.vector_load %arg17[%get3A_187] {strides = array<i32>} : memref<3200xi32, #tpu.memory_space<vmem>>, vector<16xi32>,
        %get3A_189 = arith.index_cast %mul3A_186 : i32 to index
        %get3A_190 = tpu.vector_load %arg22[%get3A_189] {strides = array<i32>} : memref<3200xf32, #tpu.memory_space<vmem>>, vector<16xf32>,
        %gather3A_191 = tpu.vector_load_idx %arg11[%get3A_188] : memref<10016xf32, #tpu.memory_space<vmem>>[vector<16xi32>], vector<16xf32>,
        %max3A_192 = arith.maximumf %gather3A_191, %get3A_190 : vector<16xf32>
        tpu.vector_store_idx %arg11[%get3A_188], %max3A_192 : memref<10016xf32, #tpu.memory_space<vmem>>[vector<16xi32>], vector<16xf32>,
        %get3A_193 = arith.index_cast %mul3A_186 : i32 to index
        %get3A_194 = tpu.vector_load %arg23[%get3A_193] {strides = array<i32>} : memref<3200xf32, #tpu.memory_space<vmem>>, vector<16xf32>,
        %gather3A_195 = tpu.vector_load_idx %arg12[%get3A_188] : memref<10016xf32, #tpu.memory_space<vmem>>[vector<16xi32>], vector<16xf32>,
        %max3A_196 = arith.maximumf %gather3A_195, %get3A_194 : vector<16xf32>
        tpu.vector_store_idx %arg12[%get3A_188], %max3A_196 : memref<10016xf32, #tpu.memory_space<vmem>>[vector<16xi32>], vector<16xf32>,
        %get3A_197 = arith.index_cast %mul3A_186 : i32 to index
        %get3A_198 = tpu.vector_load %arg24[%get3A_197] {strides = array<i32>} : memref<3200xf32, #tpu.memory_space<vmem>>, vector<16xf32>,
        %gather3A_199 = tpu.vector_load_idx %arg13[%get3A_188] : memref<10016xf32, #tpu.memory_space<vmem>>[vector<16xi32>], vector<16xf32>,
        %max3A_200 = arith.maximumf %gather3A_199, %get3A_198 : vector<16xf32>
        tpu.vector_store_idx %arg13[%get3A_188], %max3A_200 : memref<10016xf32, #tpu.memory_space<vmem>>[vector<16xi32>], vector<16xf32>,
        %get3A_201 = arith.index_cast %mul3A_186 : i32 to index
        %get3A_202 = tpu.vector_load %arg25[%get3A_201] {strides = array<i32>} : memref<3200xf32, #tpu.memory_space<vmem>>, vector<16xf32>,
        %gather3A_203 = tpu.vector_load_idx %arg14[%get3A_188] : memref<10016xf32, #tpu.memory_space<vmem>>[vector<16xi32>], vector<16xf32>,
        %max3A_204 = arith.maximumf %gather3A_203, %get3A_202 : vector<16xf32>
        tpu.vector_store_idx %arg14[%get3A_188], %max3A_204 : memref<10016xf32, #tpu.memory_space<vmem>>[vector<16xi32>], vector<16xf32>,
      }
      %scan3A_157 = arith.constant 100 : i32
    }
    %scan3A_78 = arith.constant 25 : i32
    %mul3A_79 = arith.constant 32 : i32
    %mul3A_80 = arith.muli %select_n3A_30, %mul3A_79 : i32
    %add3A_81 = arith.addi %mul3A_80, %mul3A_32 : i32
    %add3A_82 = arith.constant 0 : i32
    %add3A_83 = arith.addi %add3A_81, %add3A_82 : i32
    "tpu.region"() ({
      %run_scoped3A = tpu.sem_alloc : memref<!tpu.dma_semaphore, #tpu.memory_space<semaphore_mem>>
      %dma_start3A = arith.constant 0 : i32
      %dma_start3A_99 = tpu.memref_slice %arg6[%add3A_83, %dma_start3A] : memref<128x10016xf32, #tpu.memory_space<hbm>> -> memref<1x10016xf32, #tpu.memory_space<hbm>>
      %dma_start3A_100 = tpu.memref_squeeze %dma_start3A_99 : memref<1x10016xf32, #tpu.memory_space<hbm>> -> memref<10016xf32, #tpu.memory_space<hbm>>
      %dma_start3A_101 = arith.constant 0 : i32
      %dma_start3A_102 = tpu.memref_slice %arg6[%add3A_83, %dma_start3A_101] : memref<128x10016xf32, #tpu.memory_space<hbm>> -> memref<1x10016xf32, #tpu.memory_space<hbm>>
      %dma_start3A_103 = tpu.memref_squeeze %dma_start3A_102 : memref<1x10016xf32, #tpu.memory_space<hbm>> -> memref<10016xf32, #tpu.memory_space<hbm>>
      tpu.enqueue_dma source(%arg11 : memref<10016xf32, #tpu.memory_space<vmem>>) target(%dma_start3A_103 : memref<10016xf32, #tpu.memory_space<hbm>>) target_semaphore(%run_scoped3A : memref<!tpu.dma_semaphore, #tpu.memory_space<semaphore_mem>>)
      %dma_wait3A = arith.constant 0 : i32
      %dma_wait3A_104 = tpu.memref_slice %arg6[%add3A_83, %dma_wait3A] : memref<128x10016xf32, #tpu.memory_space<hbm>> -> memref<1x10016xf32, #tpu.memory_space<hbm>>
      %dma_wait3A_105 = tpu.memref_squeeze %dma_wait3A_104 : memref<1x10016xf32, #tpu.memory_space<hbm>> -> memref<10016xf32, #tpu.memory_space<hbm>>
      %dma_wait3A_106 = arith.constant 0 : i32
      %dma_wait3A_107 = tpu.memref_slice %arg6[%add3A_83, %dma_wait3A_106] : memref<128x10016xf32, #tpu.memory_space<hbm>> -> memref<1x10016xf32, #tpu.memory_space<hbm>>
      %dma_wait3A_108 = tpu.memref_squeeze %dma_wait3A_107 : memref<1x10016xf32, #tpu.memory_space<hbm>> -> memref<10016xf32, #tpu.memory_space<hbm>>
      tpu.wait_dma2 semaphore(%run_scoped3A : memref<!tpu.dma_semaphore, #tpu.memory_space<semaphore_mem>>) src(%arg11 : memref<10016xf32, #tpu.memory_space<vmem>>) dst(%dma_wait3A_108 : memref<10016xf32, #tpu.memory_space<hbm>>)
      tpu.yield
    }) : () -> ()
    %mul3A_84 = arith.constant 32 : i32
    %mul3A_85 = arith.muli %select_n3A_30, %mul3A_84 : i32
    %add3A_86 = arith.addi %mul3A_85, %mul3A_32 : i32
    %add3A_87 = arith.constant 1 : i32
    %add3A_88 = arith.addi %add3A_86, %add3A_87 : i32
    "tpu.region"() ({
      %run_scoped3A = tpu.sem_alloc : memref<!tpu.dma_semaphore, #tpu.memory_space<semaphore_mem>>
      %dma_start3A = arith.constant 0 : i32
      %dma_start3A_99 = tpu.memref_slice %arg6[%add3A_88, %dma_start3A] : memref<128x10016xf32, #tpu.memory_space<hbm>> -> memref<1x10016xf32, #tpu.memory_space<hbm>>
      %dma_start3A_100 = tpu.memref_squeeze %dma_start3A_99 : memref<1x10016xf32, #tpu.memory_space<hbm>> -> memref<10016xf32, #tpu.memory_space<hbm>>
      %dma_start3A_101 = arith.constant 0 : i32
      %dma_start3A_102 = tpu.memref_slice %arg6[%add3A_88, %dma_start3A_101] : memref<128x10016xf32, #tpu.memory_space<hbm>> -> memref<1x10016xf32, #tpu.memory_space<hbm>>
      %dma_start3A_103 = tpu.memref_squeeze %dma_start3A_102 : memref<1x10016xf32, #tpu.memory_space<hbm>> -> memref<10016xf32, #tpu.memory_space<hbm>>
      tpu.enqueue_dma source(%arg12 : memref<10016xf32, #tpu.memory_space<vmem>>) target(%dma_start3A_103 : memref<10016xf32, #tpu.memory_space<hbm>>) target_semaphore(%run_scoped3A : memref<!tpu.dma_semaphore, #tpu.memory_space<semaphore_mem>>)
      %dma_wait3A = arith.constant 0 : i32
      %dma_wait3A_104 = tpu.memref_slice %arg6[%add3A_88, %dma_wait3A] : memref<128x10016xf32, #tpu.memory_space<hbm>> -> memref<1x10016xf32, #tpu.memory_space<hbm>>
      %dma_wait3A_105 = tpu.memref_squeeze %dma_wait3A_104 : memref<1x10016xf32, #tpu.memory_space<hbm>> -> memref<10016xf32, #tpu.memory_space<hbm>>
      %dma_wait3A_106 = arith.constant 0 : i32
      %dma_wait3A_107 = tpu.memref_slice %arg6[%add3A_88, %dma_wait3A_106] : memref<128x10016xf32, #tpu.memory_space<hbm>> -> memref<1x10016xf32, #tpu.memory_space<hbm>>
      %dma_wait3A_108 = tpu.memref_squeeze %dma_wait3A_107 : memref<1x10016xf32, #tpu.memory_space<hbm>> -> memref<10016xf32, #tpu.memory_space<hbm>>
      tpu.wait_dma2 semaphore(%run_scoped3A : memref<!tpu.dma_semaphore, #tpu.memory_space<semaphore_mem>>) src(%arg12 : memref<10016xf32, #tpu.memory_space<vmem>>) dst(%dma_wait3A_108 : memref<10016xf32, #tpu.memory_space<hbm>>)
      tpu.yield
    }) : () -> ()
    %mul3A_89 = arith.constant 32 : i32
    %mul3A_90 = arith.muli %select_n3A_30, %mul3A_89 : i32
    %add3A_91 = arith.addi %mul3A_90, %mul3A_32 : i32
    %add3A_92 = arith.constant 2 : i32
    %add3A_93 = arith.addi %add3A_91, %add3A_92 : i32
    "tpu.region"() ({
      %run_scoped3A = tpu.sem_alloc : memref<!tpu.dma_semaphore, #tpu.memory_space<semaphore_mem>>
      %dma_start3A = arith.constant 0 : i32
      %dma_start3A_99 = tpu.memref_slice %arg6[%add3A_93, %dma_start3A] : memref<128x10016xf32, #tpu.memory_space<hbm>> -> memref<1x10016xf32, #tpu.memory_space<hbm>>
      %dma_start3A_100 = tpu.memref_squeeze %dma_start3A_99 : memref<1x10016xf32, #tpu.memory_space<hbm>> -> memref<10016xf32, #tpu.memory_space<hbm>>
      %dma_start3A_101 = arith.constant 0 : i32
      %dma_start3A_102 = tpu.memref_slice %arg6[%add3A_93, %dma_start3A_101] : memref<128x10016xf32, #tpu.memory_space<hbm>> -> memref<1x10016xf32, #tpu.memory_space<hbm>>
      %dma_start3A_103 = tpu.memref_squeeze %dma_start3A_102 : memref<1x10016xf32, #tpu.memory_space<hbm>> -> memref<10016xf32, #tpu.memory_space<hbm>>
      tpu.enqueue_dma source(%arg13 : memref<10016xf32, #tpu.memory_space<vmem>>) target(%dma_start3A_103 : memref<10016xf32, #tpu.memory_space<hbm>>) target_semaphore(%run_scoped3A : memref<!tpu.dma_semaphore, #tpu.memory_space<semaphore_mem>>)
      %dma_wait3A = arith.constant 0 : i32
      %dma_wait3A_104 = tpu.memref_slice %arg6[%add3A_93, %dma_wait3A] : memref<128x10016xf32, #tpu.memory_space<hbm>> -> memref<1x10016xf32, #tpu.memory_space<hbm>>
      %dma_wait3A_105 = tpu.memref_squeeze %dma_wait3A_104 : memref<1x10016xf32, #tpu.memory_space<hbm>> -> memref<10016xf32, #tpu.memory_space<hbm>>
      %dma_wait3A_106 = arith.constant 0 : i32
      %dma_wait3A_107 = tpu.memref_slice %arg6[%add3A_93, %dma_wait3A_106] : memref<128x10016xf32, #tpu.memory_space<hbm>> -> memref<1x10016xf32, #tpu.memory_space<hbm>>
      %dma_wait3A_108 = tpu.memref_squeeze %dma_wait3A_107 : memref<1x10016xf32, #tpu.memory_space<hbm>> -> memref<10016xf32, #tpu.memory_space<hbm>>
      tpu.wait_dma2 semaphore(%run_scoped3A : memref<!tpu.dma_semaphore, #tpu.memory_space<semaphore_mem>>) src(%arg13 : memref<10016xf32, #tpu.memory_space<vmem>>) dst(%dma_wait3A_108 : memref<10016xf32, #tpu.memory_space<hbm>>)
      tpu.yield
    }) : () -> ()
    %mul3A_94 = arith.constant 32 : i32
    %mul3A_95 = arith.muli %select_n3A_30, %mul3A_94 : i32
    %add3A_96 = arith.addi %mul3A_95, %mul3A_32 : i32
    %add3A_97 = arith.constant 3 : i32
    %add3A_98 = arith.addi %add3A_96, %add3A_97 : i32
    "tpu.region"() ({
      %run_scoped3A = tpu.sem_alloc : memref<!tpu.dma_semaphore, #tpu.memory_space<semaphore_mem>>
      %dma_start3A = arith.constant 0 : i32
      %dma_start3A_99 = tpu.memref_slice %arg6[%add3A_98, %dma_start3A] : memref<128x10016xf32, #tpu.memory_space<hbm>> -> memref<1x10016xf32, #tpu.memory_space<hbm>>
      %dma_start3A_100 = tpu.memref_squeeze %dma_start3A_99 : memref<1x10016xf32, #tpu.memory_space<hbm>> -> memref<10016xf32, #tpu.memory_space<hbm>>
      %dma_start3A_101 = arith.constant 0 : i32
      %dma_start3A_102 = tpu.memref_slice %arg6[%add3A_98, %dma_start3A_101] : memref<128x10016xf32, #tpu.memory_space<hbm>> -> memref<1x10016xf32, #tpu.memory_space<hbm>>
      %dma_start3A_103 = tpu.memref_squeeze %dma_start3A_102 : memref<1x10016xf32, #tpu.memory_space<hbm>> -> memref<10016xf32, #tpu.memory_space<hbm>>
      tpu.enqueue_dma source(%arg14 : memref<10016xf32, #tpu.memory_space<vmem>>) target(%dma_start3A_103 : memref<10016xf32, #tpu.memory_space<hbm>>) target_semaphore(%run_scoped3A : memref<!tpu.dma_semaphore, #tpu.memory_space<semaphore_mem>>)
      %dma_wait3A = arith.constant 0 : i32
      %dma_wait3A_104 = tpu.memref_slice %arg6[%add3A_98, %dma_wait3A] : memref<128x10016xf32, #tpu.memory_space<hbm>> -> memref<1x10016xf32, #tpu.memory_space<hbm>>
      %dma_wait3A_105 = tpu.memref_squeeze %dma_wait3A_104 : memref<1x10016xf32, #tpu.memory_space<hbm>> -> memref<10016xf32, #tpu.memory_space<hbm>>
      %dma_wait3A_106 = arith.constant 0 : i32
      %dma_wait3A_107 = tpu.memref_slice %arg6[%add3A_98, %dma_wait3A_106] : memref<128x10016xf32, #tpu.memory_space<hbm>> -> memref<1x10016xf32, #tpu.memory_space<hbm>>
      %dma_wait3A_108 = tpu.memref_squeeze %dma_wait3A_107 : memref<1x10016xf32, #tpu.memory_space<hbm>> -> memref<10016xf32, #tpu.memory_space<hbm>>
      tpu.wait_dma2 semaphore(%run_scoped3A : memref<!tpu.dma_semaphore, #tpu.memory_space<semaphore_mem>>) src(%arg14 : memref<10016xf32, #tpu.memory_space<vmem>>) dst(%dma_wait3A_108 : memref<10016xf32, #tpu.memory_space<hbm>>)
      tpu.yield
    }) : () -> ()
    return
  }
}

module attributes {stable_mosaic.version = 14 : i64} {
  func.func @_prep_nodes_body(%arg0: memref<10000x128xf32, #tpu.memory_space<vmem>>, %arg1: memref<128x32xf32, #tpu.memory_space<vmem>>, %arg2: memref<32x1xf32, #tpu.memory_space<vmem>>, %arg3: memref<32x32xf32, #tpu.memory_space<vmem>>, %arg4: memref<32x10000xf32, #tpu.memory_space<vmem>>, %arg5: memref<32x10000xf32, #tpu.memory_space<vmem>>) attributes {dimension_semantics = [], scalar_prefetch = 0 : i64, scratch_operands = 0 : i64, tpu.core_type = #tpu.core_type<tc>} {
    %get3A = arith.constant 0 : index
    %get3A_0 = arith.constant 0 : index
    %get3A_1 = vector.load %arg1[%get3A, %get3A_0] : memref<128x32xf32, #tpu.memory_space<vmem>>, vector<128x32xf32>
    %get3A_2 = arith.constant 0 : index
    %get3A_3 = arith.constant 0 : index
    %get3A_4 = vector.load %arg0[%get3A_2, %get3A_3] : memref<10000x128xf32, #tpu.memory_space<vmem>>, vector<10000x128xf32>
    %dot_general3A = arith.constant dense<0.000000e+00> : vector<32x10000xf32>
    %dot_general3A_5 = tpu.matmul %get3A_1, %get3A_4, %dot_general3A {dimension_numbers = #tpu.dot_dimension_numbers<[0], [1], [1], [0], [0, 1, 1, 0], [], []>, transpose_lhs_hint = false} : vector<128x32xf32>, vector<10000x128xf32>, vector<32x10000xf32> -> vector<32x10000xf32>
    %get3A_6 = arith.constant 0 : index
    %get3A_7 = arith.constant 0 : index
    %get3A_8 = vector.load %arg2[%get3A_6, %get3A_7] : memref<32x1xf32, #tpu.memory_space<vmem>>, vector<32x1xf32>
    %add3A = vector.broadcast %get3A_8 : vector<32x1xf32> to vector<32x10000xf32>
    %add3A_9 = arith.addf %dot_general3A_5, %add3A : vector<32x10000xf32>
    %swap3A = arith.constant 0 : index
    %swap3A_10 = arith.constant 0 : index
    %swap3A_11 = vector.load %arg4[%swap3A, %swap3A_10] : memref<32x10000xf32, #tpu.memory_space<vmem>>, vector<32x10000xf32>
    tpu.vector_store %arg4[%swap3A, %swap3A_10], %add3A_9 {strides = array<i32>} : memref<32x10000xf32, #tpu.memory_space<vmem>>, vector<32x10000xf32>,
    %get3A_12 = arith.constant 0 : index
    %get3A_13 = arith.constant 0 : index
    %get3A_14 = vector.load %arg3[%get3A_12, %get3A_13] : memref<32x32xf32, #tpu.memory_space<vmem>>, vector<32x32xf32>
    %dot_general3A_15 = arith.constant dense<0.000000e+00> : vector<32x10000xf32>
    %dot_general3A_16 = tpu.matmul %get3A_14, %add3A_9, %dot_general3A_15 {dimension_numbers = #tpu.dot_dimension_numbers<[0], [0], [1], [1], [0, 1, 1, 1], [], []>, transpose_lhs_hint = false} : vector<32x32xf32>, vector<32x10000xf32>, vector<32x10000xf32> -> vector<32x10000xf32>
    %swap3A_17 = arith.constant 0 : index
    %swap3A_18 = arith.constant 0 : index
    %swap3A_19 = vector.load %arg5[%swap3A_17, %swap3A_18] : memref<32x10000xf32, #tpu.memory_space<vmem>>, vector<32x10000xf32>
    tpu.vector_store %arg5[%swap3A_17, %swap3A_18], %dot_general3A_16 {strides = array<i32>} : memref<32x10000xf32, #tpu.memory_space<vmem>>, vector<32x10000xf32>,
    return
  }
}

module attributes {stable_mosaic.version = 14 : i64} {
  func.func @_prep_edges_body(%arg0: i32, %arg1: memref<16000x16xf32, #tpu.memory_space<vmem>>, %arg2: memref<16x64xf32, #tpu.memory_space<vmem>>, %arg3: memref<64x1xf32, #tpu.memory_space<vmem>>, %arg4: memref<32x16000xf32, #tpu.memory_space<vmem>>, %arg5: memref<32x16000xf32, #tpu.memory_space<vmem>>) attributes {dimension_semantics = [#tpu.dimension_semantics<arbitrary>], iteration_bounds = array<i64: 20>, scalar_prefetch = 0 : i64, scratch_operands = 0 : i64, tpu.core_type = #tpu.core_type<tc>, window_params = [{transform_indices = @transform_0, window_bounds = array<i64: 16000, 16>}, {pipeline_mode = #tpu.pipeline_mode<synchronous>, transform_indices = @transform_1, window_bounds = array<i64: 16, 64>}, {pipeline_mode = #tpu.pipeline_mode<synchronous>, transform_indices = @transform_2, window_bounds = array<i64: 64, 1>}, {transform_indices = @transform_3, window_bounds = array<i64: 32, 16000>}, {transform_indices = @transform_4, window_bounds = array<i64: 32, 16000>}]} {
    %get3A = arith.constant 0 : index
    %get3A_0 = arith.constant 0 : index
    %get3A_1 = vector.load %arg2[%get3A, %get3A_0] : memref<16x64xf32, #tpu.memory_space<vmem>>, vector<16x64xf32>
    %get3A_2 = arith.constant 0 : index
    %get3A_3 = arith.constant 0 : index
    %get3A_4 = vector.load %arg1[%get3A_2, %get3A_3] : memref<16000x16xf32, #tpu.memory_space<vmem>>, vector<16000x16xf32>
    %dot_general3A = arith.constant dense<0.000000e+00> : vector<64x16000xf32>
    %dot_general3A_5 = tpu.matmul %get3A_1, %get3A_4, %dot_general3A {dimension_numbers = #tpu.dot_dimension_numbers<[0], [1], [1], [0], [0, 1, 1, 0], [], []>, transpose_lhs_hint = false} : vector<16x64xf32>, vector<16000x16xf32>, vector<64x16000xf32> -> vector<64x16000xf32>
    %get3A_6 = arith.constant 0 : index
    %get3A_7 = arith.constant 0 : index
    %get3A_8 = vector.load %arg3[%get3A_6, %get3A_7] : memref<64x1xf32, #tpu.memory_space<vmem>>, vector<64x1xf32>
    %add3A = vector.broadcast %get3A_8 : vector<64x1xf32> to vector<64x16000xf32>
    %add3A_9 = arith.addf %dot_general3A_5, %add3A : vector<64x16000xf32>
    %slice3A = vector.extract_strided_slice %add3A_9 {offsets = [0, 0], sizes = [32, 16000], strides = [1, 1]} : vector<64x16000xf32> to vector<32x16000xf32>
    %swap3A = arith.constant 0 : index
    %swap3A_10 = arith.constant 0 : index
    %swap3A_11 = vector.load %arg4[%swap3A, %swap3A_10] : memref<32x16000xf32, #tpu.memory_space<vmem>>, vector<32x16000xf32>
    tpu.vector_store %arg4[%swap3A, %swap3A_10], %slice3A {strides = array<i32>} : memref<32x16000xf32, #tpu.memory_space<vmem>>, vector<32x16000xf32>,
    %slice3A_12 = vector.extract_strided_slice %add3A_9 {offsets = [32, 0], sizes = [32, 16000], strides = [1, 1]} : vector<64x16000xf32> to vector<32x16000xf32>
    %swap3A_13 = arith.constant 0 : index
    %swap3A_14 = arith.constant 0 : index
    %swap3A_15 = vector.load %arg5[%swap3A_13, %swap3A_14] : memref<32x16000xf32, #tpu.memory_space<vmem>>, vector<32x16000xf32>
    tpu.vector_store %arg5[%swap3A_13, %swap3A_14], %slice3A_12 {strides = array<i32>} : memref<32x16000xf32, #tpu.memory_space<vmem>>, vector<32x16000xf32>,
    return
  }
  func.func @transform_0(%arg0: i32) -> (i32, i32) {
    %c0_i32 = arith.constant 0 : i32
    %c0_i32_0 = arith.constant 0 : i32
    return %arg0, %c0_i32 : i32, i32
  }
  func.func @transform_1(%arg0: i32) -> (i32, i32) {
    %c0_i32 = arith.constant 0 : i32
    %c0_i32_0 = arith.constant 0 : i32
    %c0_i32_1 = arith.constant 0 : i32
    return %c0_i32, %c0_i32_0 : i32, i32
  }
  func.func @transform_2(%arg0: i32) -> (i32, i32) {
    %c0_i32 = arith.constant 0 : i32
    %c0_i32_0 = arith.constant 0 : i32
    %c0_i32_1 = arith.constant 0 : i32
    return %c0_i32, %c0_i32_0 : i32, i32
  }
  func.func @transform_3(%arg0: i32) -> (i32, i32) {
    %c0_i32 = arith.constant 0 : i32
    %c0_i32_0 = arith.constant 0 : i32
    return %c0_i32, %arg0 : i32, i32
  }
  func.func @transform_4(%arg0: i32) -> (i32, i32) {
    %c0_i32 = arith.constant 0 : i32
    %c0_i32_0 = arith.constant 0 : i32
    return %c0_i32, %arg0 : i32, i32
  }
}

module attributes {stable_mosaic.version = 14 : i64} {
  func.func @_mid_body(%arg0: memref<4x32x10016xf32, #tpu.memory_space<vmem>>, %arg1: memref<32x10000xf32, #tpu.memory_space<vmem>>, %arg2: memref<32x32xf32, #tpu.memory_space<vmem>>, %arg3: memref<32x10000xf32, #tpu.memory_space<vmem>>, %arg4: memref<32x10000xf32, #tpu.memory_space<vmem>>) attributes {dimension_semantics = [], scalar_prefetch = 0 : i64, scratch_operands = 0 : i64, tpu.core_type = #tpu.core_type<tc>} {
    %get3A = arith.constant 0 : index
    %get3A_0 = arith.constant 0 : index
    %get3A_1 = arith.constant 0 : index
    %get3A_2 = vector.load %arg0[%get3A, %get3A_0, %get3A_1] : memref<4x32x10016xf32, #tpu.memory_space<vmem>>, vector<4x32x10016xf32>
    %reduce_max3A = arith.constant dense<0xFF800000> : vector<32x10016xf32>
    %reduce_max3A_3 = vector.multi_reduction <maximumf>, %get3A_2, %reduce_max3A [0] : vector<4x32x10016xf32> to vector<32x10016xf32>
    %slice3A = vector.extract_strided_slice %reduce_max3A_3 {offsets = [0, 0], sizes = [32, 10000], strides = [1, 1]} : vector<32x10016xf32> to vector<32x10000xf32>
    %max3A = arith.constant 0.000000e+00 : f32
    %max3A_4 = vector.broadcast %max3A : f32 to vector<32x10000xf32>
    %max3A_5 = arith.maximumf %slice3A, %max3A_4 : vector<32x10000xf32>
    %get3A_6 = arith.constant 0 : index
    %get3A_7 = arith.constant 0 : index
    %get3A_8 = vector.load %arg1[%get3A_6, %get3A_7] : memref<32x10000xf32, #tpu.memory_space<vmem>>, vector<32x10000xf32>
    %add3A = arith.addf %max3A_5, %get3A_8 : vector<32x10000xf32>
    %swap3A = arith.constant 0 : index
    %swap3A_9 = arith.constant 0 : index
    %swap3A_10 = vector.load %arg3[%swap3A, %swap3A_9] : memref<32x10000xf32, #tpu.memory_space<vmem>>, vector<32x10000xf32>
    tpu.vector_store %arg3[%swap3A, %swap3A_9], %add3A {strides = array<i32>} : memref<32x10000xf32, #tpu.memory_space<vmem>>, vector<32x10000xf32>,
    %get3A_11 = arith.constant 0 : index
    %get3A_12 = arith.constant 0 : index
    %get3A_13 = vector.load %arg2[%get3A_11, %get3A_12] : memref<32x32xf32, #tpu.memory_space<vmem>>, vector<32x32xf32>
    %dot_general3A = arith.constant dense<0.000000e+00> : vector<32x10000xf32>
    %dot_general3A_14 = tpu.matmul %get3A_13, %add3A, %dot_general3A {dimension_numbers = #tpu.dot_dimension_numbers<[0], [0], [1], [1], [0, 1, 1, 1], [], []>, transpose_lhs_hint = false} : vector<32x32xf32>, vector<32x10000xf32>, vector<32x10000xf32> -> vector<32x10000xf32>
    %swap3A_15 = arith.constant 0 : index
    %swap3A_16 = arith.constant 0 : index
    %swap3A_17 = vector.load %arg4[%swap3A_15, %swap3A_16] : memref<32x10000xf32, #tpu.memory_space<vmem>>, vector<32x10000xf32>
    tpu.vector_store %arg4[%swap3A_15, %swap3A_16], %dot_general3A_14 {strides = array<i32>} : memref<32x10000xf32, #tpu.memory_space<vmem>>, vector<32x10000xf32>,
    return
  }
}

module attributes {stable_mosaic.version = 14 : i64} {
  func.func @_fin_body(%arg0: memref<4x32x10016xf32, #tpu.memory_space<vmem>>, %arg1: memref<32x10000xf32, #tpu.memory_space<vmem>>, %arg2: memref<32x32xf32, #tpu.memory_space<vmem>>, %arg3: memref<1x32xf32, #tpu.memory_space<vmem>>, %arg4: memref<10000x32xf32, #tpu.memory_space<vmem>>) attributes {dimension_semantics = [], scalar_prefetch = 0 : i64, scratch_operands = 0 : i64, tpu.core_type = #tpu.core_type<tc>} {
    %get3A = arith.constant 0 : index
    %get3A_0 = arith.constant 0 : index
    %get3A_1 = arith.constant 0 : index
    %get3A_2 = vector.load %arg0[%get3A, %get3A_0, %get3A_1] : memref<4x32x10016xf32, #tpu.memory_space<vmem>>, vector<4x32x10016xf32>
    %reduce_max3A = arith.constant dense<0xFF800000> : vector<32x10016xf32>
    %reduce_max3A_3 = vector.multi_reduction <maximumf>, %get3A_2, %reduce_max3A [0] : vector<4x32x10016xf32> to vector<32x10016xf32>
    %slice3A = vector.extract_strided_slice %reduce_max3A_3 {offsets = [0, 0], sizes = [32, 10000], strides = [1, 1]} : vector<32x10016xf32> to vector<32x10000xf32>
    %max3A = arith.constant 0.000000e+00 : f32
    %max3A_4 = vector.broadcast %max3A : f32 to vector<32x10000xf32>
    %max3A_5 = arith.maximumf %slice3A, %max3A_4 : vector<32x10000xf32>
    %get3A_6 = arith.constant 0 : index
    %get3A_7 = arith.constant 0 : index
    %get3A_8 = vector.load %arg1[%get3A_6, %get3A_7] : memref<32x10000xf32, #tpu.memory_space<vmem>>, vector<32x10000xf32>
    %add3A = arith.addf %max3A_5, %get3A_8 : vector<32x10000xf32>
    %get3A_9 = arith.constant 0 : index
    %get3A_10 = arith.constant 0 : index
    %get3A_11 = vector.load %arg2[%get3A_9, %get3A_10] : memref<32x32xf32, #tpu.memory_space<vmem>>, vector<32x32xf32>
    %dot_general3A = arith.constant dense<0.000000e+00> : vector<10000x32xf32>
    %dot_general3A_12 = tpu.matmul %add3A, %get3A_11, %dot_general3A {dimension_numbers = #tpu.dot_dimension_numbers<[0], [0], [1], [1], [0, 1, 1, 1], [], []>, transpose_lhs_hint = false} : vector<32x10000xf32>, vector<32x32xf32>, vector<10000x32xf32> -> vector<10000x32xf32>
    %get3A_13 = arith.constant 0 : index
    %get3A_14 = arith.constant 0 : index
    %get3A_15 = vector.load %arg3[%get3A_13, %get3A_14] : memref<1x32xf32, #tpu.memory_space<vmem>>, vector<1x32xf32>
    %add3A_16 = vector.broadcast %get3A_15 : vector<1x32xf32> to vector<10000x32xf32>
    %add3A_17 = arith.addf %dot_general3A_12, %add3A_16 : vector<10000x32xf32>
    %max3A_18 = arith.constant 0.000000e+00 : f32
    %max3A_19 = vector.broadcast %max3A_18 : f32 to vector<10000x32xf32>
    %max3A_20 = arith.maximumf %add3A_17, %max3A_19 : vector<10000x32xf32>
    %swap3A = arith.constant 0 : index
    %swap3A_21 = arith.constant 0 : index
    %swap3A_22 = vector.load %arg4[%swap3A, %swap3A_21] : memref<10000x32xf32, #tpu.memory_space<vmem>>, vector<10000x32xf32>
    tpu.vector_store %arg4[%swap3A, %swap3A_21], %max3A_20 {strides = array<i32>} : memref<10000x32xf32, #tpu.memory_space<vmem>>, vector<10000x32xf32>,
    return
  }
}

</mosaic_0001>

<sc_bundles>
// kernel: kernel.11.cloned.1.call-start
scs
__scs_entry_jumppad:
0x0: {  	(pc) =	sbr.rel $0x88, $3  }
0x1: {  	(tag) =	ssettag $0x0;
	lr =	simm.s32 $0x1  }
0x2: {  	[smem:$0x3F96] =	sst lr;
	_ =	strace $0xD0000000  }
0x3: {  	_ = 	snop  }
0x4: {  	_ = 	snop  }
0x5: {  	_ = 	snop  }
0x6: {  	_ = 	snop  }
0x7: {  	_ = 	snop  }
__scs_overlays_trampoline_lowered:
0x8: {  	[smem:$0x3FA5] =	sst s0  }
0x9: {  	[smem:$0x3FA6] =	sst s1  }
0xa: {  	[smem:$0x3FA7] =	sst s2  }
0xb: {  	[smem:$0x3FA8] =	sst s3  }
0xc: {  	[smem:$0x3FA9] =	sst s4  }
0xd: {  	[smem:$0x3FAA] =	sst s5  }
0xe: {  	[smem:$0x3FAB] =	sst s6  }
0xf: {  	[smem:$0x3FAC] =	sst s7  }
0x10: {  	[smem:$0x3FAD] =	sst s8  }
0x11: {  	[smem:$0x3FAE] =	sst s9;
	s0 =	simm.s32 @!p0 $0x0  }
0x12: {  	s1 =	sld [smem:$0x3F94];
	s0 =	simm.s32 @p0 $0x1  }
0x13: {  	[smem:$0x3FAF] =	sst s0;
	s0 =	simm.s32 @!p1 $0x0  }
0x14: {  	s2 =	sld [smem:$0x3F93];
	s0 =	simm.s32 @p1 $0x1  }
0x15: {  	[smem:$0x3FB0] =	sst s0;
	s0 =	simm.s32 @!p2 $0x0  }
0x16: {  	s3 =	sld [smem:$0x3FDB];
	s0 =	simm.s32 @p2 $0x1  }
0x17: {  	s4 =	simm.s32 $0x1BF5;
	[smem:$0x3FB2] =	sst s0  }
0x18: {  	s0 =	sld [smem:$0x3F95];
	_ =	swait.ge [sflag:s4], $0x0  }
0x19: {  	s7 =	sld [smem:$0x3F96]  }
0x1a: {  	s8 =	sadd.s32 $0xFFFFE003, lr  }
0x1b: {  	s9 =	sadd.s32 $0xFFFFFEF7, lr;
	s5 =	simm.s32 $0xFFFFFFFF;
	p2 =	slt.u32 s8, $0xFFFFF086  }
0x1c: {  	p1 =	slt.u32 s9, $0xF7A;
	s5 =	simm.s32 @!p2 $0x0  }
0x1d: {  	s5 =	simm.s32 @p1 $0x1;
	p0 =	seq.s32 s7, s2  }
0x1e: {  	s7 =	smul.u32 @!p0 $0xF7A, s2;
	p2 =	seq.s32 @!p0 s5, $0x0  }
0x1f: {  	s9 =	smul.u32 $0xF7A, s1;
	s8 =	simm.s32 @!p0 $0x1BF5;
	p2 =	por !p2, p0  }
0x20: {  	[sflag:s8] =	ssyncset.s32 @!p0 $0xFFFFF086;
	s6 =	sadd.s32 @!p0 s3, s7;
	s7 =	simm.s32 @!p0 $0x108  }
0x21: {  	s3 =	sadd.s32 s3, s9;
	s6 =	sadd.s32 @!p0 $0x88, s6;
	s7 =	simm.s32 @p2 $0x1082  }
0x22: {  	[simem:s7], [sflag:s8] =	dma.local @!p0 [hbm:s6], $0xF7A  }
0x23: {  	s9 =	sor.u32 $0xD0000000, s2;
	s6 =	simm.s32 $0x108;
	_ =	swait.ge @!p0 [sflag:s8], $0x0  }
0x24: {  	s3 =	sadd.s32 $0x88, s3;
	s6 =	simm.s32 @!p1 $0x1082;
	[sflag:s4] =	ssyncset.s32 $0xFFFFF086  }
0x25: {  	[simem:s6], [sflag:s4] =	dma.local [hbm:s3], $0xF7A  }
0x26: {  	[smem:$0x3F96] =	sst s1;
	(tag) =	ssettag s2;
	_ =	strace s9  }
0x27: {  	s1 =	sld [smem:$0x3FA6]  }
0x28: {  	s2 =	sld [smem:$0x3FA7]  }
0x29: {  	s4 =	sld [smem:$0x3FA9]  }
0x2a: {  	p0 =	seq.s32 s5, $0x0;
	s5 =	sld [smem:$0x3FAA]  }
0x2b: {  	s6 =	sld [smem:$0x3FAB]  }
0x2c: {  	s7 =	sld [smem:$0x3FAC]  }
0x2d: {  	s3 =	simm.s32 $0x108;
	s8 =	sld [smem:$0x3FAD]  }
0x2e: {  	s3 =	simm.s32 @!p0 $0x1082;
	s9 =	sld [smem:$0x3FAE]  }
0x2f: {  	lr =	sadd.s32 s0, s3;
	s0 =	sld [smem:$0x3FA5]  }
0x30: {  	s3 =	sld [smem:$0x3FA8]  }
0x31: {  	[smem:$0x3FB1] =	sst s10  }
0x32: {  	s10 =	sld [smem:$0x3FAF];
	_ =	sdelay $0x3  }
0x33: {  	p0 =	seq.s32 s10, $0x1;
	s10 =	sld [smem:$0x3FB1];
	_ =	sdelay $0x3  }
0x34: {  	[smem:$0x3FB1] =	sst s10  }
0x35: {  	s10 =	sld [smem:$0x3FB0];
	_ =	sdelay $0x3  }
0x36: {  	p1 =	seq.s32 s10, $0x1;
	s10 =	sld [smem:$0x3FB1];
	_ =	sdelay $0x3  }
0x37: {  	[smem:$0x3FB1] =	sst s10  }
0x38: {  	s10 =	sld [smem:$0x3FB2]  }
0x39: {  	_ = 	snop;
	(pc) =	sbr.ind lr, $3  }
0x3a: {  	_ = 	snop  }
0x3b: {  	_ = 	snop  }
0x3c: {  	p2 =	seq.s32 s10, $0x1;
	s10 =	sld [smem:$0x3FB1]  }
0x3d: {  	_ =	shalt  }
0x3e: {  	_ =	shalt  }
0x3f: {  	_ =	shalt  }
0x40: {  	_ =	shalt  }
0x41: {  	_ =	shalt  }
0x42: {  	_ =	shalt  }
0x43: {  	_ =	shalt  }
0x44: {  	_ =	shalt  }
0x45: {  	_ =	shalt  }
0x46: {  	_ =	shalt  }
0x47: {  	_ =	shalt  }
0x48: {  	_ =	shalt  }
0x49: {  	_ =	shalt  }
0x4a: {  	_ =	shalt  }
0x4b: {  	_ =	shalt  }
0x4c: {  	_ =	shalt  }
0x4d: {  	_ =	shalt  }
0x4e: {  	_ =	shalt  }
0x4f: {  	_ =	shalt  }
0x50: {  	_ =	shalt  }
0x51: {  	_ =	shalt  }
0x52: {  	_ =	shalt  }
0x53: {  	_ =	shalt  }
0x54: {  	_ =	shalt  }
0x55: {  	_ =	shalt  }
0x56: {  	_ =	shalt  }
0x57: {  	_ =	shalt  }
0x58: {  	_ =	shalt  }
0x59: {  	_ =	shalt  }
0x5a: {  	_ =	shalt  }
0x5b: {  	_ =	shalt  }
0x5c: {  	_ =	shalt  }
0x5d: {  	_ =	shalt  }
0x5e: {  	_ =	shalt  }
0x5f: {  	_ =	shalt  }
0x60: {  	_ =	shalt  }
0x61: {  	_ =	shalt  }
0x62: {  	_ =	shalt  }
0x63: {  	_ =	shalt  }
0x64: {  	_ =	shalt  }
0x65: {  	_ =	shalt  }
0x66: {  	_ =	shalt  }
0x67: {  	_ =	shalt  }
0x68: {  	_ =	shalt  }
0x69: {  	_ =	shalt  }
0x6a: {  	_ =	shalt  }
0x6b: {  	_ =	shalt  }
0x6c: {  	_ =	shalt  }
0x6d: {  	_ =	shalt  }
0x6e: {  	_ =	shalt  }
0x6f: {  	_ =	shalt  }
0x70: {  	_ =	shalt  }
0x71: {  	_ =	shalt  }
0x72: {  	_ =	shalt  }
0x73: {  	_ =	shalt  }
0x74: {  	_ =	shalt  }
0x75: {  	_ =	shalt  }
0x76: {  	_ =	shalt  }
0x77: {  	_ =	shalt  }
0x78: {  	_ =	shalt  }
0x79: {  	_ =	shalt  }
0x7a: {  	_ =	shalt  }
0x7b: {  	_ =	shalt  }
0x7c: {  	_ =	shalt  }
0x7d: {  	_ =	shalt  }
0x7e: {  	_ =	shalt  }
0x7f: {  	_ =	shalt  }
0x80: {  	_ =	shalt  }
0x81: {  	_ =	shalt  }
0x82: {  	_ =	shalt  }
0x83: {  	_ =	shalt  }
0x84: {  	_ =	shalt  }
0x85: {  	_ =	shalt  }
0x86: {  	_ =	shalt  }
0x87: {  	_ =	shalt  }
.Lfunc_end0:
.L_simem_size_0:
called_computation.1_lowered:
.L_overlay_start_0:
0x88: {  	s2 =	sld [smem:$0x3FD9]  }
0x89: {  	s3 =	sld [smem:$0x3FFE];
	_ =	sdelay $0x1  }
0x8a: {  	s1 =	srdreg.scid  }
0x8b: {  	s0 =	sand.u32 $0x1, s1  }
0x8c: {  	s17 =	sshll.u32 s0, $0xA;
	s2 =	sadd.s32 s3, s2  }
0x8d: {  	s2 =	sadd.s32 s2, s17  }
0x8e: {  	[smem:$0x3FBD] =	sst s2  }
0x8f: {  	_ = 	snop  }
0x90: {  	s2 =	sld [smem:$0x3FD0];
	(tm) =	ssettm $0x1  }
0x91: {  	s18 =	sld [smem:$0x3FFB];
	_ =	sdelay $0x3  }
0x92: {  	_ =	strace s18  }
0x93: {  	s3 =	sld [smem:$0x3FFC];
	_ =	sdelay $0x3  }
0x94: {  	_ =	strace s3  }
0x95: {  	s3 =	sld [smem:$0x3FFD];
	_ =	sdelay $0x3  }
0x96: {  	_ =	strace s3  }
0x97: {  	_ =	strace $0x8FFFFFFF  }
0x98: {  	s19 =	sld [smem:$0x3FDB];
	_ =	sdelay $0x1  }
0x99: {  	s4 =	simm.s32 $_scs_section_size  }
0x9a: {  	s5 =	simm.s32 $_size__tile_overlayer_lowered;
	s6 =	simm.s32 $_tile_overlayer_lowered  }
0x9b: {  	s22 =	simm.s32 $0x1BFF;
	s21 =	sshll.u32 s6, $0x1;
	s3 =	sadd.s32 s4, s19  }
0x9c: {  	s7 =	simm.s32 $0x0;
	s20 =	sshll.u32 s5, $0x1;
	s5 =	sadd.s32 s21, s3  }
0x9d: {  	[timem:s7], [sflag:s22] =	dma.local [hbm:s5], s20  }
0x9e: {  	_ =	swait.ge [sflag:s22], s20  }
0x9f: {  	s4 =	ssub.s32 $0x0, s20;
	[sflag:s22] =	ssyncset.done $0x0  }
0xa0: {  	[sflag:s22] =	ssyncadd.s32 s4;
	_ =	sdelay $0x1  }
0xa1: {  	s23 =	simm.s32 $0x1B8B  }
0xa2: {  	_ =	swait.ge [sflag:s23], $0x1  }
0xa3: {  	[sflag:s23] =	ssyncset.done $0x0  }
0xa4: {  	s25 =	simm.s32 $0x1B8E;
	s24 =	sld [smem:$0x3FFE];
	[sflag:s23] =	ssyncadd.s32 $0xFFFFFFFF  }
0xa5: {  	s26 =	simm.s32 $execute0_lowered;
	[smem:$0x3FD2] =	sst s25  }
0xa6: {  	s5 =	sshll.u32 s26, $0x1;
	_ =	strace $0x80000049;
	[dreg:$0x1] =	wrdreg $0xFFFFFFFF  }
0xa7: {  	s28 =	simm.s32 $_size_execute0_lowered;
	s3 =	sadd.s32 s3, s5;
	[dreg:$0x0] =	wrdreg $0x0  }
0xa8: {  	s5 =	sshll.u32 s28, $0x1;
	[dreg:$0x2] =	wrdreg s3  }
0xa9: {  	[dreg:$0x3] =	wrdreg s5  }
0xaa: {  	[dreg:$0x4] =	wrdreg $0xC0  }
0xab: {  	_ =	task [dreg:s7], $0x5FFFF  }
0xac: {  	[dreg:$0x1] =	wrdreg $0xFFFFFFFF  }
0xad: {  	[dreg:$0x0] =	wrdreg $0x60  }
0xae: {  	[dreg:$0x2] =	wrdreg s2  }
0xaf: {  	[dreg:$0x3] =	wrdreg s24  }
0xb0: {  	[dreg:$0x4] =	wrdreg $0x9  }
0xb1: {  	_ =	task.clear_ibuf [dreg:s7], $0x5FFFF;
	_ =	strace $0x90000049  }
0xb2: {  	s29 =	simm.s32 $0x9;
	_ =	strace $0x8000004B  }
0xb3: {  	_ =	swait.ge [sflag:s29], $0x1  }
0xb4: {  	[sflag:s29] =	ssyncadd.s32 $0xFFFFFFFF  }
0xb5: {  	_ =	strace $0x9000004B  }
0xb6: {  	_ =	sfence  }
0xb7: {  	s30 =	sld [smem:$0x0];
	_ =	sdelay $0x2  }
0xb8: {  	s31 =	sshll.u32 s1, $0xD;
	s1 =	sshrl.u32 s1, $0x2  }
0xb9: {  	s3 =	sand.u32 $0x4000, s31;
	s1 =	sadd.s32 s1, s30  }
0xba: {  	s0 =	sor.u32 s3, s0;
	s1 =	sshll.u32 s1, $0x11  }
0xbb: {  	s0 =	sor.u32 s1, s0  }
0xbc: {  	s0 =	sadd.s32 $0x8F2B, s0  }
0xbd: {  	[sflag:s0] =	ssyncadd.remote.s32 $0x1  }
0xbe: {  	_ =	sfence.sel $0xFFFF  }
0xbf: {  	[dreg:$0x0] =	wrdreg $0xFFFFFFFF;
	(pc) =	sbr.abs _section_cstart, $3  }
0xc0: {  	[dreg:$0x1] =	wrdreg $0xFFFFFFFF  }
0xc1: {  	_ =	task.clear_ibuf [dreg:s7], $0x2FFFF;
	_ =	strace $0x9FFFFFFF  }
0xc2: {  	(tm) =	ssettm $0x7FFFFFFF  }
0xc3: {  	_ =	shalt  }
tec
execute0_lowered:
.L_overlay_start_1:
0x0: {  	(tag) =	ssettag $0x1  }
0x1: {  	s2 =	rddreg [dreg:$0x0]  }
0x2: {  	s0 =	rddreg [dreg:$0x1];
	s1 =	simm.s32 $0x0;
	s30 =	srdreg.scid  }
0x3: {  	s6 =	simm.s32 $0x0;
	s7 =	stileid.u32;
	[smem:$0x7FF] =	sst s1  }
0x4: {  	s3 =	sadd.s32 $0x630A00, s0;
	s29 =	sadd.s32 $0xC400, s0;
	s4 =	sadd.s32 $0x2600, s0  }
0x5: {  	s31 =	sand.u32 $0x1, s30;
	s0 =	sadd.s32 $0x16200, s0;
	s5 =	sshrl.u32 s7, $0x2  }
0x6: {  	s8 =	sshll.u32 s7, $0x1;
	_ =	strace $0x8000004A;
	[dreg:$0x3] =	wrdreg s29  }
0x7: {  	s10 =	sshll.u32 s7, $0x8;
	[dreg:$0x4] =	wrdreg s4;
	s1 =	ssub.s32 $0x2, s31  }
0x8: {  	s11 =	smul.u32 $0x13C00, s5;
	s9 =	sand.u32 $0x2, s8;
	s14 =	sand.u32 $0x200, s10  }
0x9: {  	s12 =	sshrl.u32 s1, $0x1;
	s4 =	sor.u32 s31, s9;
	s16 =	sor.u32 $0x80, s14  }
0xa: {  	s1 =	ssub.s32 s1, s12;
	s13 =	sor.u32 s11, s14;
	s17 =	sshll.u32 s4, $0x5  }
0xb: {  	s18 =	sor.u32 s11, s16;
	s23 =	smul.u32 $0x13880, s4;
	s9 =	smov.u32 s16  }
0xc: {  	v0 =	vimm.s32 $0xFFEDCBA9;
	v1 =	vimm.s32 $0x87654321;
	s15 =	sshrl.u32 s13, $0x3;
	s8 =	sor.u32 s8, s17;
	s12 =	sshrl.u32 s18, $0x3  }
0xd: {  	v2 =	vimm.s32 $0xEDCBA987;
	v3 =	vimm.s32 $0x65432100;
	s17 =	sor.u32 $0x100, s14;
	s18 =	sor.u32 $0x180, s14;
	s31 =	smax.u32 s1, $0x1  }
0xe: {  	v0 =	vunpack.c.l.s4.s8 v0;
	v1 =	vunpack.c.l.s4.s8 v1;
	v2 =	vunpack.c.l.s4.s8 v2;
	s1 =	simm.s32 $0x2;
	s7 =	sadd.s32 s2, s15;
	s8 =	sshrl.u32 s8, $0x3  }
0xf: {  	v3 =	vunpack.c.l.s4.s8 v3;
	s13 =	sor.u32 s11, s17;
	s19 =	sadd.s32 s2, s12;
	[dreg:$0x9] =	wrdreg s23  }
0x10: {  	v4 =	vunpack.c.0.s8.s32 v0;
	v5 =	vunpack.c.0.s8.s32 v1;
	v2 =	vunpack.c.0.s8.s32 v2;
	s11 =	sor.u32 s11, s18;
	s15 =	smul.u32 $0x271000, s5;
	[dreg:$0xe] =	wrdreg s31  }
0x11: {  	v3 =	vunpack.c.0.s8.s32 v3;
	s10 =	smov.u32 s17;
	s12 =	simm.s32 $0xC580;
	[dreg:$0x5] =	wrdreg s7  }
0x12: {  	v8 =	vimm.s32 $0xE40000;
	v4 =	vcombine.low v5, v4;
	v2 =	vand.u32 $0xF, v2;
	s8 =	smul.u32 $0x13C00, s8;
	[dreg:$0x6] =	wrdreg s19;
	s20 =	sshrl.u32 s13, $0x3  }
0x13: {  	v5 =	vimm.s32 $0xDCBA9876;
	v2 =	vcombine.low v3, v2;
	v3 =	vimm.s32 $0x54321000;
	s11 =	sshrl.u32 s11, $0x3;
	s7 =	smov.u32 s14;
	s21 =	sadd.s32 s2, s20  }
0x14: {  	v6 =	vunpack.c.l.s4.s8 v3;
	v3 =	vunpack.c.l.s4.s8 v5;
	v5 =	vimm.s32 $0xBA987654;
	s13 =	simm.s32 $0xED00;
	s2 =	sadd.s32 s2, s11;
	[dreg:$0x7] =	wrdreg s21  }
0x15: {  	v7 =	vimm.s32 $0x32100000;
	v8 =	vunpack.c.l.s2.s4 v8;
	v5 =	vunpack.c.l.s4.s8 v5;
	s11 =	simm.s32 $0x9E00;
	s22 =	sor.u32 s14, s8;
	[dreg:$0x8] =	wrdreg s2  }
0x16: {  	v7 =	vunpack.c.l.s4.s8 v7;
	s25 =	sor.u32 s16, s8;
	s26 =	sor.u32 s17, s8;
	s14 =	smov.u32 s18  }
0x17: {  	vm1 =	vcmask $0x3F3C;
	v8 =	vunpack.c.l.s4.s8 v8;
	s28 =	sor.u32 s18, s8;
	s21 =	simm.s32 $0x80;
	s24 =	sshrl.u32 s22, $0x3;
	v5 =	vunpack.c.0.s8.s32 v5  }
0x18: {  	vm2 =	vcmask $0x3F04;
	vm0 =	vcmask $0x3F30;
	v7 =	vunpack.c.0.s8.s32 v7;
	s8 =	simm.s32 $0x1;
	s16 =	simm.s32 $0x11480;
	s2 =	sadd.s32 s0, s24  }
0x19: {  	v0 =	vimm.f32 $-Inf;
	v8 =	vunpack.c.0.s8.s32 v8;
	s29 =	sshrl.u32 s26, $0x3;
	[dreg:$0xa] =	wrdreg s2;
	s2 =	sshrl.u32 s25, $0x3;
	v5 =	vand.u32 $0xF, v5  }
0x1a: {  	v9 =	vunpack.c.0.s8.s32 v3;
	s30 =	sshrl.u32 s28, $0x3;
	s22 =	simm.s32 $0x400;
	s2 =	sadd.s32 s0, s2;
	v5 =	vcombine.low v7, v5;
	v7 =	vimm.s32 $0x7060504  }
0x1b: {  	v3 =	vand.u32 $0xF, v4;
	v4 =	vunpack.c.0.s8.s32 v6;
	s26 =	simm.s32 $0x7680;
	[dreg:$0xb] =	wrdreg s2;
	s2 =	sadd.s32 s0, s29;
	v7 =	vunpack.c.0.s8.s32 v7  }
0x1c: {  	v1 =	vlaneseq.u32;
	v8 =	vand.u32 $0x3, v8;
	v6 =	vand.u32 $0xF, v9;
	s24 =	simm.s32 $0x2780;
	s0 =	sadd.s32 s0, s30;
	[dreg:$0xc] =	wrdreg s2  }
0x1d: {  	s25 =	simm.s32 $0x4F00;
	v4 =	vcombine.low v4, v6;
	v6 =	vor.u32 $0x2710, v1;
	[dreg:$0xd] =	wrdreg s0;
	s2 =	simm.s32 $0x0;
	v7 =	vsel vm0, v7, v8  }
.LBB2_1:
0x1e: {  	[dreg:$0xf] =	wrdreg s2  }
0x1f: {  	s0 =	rddreg [dreg:$0x5]  }
0x20: {  	[tilespmem:s6], [sflag:$0x2] =	stream.strided.gather [hbm4b:s0+s21], $0x2780, s22, s21, $0x38;
	[tilespmem:$0x1C580] =	vst v63  }
0x21: {  	_ =	swait.ge [sflag:s1], $0x2780  }
0x22: {  	[sflag:s1] =	ssyncset.done $0x0  }
0x23: {  	s29 =	rddreg [dreg:$0x6];
	[sflag:s1] =	ssyncadd.s32 $0xFFFFD880  }
0x24: {  	[tilespmem:s24], [sflag:$0x2] =	stream.strided.gather [hbm4b:s29+s21], $0x2780, s22, s21, $0x38;
	[tilespmem:$0x1C580] =	vst v63  }
0x25: {  	_ =	swait.ge [sflag:s1], $0x2780  }
0x26: {  	[sflag:s1] =	ssyncset.done $0x0  }
0x27: {  	s30 =	rddreg [dreg:$0x7];
	[sflag:s1] =	ssyncadd.s32 $0xFFFFD880  }
0x28: {  	[tilespmem:s25], [sflag:$0x2] =	stream.strided.gather [hbm4b:s30+s21], $0x2780, s22, s21, $0x38;
	[tilespmem:$0x1C580] =	vst v63  }
0x29: {  	_ =	swait.ge [sflag:s1], $0x2780  }
0x2a: {  	[sflag:s1] =	ssyncset.done $0x0  }
0x2b: {  	s31 =	rddreg [dreg:$0x8];
	[sflag:s1] =	ssyncadd.s32 $0xFFFFD880  }
0x2c: {  	[tilespmem:s26], [sflag:$0x2] =	stream.strided.gather [hbm4b:s31+s21], $0x2780, s22, s21, $0x38;
	[tilespmem:$0x1C580] =	vst v63  }
0x2d: {  	_ =	swait.ge [sflag:s1], $0x2780  }
0x2e: {  	[sflag:s1] =	ssyncset.done $0x0  }
0x2f: {  	s4 =	simm.s32 $0x9E20;
	[sflag:s1] =	ssyncadd.s32 $0xFFFFD880  }
0x30: {  	[tilespmem:s4+$0xFFFFFFF0] =	vst v0  }
0x31: {  	[tilespmem:s4+$0x0] =	vst v0  }
0x32: {  	[tilespmem:s4+$0x10] =	vst v0  }
0x33: {  	s0 =	simm.s32 $0xC5A0;
	[tilespmem:s4+$0xFFFFFFE0] =	vst v0  }
0x34: {  	[tilespmem:s0+$0xFFFFFFF0] =	vst v0  }
0x35: {  	[tilespmem:s0+$0x0] =	vst v0  }
0x36: {  	[tilespmem:s0+$0x10] =	vst v0  }
0x37: {  	s1 =	simm.s32 $0xED20;
	[tilespmem:s0+$0xFFFFFFE0] =	vst v0  }
0x38: {  	[tilespmem:s1+$0xFFFFFFF0] =	vst v0  }
0x39: {  	[tilespmem:s1+$0x0] =	vst v0  }
0x3a: {  	[tilespmem:s1+$0x10] =	vst v0  }
0x3b: {  	s2 =	simm.s32 $0x114A0;
	[tilespmem:s1+$0xFFFFFFE0] =	vst v0  }
0x3c: {  	[tilespmem:s2+$0xFFFFFFF0] =	vst v0  }
0x3d: {  	[tilespmem:s2+$0x0] =	vst v0  }
0x3e: {  	[tilespmem:s2+$0x10] =	vst v0  }
0x3f: {  	s5 =	simm.s32 $0x9E60;
	s4 =	simm.s32 $0x0;
	[tilespmem:s2+$0xFFFFFFE0] =	vst v0  }
.LBB2_2:
0x40: {  	[tilespmem:s5+$0xFFFFFFF0] =	vst v0;
	s0 =	sadd.s32 $0x40, s0  }
0x41: {  	s1 =	sadd.s32 $0x40, s1;
	[tilespmem:s0+$0xFFFFFFF0] =	vst v0  }
0x42: {  	s2 =	sadd.s32 $0x40, s2;
	[tilespmem:s1+$0xFFFFFFF0] =	vst v0  }
0x43: {  	[tilespmem:s2+$0xFFFFFFF0] =	vst v0  }
0x44: {  	[tilespmem:s5+$0x0] =	vst v0  }
0x45: {  	[tilespmem:s0+$0x0] =	vst v0  }
0x46: {  	[tilespmem:s1+$0x0] =	vst v0  }
0x47: {  	[tilespmem:s2+$0x0] =	vst v0  }
0x48: {  	[tilespmem:s5+$0x10] =	vst v0  }
0x49: {  	s4 =	sadd.s32 $0x4, s4;
	[tilespmem:s0+$0x10] =	vst v0  }
0x4a: {  	p0 =	slt.u32 s4, $0x26C;
	[tilespmem:s1+$0x10] =	vst v0  }
.Ltmp0:
0x4b: {  	[tilespmem:s2+$0x10] =	vst v0;
	(pc) =	sbr.rel @p0 .LBB2_2-.Ltmp0, $4  }
0x4c: {  	[tilespmem:s5+$0xFFFFFFE0] =	vst v0  }
0x4d: {  	[tilespmem:s0+$0xFFFFFFE0] =	vst v0  }
0x4e: {  	[tilespmem:s1+$0xFFFFFFE0] =	vst v0  }
0x4f: {  	s18 =	simm.s32 $0x0;
	s5 =	sadd.s32 $0x40, s5;
	[tilespmem:s2+$0xFFFFFFE0] =	vst v0  }
0x50: {  	s0 =	simm.s32 $0x0  }
.LBB2_4:
0x51: {  	p0 =	sne.s32 s0, $0x40  }
.Ltmp1:
0x52: {  	s1 =	sshra.s32 s0, $0x2;
	(pc) =	sbr.rel @p0 .LBB2_4-.Ltmp1, $4  }
0x53: {  	[tilespmem:s1+$0xC500] =	vst v0  }
0x54: {  	[tilespmem:s1+$0xEC80] =	vst v0  }
0x55: {  	[tilespmem:s1+$0x11400] =	vst v0  }
0x56: {  	s0 =	sadd.s32 $0x40, s0;
	[tilespmem:s1+$0x13B80] =	vst v0  }
.Ltmp2:
0x57: {  	_ = 	snop;
	(pc) =	sbr.rel .LBB2_5-.Ltmp2, $1  }
0x58: {  	_ =	sdelay $0x3  }
.LBB2_9:
.Ltmp3:
0x59: {  	(pc) =	sbr.rel .LBB2_12-.Ltmp3, $2  }
0x5a: {  	_ =	sdelay $0x2  }
0x5b: {  	s19 =	simm.s32 $0x80  }
.LBB2_5:
0x5c: {  	s0 =	smul.u32 $0xC80, s18  }
0x5d: {  	s1 =	rddreg [dreg:$0x9]  }
0x5e: {  	s2 =	rddreg [dreg:$0x3];
	s4 =	simm.s32 $0x0;
	s0 =	sadd.s32 s1, s0  }
0x5f: {  	s5 =	simm.s32 $0x13C00;
	s1 =	sshrl.u32 s0, $0x3;
	s0 =	sshll.u32 s0, $0x3  }
0x60: {  	s20 =	rddreg [dreg:$0x4];
	s2 =	sadd.s32 s2, s1;
	s0 =	sadd.s32 s15, s0  }
0x61: {  	[tilespmem:s5], [sflag:$0x1] =	stream.linear.gather [hbm4b:s2+s4], $0xC80, $0x38;
	[tilespmem:$0x1C580] =	vst v63  }
0x62: {  	s23 =	simm.s32 $0x14880;
	s1 =	sadd.s32 s20, s1;
	s2 =	sor.u32 s7, s0  }
0x63: {  	[tilespmem:s23], [sflag:$0x1] =	stream.linear.gather [hbm4b:s1+s4], $0xC80, $0x38;
	[tilespmem:$0x1C580] =	vst v63  }
0x64: {  	s1 =	sshrl.u32 s2, $0x3  }
0x65: {  	s5 =	sor.u32 s9, s0;
	s4 =	simm.s32 $0x16180;
	s1 =	sadd.s32 s3, s1  }
0x66: {  	[tilespmem:s4], [sflag:$0x1] =	stream.strided.gather [hbm4b:s1+s21], $0xC80, s22, s21, $0x38;
	[tilespmem:$0x1C580] =	vst v63  }
0x67: {  	s1 =	sshrl.u32 s5, $0x3  }
0x68: {  	s17 =	simm.s32 $0x16E00;
	s19 =	sor.u32 s10, s0;
	s1 =	sadd.s32 s3, s1  }
0x69: {  	[tilespmem:s17], [sflag:$0x1] =	stream.strided.gather [hbm4b:s1+s21], $0xC80, s22, s21, $0x38;
	[tilespmem:$0x1C580] =	vst v63  }
0x6a: {  	s0 =	sor.u32 s14, s0;
	s1 =	sshrl.u32 s19, $0x3  }
0x6b: {  	s20 =	simm.s32 $0x17A80;
	s0 =	sshrl.u32 s0, $0x3;
	s1 =	sadd.s32 s3, s1  }
0x6c: {  	[tilespmem:s20], [sflag:$0x1] =	stream.strided.gather [hbm4b:s1+s21], $0xC80, s22, s21, $0x38;
	[tilespmem:$0x1C580] =	vst v63  }
0x6d: {  	s0 =	sadd.s32 s3, s0;
	s23 =	simm.s32 $0x18700  }
0x6e: {  	[tilespmem:s23], [sflag:$0x1] =	stream.strided.gather [hbm4b:s0+s21], $0xC80, s22, s21, $0x38;
	[tilespmem:$0x1C580] =	vst v63  }
0x6f: {  	_ =	swait.ge [sflag:s8], $0xC80  }
0x70: {  	[sflag:s8] =	ssyncset.done $0x0  }
0x71: {  	[sflag:s8] =	ssyncadd.s32 $0xFFFFF380  }
0x72: {  	_ =	swait.ge [sflag:s8], $0xC80  }
0x73: {  	[sflag:s8] =	ssyncset.done $0x0  }
0x74: {  	[sflag:s8] =	ssyncadd.s32 $0xFFFFF380  }
0x75: {  	_ =	swait.ge [sflag:s8], $0xC80  }
0x76: {  	[sflag:s8] =	ssyncset.done $0x0  }
0x77: {  	[sflag:s8] =	ssyncadd.s32 $0xFFFFF380  }
0x78: {  	_ =	swait.ge [sflag:s8], $0xC80  }
0x79: {  	[sflag:s8] =	ssyncset.done $0x0  }
0x7a: {  	[sflag:s8] =	ssyncadd.s32 $0xFFFFF380  }
0x7b: {  	_ =	swait.ge [sflag:s8], $0xC80  }
0x7c: {  	[sflag:s8] =	ssyncset.done $0x0  }
0x7d: {  	[sflag:s8] =	ssyncadd.s32 $0xFFFFF380  }
0x7e: {  	_ =	swait.ge [sflag:s8], $0xC80  }
0x7f: {  	[sflag:s8] =	ssyncset.done $0x0  }
0x80: {  	s1 =	simm.s32 $0x14890;
	[sflag:s8] =	ssyncadd.s32 $0xFFFFF380  }
0x81: {  	v8 =	vld [tilespmem:s1+$0x0];
	_ =	sdelay $0x4  }
0x82: {  	v8 =	vxor.u32 $0x80000000, v8  }
0x83: {  	(xrf1) =	vsort.ascd.msk.u32 $0xffff, v8, v1;
	_ =	sdelay $0x4  }
0x84: {  	v8 =	vld [tilespmem:s1+$0xFFFFFFF0];
	_ =	sdelay $0x4  }
0x85: {  	v8 =	vxor.u32 $0x80000000, v8  }
0x86: {  	(xrf1) =	vsort.ascd.msk.u32 $0xffff, v8, v1;
	_ =	sdelay $0x2  }
0x87: {  	s2 =	simm.s32 $0x13C10;
	v8, v12, _ =	vpop (xrf1)  }
0x88: {  	v13 =	vld [tilespmem:s2+$0x0];
	v8 =	vxor.u32 $0x80000000, v8  }
0x89: {  	v9 =	vperm.xlane v8, v3;
	_ =	sdelay $0x1  }
0x8a: {  	vm0 =	vne.s32 v8, v9  }
0x8b: {  	vm0 =	vmor vm0, vm1  }
0x8c: {  	s4 =	simm.s32 $0x15510;
	v9 =	vsel vm0, v8, v6  }
0x8d: {  	s5 =	simm.s32 $0x16190;
	[tilespmem:s4+$0x0] =	vst v9  }
0x8e: {  	s19 =	simm.s32 $0x0;
	v9 =	vld [tilespmem:s5+$0x0]  }
0x8f: {  	v10 =	vld.idx.msk [tilespmem:v13+s19+$0x0], $0xffff;
	_ =	sdelay $0x1  }
0x90: {  	v17 =	vld [tilespmem:s2+$0xFFFFFFF0];
	v11, v16, _ =	vpop (xrf1)  }
0x91: {  	v11 =	vxor.u32 $0x80000000, v11  }
0x92: {  	v14 =	vperm.xlane v11, v3  }
0x93: {  	v9 =	vadd.f32 v9, v10  }
0x94: {  	vm0 =	vne.s32 v11, v14  }
0x95: {  	vm0 =	vmor vm0, vm1;
	v9 =	vperm.xlane v9, v12  }
0x96: {  	v14 =	vperm.xlane v8, v2;
	v10 =	vsel vm0, v11, v6  }
0x97: {  	[tilespmem:s4+$0xFFFFFFF0] =	vst v10;
	v10 =	vperm.xlane v9, v2  }
0x98: {  	vm0 =	veq.s32 v8, v14;
	v15 =	vld.idx.msk [tilespmem:v17+s19+$0x0], $0xffff  }
0x99: {  	vm4 =	vmand vm0, vm2;
	v14 =	vld [tilespmem:s5+$0xFFFFFFF0];
	v10 =	vmax.f32 v9, v10  }
0x9a: {  	v18 =	vperm.xlane v8, v4;
	v9 =	vsel vm4, v10, v9  }
0x9b: {  	v10 =	vperm.xlane v9, v4  }
0x9c: {  	vm7 =	vmmov vm2;
	vm6 =	vcmask $0x3F08;
	vm0 =	veq.s32 v8, v18  }
0x9d: {  	vm13 =	vmmov vm1;
	vm2 =	vmand vm0, vm6;
	v10 =	vmax.f32 v9, v10  }
0x9e: {  	v14 =	vadd.f32 v14, v15;
	v15 =	vperm.xlane v8, v5;
	v9 =	vsel vm2, v10, v9  }
0x9f: {  	vm12 =	vcmask $0x3F10;
	vm3 =	vcmask $0x3F20;
	v10 =	vperm.xlane v9, v5  }
0xa0: {  	v14 =	vperm.xlane v14, v16;
	vm0 =	veq.s32 v8, v15;
	v15 =	vperm.xlane v11, v2  }
0xa1: {  	v19 =	vperm.xlane v8, v7;
	vm1 =	vmand vm0, vm12;
	v10 =	vmax.f32 v9, v10  }
0xa2: {  	v18 =	vperm.xlane v14, v2;
	vm0 =	veq.s32 v11, v15;
	v9 =	vsel vm1, v10, v9  }
0xa3: {  	vm5 =	vmand vm0, vm7;
	vm0 =	veq.s32 v8, v19;
	v15 =	vperm.xlane v9, v7  }
0xa4: {  	v18 =	vmax.f32 v14, v18;
	vm10 =	vmand vm0, vm3  }
0xa5: {  	v8 =	vsel vm5, v18, v14;
	v10 =	vperm.xlane v11, v4;
	v14 =	vmax.f32 v9, v15  }
0xa6: {  	s17 =	simm.s32 $0x148B0;
	s20 =	simm.s32 $0x19390;
	v18 =	vperm.xlane v8, v4;
	v9 =	vsel vm10, v14, v9  }
0xa7: {  	vm0 =	vmmov vm3;
	vm3 =	veq.s32 v11, v10;
	v15 =	vld [tilespmem:s17+$0x0];
	[tilespmem:s20+$0x0] =	vst v9  }
0xa8: {  	s23 =	simm.s32 $0x16E10;
	vm3 =	vmand vm3, vm6;
	v9 =	vmax.f32 v8, v18;
	v10 =	vld.idx.msk [tilespmem:v13+s24+$0x0], $0xffff  }
0xa9: {  	v14 =	vperm.xlane v11, v5;
	v8 =	vsel vm3, v9, v8;
	v9 =	vld [tilespmem:s23+$0x0]  }
0xaa: {  	v18 =	vperm.xlane v8, v5  }
0xab: {  	vm11 =	vmmov vm7;
	vm15 =	vmmov vm6;
	vm6 =	veq.s32 v11, v14  }
0xac: {  	vm7 =	vmand vm6, vm12;
	v15 =	vxor.u32 $0x80000000, v15;
	v14 =	vmax.f32 v8, v18  }
0xad: {  	(xrf1) =	vsort.ascd.msk.u32 $0xffff, v15, v1;
	v15 =	vperm.xlane v11, v7;
	v8 =	vsel vm7, v14, v8  }
0xae: {  	v14 =	vperm.xlane v8, v7;
	v9 =	vadd.f32 v9, v10  }
0xaf: {  	vm6 =	veq.s32 v11, v15  }
0xb0: {  	v19 =	vld [tilespmem:s17+$0xFFFFFFF0];
	vm9 =	vmand vm6, vm0;
	v11 =	vmax.f32 v8, v14;
	v9 =	vperm.xlane v9, v12  }
0xb1: {  	v8 =	vsel vm9, v11, v8  }
0xb2: {  	[tilespmem:s20+$0xFFFFFFF0] =	vst v8;
	v8 =	vperm.xlane v9, v2;
	_ =	sdelay $0x1  }
0xb3: {  	v8 =	vmax.f32 v9, v8  }
0xb4: {  	v10 =	vxor.u32 $0x80000000, v19;
	v9 =	vsel vm4, v8, v9  }
0xb5: {  	(xrf1) =	vsort.ascd.msk.u32 $0xffff, v10, v1;
	v8 =	vperm.xlane v9, v4  }
0xb6: {  	v10 =	vld.idx.msk [tilespmem:v17+s24+$0x0], $0xffff  }
0xb7: {  	v11 =	vld [tilespmem:s23+$0xFFFFFFF0];
	_ =	sdelay $0x1  }
0xb8: {  	v14 =	vmax.f32 v9, v8  }
0xb9: {  	v9 =	vsel vm2, v14, v9;
	v15, v8, _ =	vpop (xrf1)  }
0xba: {  	v14 =	vxor.u32 $0x80000000, v15;
	v15 =	vperm.xlane v9, v5  }
0xbb: {  	v11 =	vadd.f32 v11, v10  }
0xbc: {  	v15 =	vmax.f32 v9, v15  }
0xbd: {  	s4 =	simm.s32 $0x13C30;
	v18 =	vperm.xlane v11, v16;
	v11 =	vperm.xlane v14, v3;
	v15 =	vsel vm1, v15, v9  }
0xbe: {  	v10 =	vld [tilespmem:s4+$0x0];
	v21 =	vperm.xlane v15, v7  }
0xbf: {  	vm6 =	vmmov vm5;
	vm0 =	vmmov vm3;
	vm8 =	vne.s32 v14, v11  }
0xc0: {  	v19 =	vperm.xlane v18, v2;
	vm5 =	vmor vm8, vm13;
	v21 =	vmax.f32 v15, v21  }
0xc1: {  	s5 =	simm.s32 $0x15530;
	v22 =	vsel vm5, v14, v6;
	v15 =	vsel vm10, v21, v15;
	v21 =	vimm.s32 $0x0  }
0xc2: {  	s17 =	simm.s32 $0x161B0;
	v19 =	vmax.f32 v18, v19;
	v11 =	vld [tilespmem:s4+$0xFFFFFFF0];
	v20, v9, _ =	vpop (xrf1);
	[tilespmem:s5+$0x0] =	vst v22;
	v21 =	vsel vm0, $0xFFFFFFFF, v21  }
0xc3: {  	s20 =	simm.s32 $0x1A010;
	v18 =	vsel vm6, v19, v18;
	v20 =	vxor.u32 $0x80000000, v20;
	v23 =	vld [tilespmem:s17+$0x0];
	[tilespmem:$0x1FF70] =	vst v21  }
0xc4: {  	vm8 =	vmmov vm7;
	v19 =	vperm.xlane v20, v3;
	[tilespmem:s20+$0x0] =	vst v15;
	v15 =	vimm.s32 $0x0  }
0xc5: {  	v55 =	vimm.s32 $0x0;
	v15 =	vsel vm8, $0xFFFFFFFF, v15  }
0xc6: {  	vm14 =	vmmov vm2;
	v22 =	vperm.xlane v18, v4;
	vm3 =	vne.s32 v20, v19;
	v19 =	vld.idx.msk [tilespmem:v10+s19+$0x0], $0xffff;
	[tilespmem:$0x1FF90] =	vst v15  }
0xc7: {  	s23 =	simm.s32 $0x17A90;
	v27 =	vperm.xlane v14, v5;
	v24 =	vperm.xlane v20, v4;
	vm3 =	vmor vm3, vm13;
	v21 =	vld.idx.msk [tilespmem:v13+s25+$0x0], $0xffff  }
0xc8: {  	v25 =	vsel vm3, v20, v6;
	v15 =	vmax.f32 v18, v22;
	v22 =	vperm.xlane v20, v2;
	v26 =	vld [tilespmem:s23+$0x0]  }
0xc9: {  	v15 =	vsel vm0, v15, v18;
	v18 =	vperm.xlane v20, v5;
	vm0 =	vmmov vm4  }
0xca: {  	[tilespmem:s5+$0xFFFFFFF0] =	vst v25;
	vm5 =	veq.s32 v20, v22;
	v22 =	vperm.xlane v15, v5;
	v25 =	vsel vm0, $0xFFFFFFFF, v55  }
0xcb: {  	v63 =	vperm.xlane v14, v7;
	vm3 =	vmmov vm9;
	vm9 =	veq.s32 v20, v24;
	v54 =	vld.idx.msk [tilespmem:v11+s19+$0x0], $0xffff;
	[tilespmem:$0x1FFB0] =	vst v25  }
0xcc: {  	vm4 =	veq.s32 v20, v18;
	v19 =	vadd.f32 v23, v19;
	v25 =	vld [tilespmem:s17+$0xFFFFFFF0];
	v18 =	vmax.f32 v15, v22  }
0xcd: {  	v23 =	vperm.xlane v14, v2;
	v15 =	vsel vm8, v18, v15;
	v18 =	vadd.f32 v26, v21  }
0xce: {  	vm13 =	vmand vm9, vm15;
	v19 =	vperm.xlane v19, v8;
	v21 =	vperm.xlane v15, v7  }
0xcf: {  	vm9 =	vmmov vm1;
	vm7 =	vmand vm5, vm11;
	v18 =	vperm.xlane v18, v12  }
0xd0: {  	vm2 =	veq.s32 v14, v23;
	v56 =	vperm.xlane v19, v2;
	v21 =	vmax.f32 v15, v21  }
0xd1: {  	v24 =	vadd.f32 v25, v54;
	v15 =	vsel vm3, v21, v15;
	v21 =	vperm.xlane v18, v2  }
0xd2: {  	vm2 =	vmand vm2, vm11;
	v57 =	vmax.f32 v19, v56;
	[tilespmem:s20+$0xFFFFFFF0] =	vst v15;
	v15 =	vperm.xlane v14, v4  }
0xd3: {  	v19 =	vsel vm2, v57, v19;
	v23 =	vperm.xlane v24, v9;
	v21 =	vmax.f32 v18, v21  }
0xd4: {  	vm5 =	veq.s32 v14, v63;
	v60 =	vperm.xlane v19, v4;
	v18 =	vsel vm0, v21, v18  }
0xd5: {  	vm1 =	veq.s32 v14, v15;
	v59 =	vperm.xlane v23, v2;
	v15 =	vperm.xlane v18, v4  }
0xd6: {  	vm8 =	vmand vm4, vm12;
	vm11 =	vmand vm1, vm15;
	v26 =	vmax.f32 v19, v60  }
0xd7: {  	v19 =	vsel vm11, v26, v19;
	v25 =	vmax.f32 v23, v59;
	v15 =	vmax.f32 v18, v15  }
0xd8: {  	v61 =	vperm.xlane v19, v5;
	v23 =	vsel vm7, v25, v23;
	v15 =	vsel vm14, v15, v18  }
0xd9: {  	vm4 =	veq.s32 v14, v27;
	v18 =	vperm.xlane v23, v4;
	v62 =	vperm.xlane v15, v5  }
0xda: {  	v22 =	vperm.xlane v20, v7;
	vm4 =	vmand vm4, vm12;
	v25 =	vmax.f32 v19, v61  }
0xdb: {  	v19 =	vsel vm4, v25, v19;
	v18 =	vmax.f32 v23, v18;
	v28 =	vmax.f32 v15, v62  }
0xdc: {  	v58 =	vld.idx.msk [tilespmem:v17+s25+$0x0], $0xffff;
	v29 =	vperm.xlane v19, v7;
	v18 =	vsel vm13, v18, v23;
	v15 =	vsel vm9, v28, v15  }
0xdd: {  	vm12 =	vcmask $0x3F20;
	v21 =	vld [tilespmem:s23+$0xFFFFFFF0];
	v23 =	vperm.xlane v18, v5;
	v14 =	vperm.xlane v15, v7  }
0xde: {  	vm15 =	vmand vm5, vm12;
	vm1 =	vmmov vm10;
	v30 =	vmax.f32 v19, v29  }
0xdf: {  	s5 =	simm.s32 $0x148D0;
	s23 =	simm.s32 $0x193B0;
	v19 =	vsel vm15, v30, v19;
	v23 =	vmax.f32 v18, v23;
	v14 =	vmax.f32 v15, v14  }
0xe0: {  	s28 =	simm.s32 $0x16E30;
	v31 =	vld [tilespmem:s5+$0x0];
	[tilespmem:s23+$0x0] =	vst v19;
	v14 =	vsel vm1, v14, v15;
	v15 =	vsel vm8, v23, v18  }
0xe1: {  	s20 =	simm.s32 $0x1AC90;
	vm5 =	veq.s32 v20, v22;
	v22 =	vld [tilespmem:s28+$0x0];
	v19 =	vperm.xlane v15, v7  }
0xe2: {  	vm6 =	vmmov vm6;
	v21 =	vadd.f32 v21, v58;
	v18 =	vld.idx.msk [tilespmem:v10+s24+$0x0], $0xffff;
	v23 =	vimm.s32 $0x0;
	[tilespmem:s20+$0x0] =	vst v14  }
0xe3: {  	s17 =	simm.s32 $0x18710;
	vm0 =	vmand vm5, vm12;
	v23 =	vsel vm6, $0xFFFFFFFF, v23;
	v13 =	vld.idx.msk [tilespmem:v13+s26+$0x0], $0xffff;
	v19 =	vmax.f32 v15, v19  }
0xe4: {  	v21 =	vperm.xlane v21, v16;
	v20 =	vld [tilespmem:s17+$0x0];
	[tilespmem:$0x1FF60] =	vst v23;
	v15 =	vsel vm0, v19, v15  }
0xe5: {  	v23 =	vxor.u32 $0x80000000, v31;
	[tilespmem:s23+$0xFFFFFFF0] =	vst v15  }
0xe6: {  	v14 =	vperm.xlane v21, v2;
	(xrf1) =	vsort.ascd.msk.u32 $0xffff, v23, v1;
	v23 =	vld [tilespmem:$0x1FF70];
	_ =	sdelay $0x1  }
0xe7: {  	v14 =	vmax.f32 v21, v14  }
0xe8: {  	v14 =	vsel vm6, v14, v21  }
0xe9: {  	v19 =	vperm.xlane v14, v4  }
0xea: {  	vm5 =	vnez.u8 v23  }
0xeb: {  	v19 =	vmax.f32 v14, v19;
	vm6 =	vmmov vm5  }
0xec: {  	v21 =	vld [tilespmem:s5+$0xFFFFFFF0];
	v14 =	vsel vm6, v19, v14  }
0xed: {  	v18 =	vadd.f32 v22, v18;
	v15 =	vld.idx.msk [tilespmem:v11+s24+$0x0], $0xffff;
	v13 =	vadd.f32 v20, v13;
	v19 =	vperm.xlane v14, v5  }
0xee: {  	v20 =	vimm.s32 $0x0;
	v23 =	vld [tilespmem:s28+$0xFFFFFFF0]  }
0xef: {  	v12 =	vperm.xlane v13, v12;
	v13 =	vperm.xlane v18, v8;
	v18 =	vmax.f32 v14, v19;
	v19 =	vld [tilespmem:$0x1FF90]  }
0xf0: {  	v20 =	vsel vm6, $0xFFFFFFFF, v20  }
0xf1: {  	[tilespmem:$0x1FF80] =	vst v20;
	v20 =	vxor.u32 $0x80000000, v21;
	v21 =	vld [tilespmem:$0x1FFB0]  }
0xf2: {  	v32 =	vimm.s32 $0x0;
	v35 =	vimm.s32 $0x0  }
0xf3: {  	vm12 =	vmmov vm15;
	vm10 =	vmmov vm0;
	v15 =	vadd.f32 v23, v15  }
0xf4: {  	v61 =	vimm.s32 $0x0;
	v29 =	vimm.s32 $0x0;
	(xrf1) =	vsort.ascd.msk.u32 $0xffff, v20, v1;
	vm5 =	vnez.u8 v19  }
0xf5: {  	v20 =	vimm.s32 $0x0;
	v15 =	vperm.xlane v15, v9;
	vm6 =	vmmov vm5  }
0xf6: {  	v19 =	vperm.xlane v12, v2;
	vm5 =	vnez.u8 v21;
	v20 =	vsel vm6, $0xFFFFFFFF, v20  }
0xf7: {  	v14 =	vsel vm6, v18, v14;
	v18 =	vperm.xlane v13, v2;
	vm6 =	vmmov vm7  }
0xf8: {  	v19 =	vmax.f32 v12, v19;
	vm7 =	vmmov vm13;
	vm13 =	vmmov vm8  }
0xf9: {  	[tilespmem:$0x1FFA0] =	vst v20;
	v20 =	vperm.xlane v14, v7;
	v12 =	vsel vm5, v19, v12;
	v18 =	vmax.f32 v13, v18  }
0xfa: {  	vm8 =	vcmask $0x3F04;
	v13 =	vsel vm2, v18, v13;
	v18 =	vperm.xlane v12, v4  }
0xfb: {  	v19 =	vmax.f32 v14, v20;
	v20 =	vperm.xlane v15, v2;
	v21 =	vperm.xlane v13, v4  }
0xfc: {  	vm5 =	vmmov vm6;
	v19 =	vsel vm3, v19, v14;
	v14 =	vmax.f32 v12, v18  }
0xfd: {  	v18 =	vmax.f32 v15, v20;
	v20 =	vmax.f32 v13, v21;
	v12 =	vsel vm14, v14, v12  }
0xfe: {  	vm3 =	vmmov vm3;
	v13 =	vsel vm11, v20, v13;
	v20 =	vperm.xlane v12, v5  }
0xff: {  	v25 =	vsel vm7, $0xFFFFFFFF, v35;
	v24 =	vsel vm3, $0xFFFFFFFF, v32;
	v23 =	vperm.xlane v13, v5  }
0x100: {  	s31 =	simm.s32 $0x13C50;
	v18 =	vsel vm6, v18, v15;
	vm6 =	vcmask $0x3F3C;
	v21, v14, _ =	vpop (xrf1);
	v20 =	vmax.f32 v12, v20  }
0x101: {  	v15 =	vld [tilespmem:s31+$0x0];
	[tilespmem:$0x1FFC0] =	vst v24;
	v22 =	vxor.u32 $0x80000000, v21;
	v21 =	vperm.xlane v18, v4;
	v23 =	vmax.f32 v13, v23  }
0x102: {  	[tilespmem:s20+$0xFFFFFFF0] =	vst v19;
	v20 =	vsel vm9, v20, v12;
	v19, v12, _ =	vpop (xrf1);
	vm9 =	vmmov vm2;
	v33 =	vperm.xlane v22, v3  }
0x103: {  	v23 =	vsel vm4, v23, v13;
	v34 =	vperm.xlane v20, v7;
	v19 =	vxor.u32 $0x80000000, v19  }
0x104: {  	vm4 =	vmmov vm4;
	v47 =	vperm.xlane v22, v2;
	v51 =	vperm.xlane v22, v4  }
0x105: {  	v29 =	vsel vm9, $0xFFFFFFFF, v29;
	v57 =	vperm.xlane v22, v5;
	v60 =	vperm.xlane v22, v7  }
0x106: {  	v21 =	vmax.f32 v18, v21;
	v38 =	vperm.xlane v19, v3;
	vm3 =	vne.s32 v22, v33  }
0x107: {  	v13 =	vld [tilespmem:s31+$0xFFFFFFF0];
	[tilespmem:$0x1FFD0] =	vst v25;
	v18 =	vsel vm7, v21, v18;
	v21 =	vperm.xlane v23, v7;
	vm3 =	vmor vm3, vm6  }
0x108: {  	s0 =	simm.s32 $0x15550;
	v17 =	vld.idx.msk [tilespmem:v17+s26+$0x0], $0xffff;
	v39 =	vperm.xlane v19, v2;
	v24 =	vmax.f32 v20, v34;
	v36 =	vsel vm3, v22, v6  }
0x109: {  	s2 =	simm.s32 $0x161D0;
	v37 =	vld [tilespmem:s17+$0xFFFFFFF0];
	v40 =	vperm.xlane v19, v4;
	v20 =	vsel vm1, v24, v20;
	v21 =	vmax.f32 v23, v21;
	[tilespmem:s0+$0x0] =	vst v36  }
0x10a: {  	s29 =	simm.s32 $0x1A030;
	vm0 =	vne.s32 v19, v38;
	vm2 =	veq.s32 v19, v39;
	v21 =	vsel vm15, v21, v23;
	v28 =	vld [tilespmem:s2+$0x0]  }
0x10b: {  	v44 =	vperm.xlane v18, v5;
	vm1 =	vcmask $0x3F08;
	vm0 =	vmor vm0, vm6;
	v41 =	vld.idx.msk [tilespmem:v15+s19+$0x0], $0xffff;
	[tilespmem:s29+$0x0] =	vst v21  }
0x10c: {  	s30 =	simm.s32 $0x17AB0;
	vm3 =	veq.s32 v19, v40;
	vm7 =	vmand vm2, vm8;
	v23 =	vperm.xlane v19, v5;
	v21 =	vld.idx.msk [tilespmem:v10+s25+$0x0], $0xffff  }
0x10d: {  	vm2 =	veq.s32 v22, v51;
	v42 =	vsel vm0, v19, v6;
	vm6 =	vmand vm3, vm1;
	v43 =	vld [tilespmem:s30+$0x0]  }
0x10e: {  	vm1 =	vcmask $0x3F10;
	[tilespmem:s0+$0xFFFFFFF0] =	vst v42;
	vm0 =	veq.s32 v19, v23;
	v23 =	vperm.xlane v19, v7  }
0x10f: {  	vm3 =	vmmov vm11;
	vm11 =	vmmov vm13;
	vm15 =	vmmov vm10;
	v45 =	vld.idx.msk [tilespmem:v13+s19+$0x0], $0xffff  }
0x110: {  	vm14 =	vmand vm0, vm1;
	vm1 =	veq.s32 v19, v23;
	v19 =	vld [tilespmem:s2+$0xFFFFFFF0];
	v23 =	vmax.f32 v18, v44  }
0x111: {  	v17 =	vadd.f32 v37, v17;
	v18 =	vsel vm13, v23, v18;
	v46 =	vadd.f32 v28, v41  }
0x112: {  	vm0 =	vcmask $0x3F20;
	v23 =	vperm.xlane v18, v7;
	v21 =	vadd.f32 v43, v21  }
0x113: {  	v16 =	vperm.xlane v17, v16;
	vm0 =	vmand vm1, vm0;
	v17 =	vperm.xlane v46, v14  }
0x114: {  	vm1 =	veq.s32 v22, v47;
	v23 =	vmax.f32 v18, v23;
	v21 =	vperm.xlane v21, v8  }
0x115: {  	v19 =	vadd.f32 v19, v45;
	v18 =	vsel vm10, v23, v18;
	v48 =	vperm.xlane v17, v2  }
0x116: {  	v49 =	vperm.xlane v16, v2;
	vm1 =	vmand vm1, vm8;
	[tilespmem:s29+$0xFFFFFFF0] =	vst v18;
	v23 =	vperm.xlane v21, v2  }
0x117: {  	vm8 =	vcmask $0x3F08;
	v18 =	vperm.xlane v19, v12;
	v50 =	vld.idx.msk [tilespmem:v11+s25+$0x0], $0xffff;
	v19 =	vmax.f32 v17, v48  }
0x118: {  	vm13 =	vmand vm2, vm8;
	v19 =	vsel vm1, v19, v17;
	v17 =	vmax.f32 v21, v23;
	v23 =	vld [tilespmem:s30+$0xFFFFFFF0]  }
0x119: {  	v52 =	vperm.xlane v18, v2;
	v53 =	vperm.xlane v19, v4;
	v21 =	vsel vm9, v17, v21  }
0x11a: {  	vm2 =	vmmov vm3;
	vm8 =	vcmask $0x3F10;
	v54 =	vperm.xlane v21, v4  }
0x11b: {  	v17 =	vmax.f32 v16, v49;
	v55 =	vmax.f32 v18, v52;
	v56 =	vmax.f32 v19, v53  }
0x11c: {  	v18 =	vsel vm7, v55, v18;
	v19 =	vsel vm13, v56, v19;
	v58 =	vmax.f32 v21, v54  }
0x11d: {  	v59 =	vperm.xlane v19, v5;
	v21 =	vsel vm3, v58, v21;
	v24 =	vadd.f32 v23, v50  }
0x11e: {  	vm3 =	veq.s32 v22, v57;
	v23 =	vperm.xlane v18, v4;
	v27 =	vperm.xlane v21, v5  }
0x11f: {  	vm3 =	vmand vm3, vm8;
	vm8 =	vcmask $0x3F20;
	v25 =	vmax.f32 v19, v59  }
0x120: {  	v23 =	vmax.f32 v18, v23;
	v25 =	vsel vm3, v25, v19;
	v19 =	vmax.f32 v21, v27  }
0x121: {  	v27 =	vsel vm4, $0xFFFFFFFF, v61;
	v19 =	vsel vm4, v19, v21;
	v62 =	vperm.xlane v25, v7  }
0x122: {  	[tilespmem:$0x1FFE0] =	vst v29;
	v21 =	vsel vm6, v23, v18;
	vm4 =	veq.s32 v22, v60;
	v63 =	vperm.xlane v19, v7  }
0x123: {  	s6 =	simm.s32 $0x0;
	s23 =	simm.s32 $0x1B910;
	[tilespmem:$0x1FFF0] =	vst v27;
	v22 =	vperm.xlane v21, v5;
	vm4 =	vmand vm4, vm8;
	v18 =	vmax.f32 v25, v62  }
0x124: {  	s1 =	simm.s32 $0x148F0;
	s4 =	simm.s32 $0x193D0;
	s5 =	simm.s32 $0x4;
	[tilespmem:s23+$0x0] =	vst v20;
	v23 =	vsel vm4, v18, v25;
	v18 =	vperm.xlane v24, v9;
	v20 =	vmax.f32 v19, v63  }
.LBB2_6:
0x125: {  	v19 =	vsel vm12, v20, v19;
	v20 =	vld [tilespmem:$0x1FF60];
	_ =	sdelay $0x4  }
0x126: {  	v24 =	vld [tilespmem:s1+$0x0];
	[tilespmem:s4+$0x0] =	vst v23;
	s20 =	sadd.s32 $0x20, s20;
	v22 =	vmax.f32 v21, v22;
	vm10 =	vnez.u8 v20  }
0x127: {  	vm8 =	vmmov vm7;
	v20 =	vld.idx.msk [tilespmem:v15+s24+$0x0], $0xffff;
	[tilespmem:s20+$0x0] =	vst v19;
	v16 =	vsel vm10, v17, v16;
	v17 =	vsel vm14, v22, v21  }
0x128: {  	v21 =	vperm.xlane v18, v2;
	v22 =	vld.idx.msk [tilespmem:v10+s26+$0x0], $0xffff;
	v10 =	vmovc v15;
	v15 =	vimm.s32 $0x0;
	v19 =	vperm.xlane v17, v7  }
0x129: {  	v23 =	vperm.xlane v16, v4;
	v15 =	vsel vm8, $0xFFFFFFFF, v15  }
0x12a: {  	vm10 =	vmmov vm5;
	[tilespmem:$0x1FF50] =	vst v15;
	v15 =	vmax.f32 v18, v21;
	v19 =	vmax.f32 v17, v19  }
0x12b: {  	v15 =	vsel vm10, v15, v18;
	v18 =	vmax.f32 v16, v23;
	v23 =	vld [tilespmem:s1+$0xFFFFFFF0];
	v17 =	vsel vm0, v19, v17  }
0x12c: {  	[tilespmem:s4+$0xFFFFFFF0] =	vst v17;
	v17 =	vld [tilespmem:$0x1FF80];
	_ =	sdelay $0x4  }
0x12d: {  	vm7 =	vnez.u8 v17;
	v17 =	vld [tilespmem:$0x1FFD0]  }
0x12e: {  	s17 =	sadd.s32 $0x20, s17  }
0x12f: {  	v21 =	vld [tilespmem:s17+$0x0];
	_ =	sdelay $0x1  }
0x130: {  	v19 =	vperm.xlane v15, v4  }
0x131: {  	vm9 =	vmmov vm0;
	vm0 =	vnez.u8 v17  }
0x132: {  	v16 =	vsel vm7, v18, v16;
	v18 =	vmax.f32 v15, v19;
	vm7 =	vmmov vm0  }
0x133: {  	s28 =	sadd.s32 $0x20, s28;
	v15 =	vsel vm7, v18, v15;
	v18 =	vadd.f32 v21, v22  }
0x134: {  	v25 =	vld [tilespmem:s28+$0x0]  }
0x135: {  	v18 =	vperm.xlane v18, v8;
	v8 =	vld [tilespmem:$0x1FFA0]  }
0x136: {  	v26 =	vimm.s32 $0x0  }
0x137: {  	v24 =	vxor.u32 $0x80000000, v24;
	v26 =	vsel vm10, $0xFFFFFFFF, v26  }
0x138: {  	vm0 =	vmmov vm14;
	v22 =	vxor.u32 $0x80000000, v23;
	v23 =	vimm.s32 $0x0  }
0x139: {  	v20 =	vadd.f32 v25, v20;
	v19 =	vperm.xlane v16, v5;
	v23 =	vsel vm0, $0xFFFFFFFF, v23  }
0x13a: {  	vm10 =	vmmov vm6;
	v21 =	vperm.xlane v15, v5;
	[tilespmem:$0x1FF40] =	vst v23;
	v23 =	vld [tilespmem:$0x1FFE0];
	vm6 =	vnez.u8 v8;
	v8 =	vmovc v14  }
0x13b: {  	(xrf1) =	vsort.ascd.msk.u32 $0xffff, v24, v1;
	v19 =	vmax.f32 v16, v19;
	v14 =	vperm.xlane v20, v8  }
0x13c: {  	v35 =	vld [tilespmem:s28+$0xFFFFFFF0];
	(xrf1) =	vsort.ascd.msk.u32 $0xffff, v22, v1;
	v16 =	vsel vm6, v19, v16;
	v19 =	vmax.f32 v15, v21;
	vm6 =	vmmov vm11  }
0x13d: {  	v17 =	vld.idx.msk [tilespmem:v13+s24+$0x0], $0xffff;
	v15 =	vsel vm6, v19, v15;
	v19 =	vperm.xlane v18, v2;
	v21 =	vperm.xlane v14, v2  }
0x13e: {  	v22 =	vperm.xlane v15, v7  }
0x13f: {  	vm0 =	vnez.u8 v23;
	v19 =	vmax.f32 v18, v19;
	v21 =	vmax.f32 v14, v21  }
0x140: {  	v18 =	vsel vm0, v19, v18;
	v19 =	vsel vm1, v21, v14;
	v14 =	vmax.f32 v15, v22  }
0x141: {  	v20 =	vimm.s32 $0x0;
	v37 =	vsel vm15, v14, v15;
	v15 =	vld [tilespmem:$0x1FFC0]  }
0x142: {  	v17 =	vadd.f32 v35, v17;
	v20 =	vsel vm6, $0xFFFFFFFF, v20  }
0x143: {  	v40 =	vld [tilespmem:$0x1FFF0];
	[tilespmem:$0x1FFA0] =	vst v20;
	v20 =	vperm.xlane v16, v7  }
0x144: {  	v34 =	vimm.s32 $0x0;
	v36 =	vimm.s32 $0x0;
	v17 =	vperm.xlane v17, v12  }
0x145: {  	v24 =	vsel vm10, $0xFFFFFFFF, v34;
	v20 =	vmax.f32 v16, v20;
	v21 =	vperm.xlane v18, v4  }
0x146: {  	v22 =	vperm.xlane v17, v2;
	v23 =	vperm.xlane v19, v4;
	vm5 =	vnez.u8 v15  }
0x147: {  	[tilespmem:s20+$0xFFFFFFF0] =	vst v37;
	v15 =	vsel vm5, v20, v16;
	vm5 =	vmmov vm15;
	v16 =	vimm.s32 $0x0  }
0x148: {  	vm0 =	vnez.u8 v40;
	v38 =	vmax.f32 v18, v21;
	v21 =	vld.idx.msk [tilespmem:v11+s26+$0x0], $0xffff;
	v16 =	vsel vm5, $0xFFFFFFFF, v16  }
0x149: {  	v11, v14, _ =	vpop (xrf1);
	v20 =	vmax.f32 v19, v23;
	[tilespmem:$0x1FFC0] =	vst v16;
	v16 =	vmax.f32 v17, v22;
	v22 =	vsel vm2, v38, v18  }
0x14a: {  	s31 =	sadd.s32 $0x20, s31;
	[tilespmem:$0x1FFD0] =	vst v24;
	v42, v41, _ =	vpop (xrf1);
	v16 =	vsel vm8, v16, v17;
	v17 =	vsel vm13, v20, v19;
	v19 =	vld [tilespmem:s17+$0xFFFFFFF0];
	v20 =	vperm.xlane v22, v5  }
0x14b: {  	v24 =	vxor.u32 $0x80000000, v42;
	v18 =	vxor.u32 $0x80000000, v11;
	[tilespmem:s23+$0xFFFFFFF0] =	vst v15;
	v15 =	vld [tilespmem:s31+$0x0];
	v23 =	vperm.xlane v16, v4  }
0x14c: {  	v28 =	vperm.xlane v18, v3;
	v39 =	vperm.xlane v17, v5;
	v20 =	vmax.f32 v22, v20  }
0x14d: {  	vm5 =	vcmask $0x3F3C;
	v23 =	vmax.f32 v16, v23;
	v20 =	vsel vm0, v20, v22  }
0x14e: {  	v27 =	vmax.f32 v17, v39;
	vm0 =	vne.s32 v18, v28;
	v22 =	vperm.xlane v20, v7  }
0x14f: {  	v17 =	vsel vm3, v27, v17;
	vm0 =	vmor vm0, vm5;
	v16 =	vsel vm10, v23, v16  }
0x150: {  	s0 =	sadd.s32 $0x20, s0;
	[tilespmem:$0x1FF60] =	vst v26;
	v23 =	vperm.xlane v17, v7;
	v43 =	vsel vm0, v18, v6;
	v22 =	vmax.f32 v20, v22  }
0x151: {  	s2 =	sadd.s32 $0x20, s2;
	v54 =	vimm.s32 $0x0;
	v44 =	vperm.xlane v24, v3;
	s23 =	sadd.s32 $0x20, s23;
	[tilespmem:s0+$0x0] =	vst v43;
	v20 =	vsel vm12, v22, v20  }
0x152: {  	v63 =	vimm.s32 $0x0;
	v26 =	vsel vm7, $0xFFFFFFFF, v36;
	v23 =	vmax.f32 v17, v23;
	v46 =	vld [tilespmem:s2+$0x0];
	[tilespmem:s23+$0x0] =	vst v20  }
0x153: {  	vm0 =	vne.s32 v24, v44;
	v22 =	vperm.xlane v24, v2;
	v17 =	vsel vm4, v23, v17;
	v23 =	vld.idx.msk [tilespmem:v15+s19+$0x0], $0xffff  }
0x154: {  	vm15 =	vmmov vm9;
	v45 =	vperm.xlane v24, v4;
	v11 =	vmovc v13;
	v13 =	vld [tilespmem:s31+$0xFFFFFFF0];
	vm0 =	vmor vm0, vm5  }
0x155: {  	vm2 =	vmmov vm1;
	vm1 =	veq.s32 v24, v22;
	v22 =	vsel vm0, v24, v6  }
0x156: {  	vm9 =	vcmask $0x3F08;
	vm8 =	vmmov vm3;
	[tilespmem:s0+$0xFFFFFFF0] =	vst v22;
	v22 =	vperm.xlane v16, v5  }
0x157: {  	s29 =	sadd.s32 $0x20, s29;
	[tilespmem:$0x1FF80] =	vst v26;
	v51 =	vperm.xlane v18, v4;
	v57 =	vperm.xlane v18, v5;
	v26 =	vsel vm8, $0xFFFFFFFF, v63  }
0x158: {  	v19 =	vadd.f32 v19, v21;
	[tilespmem:s29+$0x0] =	vst v17;
	v21 =	vmax.f32 v16, v22;
	v22 =	vadd.f32 v46, v23;
	v23 =	vld [tilespmem:$0x1FF40]  }
0x159: {  	s30 =	sadd.s32 $0x20, s30;
	v28 =	vsel vm2, $0xFFFFFFFF, v54;
	vm5 =	veq.s32 v24, v45;
	v20 =	vperm.xlane v24, v5;
	v17 =	vld.idx.msk [tilespmem:v10+s25+$0x0], $0xffff  }
0x15a: {  	vm10 =	vcmask $0x3F04;
	vm3 =	veq.s32 v18, v57;
	vm6 =	vmand vm5, vm9;
	v47 =	vld [tilespmem:s30+$0x0]  }
0x15b: {  	vm12 =	vcmask $0x3F10;
	vm0 =	veq.s32 v24, v20;
	v20 =	vperm.xlane v24, v7  }
0x15c: {  	vm5 =	vmmov vm13;
	vm13 =	vcmask $0x3F20;
	vm7 =	vmand vm1, vm10;
	v48 =	vld.idx.msk [tilespmem:v13+s19+$0x0], $0xffff  }
0x15d: {  	vm14 =	vmand vm0, vm12;
	vm1 =	veq.s32 v24, v20;
	v20 =	vld [tilespmem:s2+$0xFFFFFFF0];
	vm11 =	vnez.u8 v23  }
0x15e: {  	vm12 =	vmmov vm4;
	vm4 =	vcmask $0x3F10;
	v21 =	vsel vm11, v21, v16  }
0x15f: {  	vm3 =	vmand vm3, vm4;
	v17 =	vadd.f32 v47, v17;
	v23 =	vperm.xlane v21, v7  }
0x160: {  	vm0 =	vmand vm1, vm13;
	v16 =	vperm.xlane v19, v9;
	v19 =	vperm.xlane v22, v14  }
0x161: {  	v17 =	vperm.xlane v17, v8;
	v22 =	vperm.xlane v18, v2;
	v23 =	vmax.f32 v21, v23  }
0x162: {  	v20 =	vadd.f32 v20, v48;
	v49 =	vperm.xlane v19, v2;
	v21 =	vsel vm15, v23, v21  }
0x163: {  	v9 =	vmovc v12;
	v12 =	vmov v41;
	vm1 =	veq.s32 v18, v22;
	[tilespmem:s29+$0xFFFFFFF0] =	vst v21;
	v21 =	vperm.xlane v17, v2  }
0x164: {  	v20 =	vperm.xlane v20, v12;
	vm1 =	vmand vm1, vm10;
	v23 =	vmax.f32 v19, v49  }
0x165: {  	v22 =	vperm.xlane v16, v2;
	v19 =	vsel vm1, v23, v19;
	v50 =	vld.idx.msk [tilespmem:v11+s25+$0x0], $0xffff;
	v21 =	vmax.f32 v17, v21  }
0x166: {  	v52 =	vperm.xlane v20, v2;
	v23 =	vld [tilespmem:s30+$0xFFFFFFF0];
	v53 =	vperm.xlane v19, v4;
	v21 =	vsel vm2, v21, v17  }
0x167: {  	v60 =	vld [tilespmem:$0x1FF50];
	vm2 =	veq.s32 v18, v51;
	v17 =	vmax.f32 v16, v22;
	v55 =	vperm.xlane v21, v4  }
0x168: {  	v22 =	vmax.f32 v20, v52;
	v56 =	vmax.f32 v19, v53;
	vm13 =	vmand vm2, vm9  }
0x169: {  	vm2 =	vmmov vm5;
	v19 =	vsel vm13, v56, v19;
	v25 =	vmax.f32 v21, v55  }
0x16a: {  	v20 =	vsel vm7, v22, v20;
	v22 =	vperm.xlane v19, v5;
	v21 =	vsel vm5, v25, v21  }
0x16b: {  	s5 =	sadd.s32 $0x2, s5;
	v24 =	vadd.f32 v23, v50;
	v23 =	vperm.xlane v18, v7;
	v59 =	vperm.xlane v21, v5  }
0x16c: {  	p0 =	slt.u32 s5, $0xC6;
	v58 =	vperm.xlane v20, v4;
	vm5 =	vnez.u8 v60;
	v22 =	vmax.f32 v19, v22  }
.Ltmp4:
0x16d: {  	vm4 =	veq.s32 v18, v23;
	v61 =	vsel vm3, v22, v19;
	v19 =	vmax.f32 v21, v59;
	(pc) =	sbr.rel @p0 .LBB2_6-.Ltmp4, $4  }
0x16e: {  	v22 =	vmax.f32 v20, v58;
	v62 =	vperm.xlane v61, v7;
	v19 =	vsel vm8, v19, v21  }
0x16f: {  	v21 =	vsel vm6, v22, v20;
	vm8 =	vcmask $0x3F20;
	v20 =	vperm.xlane v19, v7  }
0x170: {  	[tilespmem:$0x1FFF0] =	vst v26;
	v22 =	vperm.xlane v21, v5;
	vm4 =	vmand vm4, vm8;
	v18 =	vmax.f32 v61, v62  }
0x171: {  	s1 =	sadd.s32 $0x20, s1;
	s4 =	sadd.s32 $0x20, s4;
	[tilespmem:$0x1FFE0] =	vst v28;
	v23 =	vsel vm4, v18, v61;
	v18 =	vperm.xlane v24, v9;
	v20 =	vmax.f32 v19, v20  }
0x172: {  	v22 =	vmax.f32 v21, v22  }
0x173: {  	v21 =	vsel vm14, v22, v21  }
0x174: {  	v22 =	vperm.xlane v21, v7  }
0x175: {  	[tilespmem:s4+$0x0] =	vst v23  }
0x176: {  	s0 =	sadd.s32 $0x20, s28;
	v23 =	vld.idx.msk [tilespmem:v15+s24+$0x0], $0xffff;
	v22 =	vmax.f32 v21, v22  }
0x177: {  	v45 =	vld [tilespmem:s0+$0x0];
	v21 =	vsel vm0, v22, v21  }
0x178: {  	[tilespmem:s4+$0xFFFFFFF0] =	vst v21  }
0x179: {  	v21 =	vld.idx.msk [tilespmem:v13+s24+$0x0], $0xffff  }
0x17a: {  	v24 =	vld [tilespmem:s0+$0xFFFFFFF0];
	_ =	sdelay $0x1  }
0x17b: {  	v22 =	vadd.f32 v45, v23;
	_ =	sdelay $0x1  }
0x17c: {  	v22 =	vperm.xlane v22, v14  }
0x17d: {  	v21 =	vadd.f32 v24, v21  }
0x17e: {  	v46 =	vperm.xlane v22, v2  }
0x17f: {  	v21 =	vperm.xlane v21, v12  }
0x180: {  	v23 =	vmax.f32 v22, v46  }
0x181: {  	v22 =	vsel vm1, v23, v22;
	v47 =	vperm.xlane v21, v2  }
0x182: {  	v23 =	vperm.xlane v22, v4  }
0x183: {  	vm7 =	vmmov vm7;
	v24 =	vmax.f32 v21, v47  }
0x184: {  	v23 =	vmax.f32 v22, v23;
	v21 =	vsel vm7, v24, v21  }
0x185: {  	v22 =	vsel vm13, v23, v22;
	v24 =	vperm.xlane v21, v4  }
0x186: {  	v23 =	vperm.xlane v22, v5  }
0x187: {  	vm6 =	vmmov vm6;
	v24 =	vmax.f32 v21, v24  }
0x188: {  	v23 =	vmax.f32 v22, v23;
	v21 =	vsel vm6, v24, v21  }
0x189: {  	v22 =	vsel vm3, v23, v22;
	v24 =	vperm.xlane v21, v5  }
0x18a: {  	v23 =	vperm.xlane v22, v7  }
0x18b: {  	vm14 =	vmmov vm14;
	v24 =	vmax.f32 v21, v24  }
0x18c: {  	v23 =	vmax.f32 v22, v23;
	v21 =	vsel vm14, v24, v21  }
0x18d: {  	s28 =	sadd.s32 $0x20, s29;
	v22 =	vsel vm4, v23, v22;
	v24 =	vperm.xlane v21, v7  }
0x18e: {  	[tilespmem:s28+$0x0] =	vst v22  }
0x18f: {  	s1 =	sadd.s32 $0x20, s30;
	vm0 =	vmmov vm0;
	v49 =	vld.idx.msk [tilespmem:v15+s25+$0x0], $0xffff;
	v48 =	vmax.f32 v21, v24  }
0x190: {  	v50 =	vld [tilespmem:s1+$0x0];
	v21 =	vsel vm0, v48, v21  }
0x191: {  	[tilespmem:s28+$0xFFFFFFF0] =	vst v21  }
0x192: {  	v21 =	vld.idx.msk [tilespmem:v13+s25+$0x0], $0xffff  }
0x193: {  	v51 =	vld [tilespmem:s1+$0xFFFFFFF0];
	_ =	sdelay $0x1  }
0x194: {  	v25 =	vperm.xlane v18, v2;
	v22 =	vadd.f32 v50, v49  }
0x195: {  	vm5 =	vmmov vm5;
	v26 =	vimm.s32 $0x0;
	v53 =	vld [tilespmem:$0x1FFD0]  }
0x196: {  	v54 =	vimm.s32 $0x0;
	v25 =	vmax.f32 v18, v25;
	v22 =	vperm.xlane v22, v14  }
0x197: {  	vm9 =	vmmov vm1;
	v18 =	vsel vm5, v25, v18;
	v21 =	vadd.f32 v51, v21  }
0x198: {  	vm11 =	vmmov vm11;
	v52 =	vperm.xlane v18, v4;
	v55 =	vperm.xlane v22, v2  }
0x199: {  	v19 =	vsel vm12, v20, v19;
	v26 =	vsel vm5, $0xFFFFFFFF, v26;
	v21 =	vperm.xlane v21, v12  }
0x19a: {  	v23 =	vmax.f32 v18, v52;
	vm8 =	vnez.u8 v53;
	v56 =	vmax.f32 v22, v55  }
0x19b: {  	vm10 =	vmmov vm8;
	v22 =	vsel vm9, v56, v22;
	v57 =	vperm.xlane v21, v2  }
0x19c: {  	v24 =	vsel vm10, $0xFFFFFFFF, v54;
	v18 =	vsel vm10, v23, v18;
	v23 =	vperm.xlane v22, v4  }
0x19d: {  	vm8 =	vmmov vm7;
	vm10 =	vmmov vm13;
	[tilespmem:$0x1FF30] =	vst v24;
	v24 =	vmax.f32 v21, v57  }
0x19e: {  	v58 =	vperm.xlane v18, v5;
	v23 =	vmax.f32 v22, v23;
	v21 =	vsel vm8, v24, v21  }
0x19f: {  	vm3 =	vmmov vm3;
	v59 =	vsel vm10, v23, v22;
	v24 =	vperm.xlane v21, v4  }
0x1a0: {  	s29 =	sadd.s32 $0x20, s20;
	[tilespmem:$0x1FF20] =	vst v26;
	vm7 =	vmmov vm12;
	v25 =	vmax.f32 v18, v58;
	v22 =	vperm.xlane v59, v5  }
0x1a1: {  	vm12 =	vmmov vm6;
	[tilespmem:s29+$0x0] =	vst v19;
	v18 =	vsel vm11, v25, v18;
	v60 =	vmax.f32 v21, v24  }
0x1a2: {  	s30 =	sadd.s32 $0x20, s17;
	v10 =	vld.idx.msk [tilespmem:v10+s26+$0x0], $0xffff;
	v61 =	vperm.xlane v18, v7;
	v22 =	vmax.f32 v59, v22;
	v21 =	vsel vm12, v60, v21  }
0x1a3: {  	v62 =	vld [tilespmem:s30+$0x0];
	v20 =	vsel vm3, v22, v59;
	v23 =	vperm.xlane v21, v5  }
0x1a4: {  	vm5 =	vmmov vm2;
	v19 =	vmax.f32 v18, v61;
	v22 =	vperm.xlane v20, v7  }
0x1a5: {  	vm1 =	vmmov vm14;
	v18 =	vsel vm15, v19, v18;
	v23 =	vmax.f32 v21, v23  }
0x1a6: {  	vm2 =	vmmov vm4;
	[tilespmem:s29+$0xFFFFFFF0] =	vst v18;
	v25 =	vmax.f32 v20, v22;
	v63 =	vsel vm1, v23, v21  }
0x1a7: {  	s0 =	sadd.s32 $0x20, s29;
	v11 =	vld.idx.msk [tilespmem:v11+s26+$0x0], $0xffff;
	v18 =	vsel vm2, v25, v20;
	v21 =	vperm.xlane v63, v7  }
0x1a8: {  	v10 =	vadd.f32 v62, v10;
	v26 =	vld [tilespmem:s30+$0xFFFFFFF0];
	[tilespmem:s0+$0x0] =	vst v18  }
0x1a9: {  	s1 =	sadd.s32 $0x20, s30;
	v28 =	vld.idx.msk [tilespmem:v15+s26+$0x0], $0xffff;
	v27 =	vmax.f32 v63, v21  }
0x1aa: {  	v8 =	vperm.xlane v10, v8;
	v10 =	vld [tilespmem:s1+$0x0];
	v18 =	vsel vm0, v27, v63  }
0x1ab: {  	[tilespmem:s0+$0xFFFFFFF0] =	vst v18  }
0x1ac: {  	v29 =	vld.idx.msk [tilespmem:v13+s26+$0x0], $0xffff  }
0x1ad: {  	v11 =	vadd.f32 v26, v11;
	v31 =	vld [tilespmem:s1+$0xFFFFFFF0]  }
0x1ae: {  	v32 =	vld [tilespmem:$0x1FF60]  }
0x1af: {  	v9 =	vperm.xlane v11, v9;
	v10 =	vadd.f32 v10, v28;
	v34 =	vld [tilespmem:$0x1FFE0]  }
0x1b0: {  	v30 =	vperm.xlane v8, v2;
	v37 =	vld [tilespmem:$0x1FF80]  }
0x1b1: {  	v39 =	vperm.xlane v9, v2;
	v44 =	vld [tilespmem:$0x1FF20];
	v10 =	vperm.xlane v10, v14  }
0x1b2: {  	vm6 =	vmmov vm0  }
0x1b3: {  	v33 =	vmax.f32 v8, v30;
	v49 =	vld [tilespmem:$0x1FFA0];
	v15 =	vmax.f32 v9, v39;
	v40 =	vperm.xlane v10, v2  }
0x1b4: {  	vm13 =	vnez.u8 v32;
	vm0 =	vnez.u8 v34;
	v13 =	vadd.f32 v31, v29  }
0x1b5: {  	vm14 =	vnez.u8 v37;
	v14 =	vmax.f32 v10, v40;
	v16 =	vsel vm13, v17, v16  }
0x1b6: {  	v8 =	vsel vm0, v33, v8;
	vm0 =	vnez.u8 v44;
	v35 =	vperm.xlane v16, v4  }
0x1b7: {  	v10 =	vsel vm9, v14, v10;
	v36 =	vperm.xlane v8, v4;
	v41 =	vperm.xlane v13, v12  }
0x1b8: {  	v9 =	vsel vm0, v15, v9;
	v48 =	vperm.xlane v10, v4;
	vm0 =	vnez.u8 v49  }
0x1b9: {  	v50 =	vld [tilespmem:$0x1FFF0];
	v47 =	vperm.xlane v9, v4;
	v11 =	vmax.f32 v16, v35;
	v38 =	vmax.f32 v8, v36  }
0x1ba: {  	v53 =	vld [tilespmem:$0x1FF30];
	v45 =	vperm.xlane v41, v2;
	v52 =	vmax.f32 v10, v48;
	v11 =	vsel vm14, v11, v16  }
0x1bb: {  	v8 =	vsel vm5, v38, v8;
	v51 =	vmax.f32 v9, v47;
	v42 =	vperm.xlane v11, v5  }
0x1bc: {  	v10 =	vsel vm10, v52, v10;
	v43 =	vperm.xlane v8, v5;
	v15 =	vmax.f32 v41, v45  }
0x1bd: {  	v56 =	vperm.xlane v10, v5;
	v12 =	vsel vm8, v15, v41;
	v13 =	vmax.f32 v11, v42  }
0x1be: {  	v46 =	vmax.f32 v8, v43;
	v11 =	vsel vm0, v13, v11;
	vm0 =	vnez.u8 v50  }
0x1bf: {  	v59 =	vld [tilespmem:$0x1FFC0];
	v15 =	vperm.xlane v12, v4;
	v8 =	vsel vm0, v46, v8;
	vm0 =	vnez.u8 v53  }
0x1c0: {  	v16 =	vmax.f32 v10, v56;
	v9 =	vsel vm0, v51, v9  }
0x1c1: {  	v10 =	vsel vm3, v16, v10;
	v15 =	vmax.f32 v12, v15;
	v55 =	vperm.xlane v9, v5  }
0x1c2: {  	v54 =	vperm.xlane v11, v7;
	v62 =	vperm.xlane v10, v7;
	v12 =	vsel vm12, v15, v12  }
0x1c3: {  	v57 =	vperm.xlane v8, v7;
	v58 =	vperm.xlane v12, v5;
	v14 =	vmax.f32 v9, v55  }
0x1c4: {  	vm0 =	vnez.u8 v59;
	v13 =	vmax.f32 v11, v54;
	v9 =	vsel vm11, v14, v9  }
0x1c5: {  	v11 =	vsel vm0, v13, v11;
	v61 =	vmax.f32 v12, v58;
	v14 =	vperm.xlane v9, v7  }
0x1c6: {  	p1 =	por $0x1, $0x1;
	v60 =	vmax.f32 v8, v57;
	vm0 =	vmmov vm15;
	v12 =	vsel vm1, v61, v12  }
.Ltmp5:
0x1c7: {  	s31 =	sadd.s32 $0x20, s23;
	v8 =	vsel vm7, v60, v8;
	[tilespmem:s23+$0xFFFFFFF0] =	vst v11;
	v63 =	vperm.xlane v12, v7;
	v11 =	vmax.f32 v9, v14;
	(pc) =	sbr.rel @!p1 .LBB2_12-.Ltmp5, $4  }
0x1c8: {  	[tilespmem:s31+$0x0] =	vst v8;
	v8 =	vmax.f32 v10, v62;
	v9 =	vsel vm0, v11, v9  }
0x1c9: {  	s0 =	sadd.s32 $0x20, s31;
	v8 =	vsel vm2, v8, v10;
	vm0 =	vmmov vm6;
	[tilespmem:s31+$0xFFFFFFF0] =	vst v9;
	v9 =	vmax.f32 v12, v63  }
0x1ca: {  	[tilespmem:s0+$0x0] =	vst v8;
	v9 =	vsel vm0, v9, v12  }
0x1cb: {  	p0 =	por $0x0, $0x0;
	vm1 =	vcmask $0x3F3C;
	vm2 =	vcmask $0x3F04;
	[tilespmem:s0+$0xFFFFFFF0] =	vst v9;
	s0 =	simm.s32 $0x80  }
0x1cc: {  	s1 =	simm.s32 $0x0  }
0x1cd: {  	v8 =	vld [tilespmem:s1+$0x15500];
	_ =	sdelay $0x6  }
0x1ce: {  	v10 =	vld [tilespmem:s1+$0x19380]  }
0x1cf: {  	v9 =	vld.idx.msk [tilespmem:v8+s11+$0x0], $0xffff;
	_ =	sdelay $0x4  }
0x1d0: {  	v9 =	vmax.f32 v9, v10  }
0x1d1: {  	[tilespmem:v8+s11+$0x0] =	vst.idx.msk $0xffff, v9  }
0x1d2: {  	v9 =	vld.idx.msk [tilespmem:v8+s12+$0x0], $0xffff  }
0x1d3: {  	v10 =	vld [tilespmem:s1+$0x1A000];
	_ =	sdelay $0x4  }
0x1d4: {  	v9 =	vmax.f32 v9, v10  }
0x1d5: {  	[tilespmem:v8+s12+$0x0] =	vst.idx.msk $0xffff, v9  }
0x1d6: {  	v9 =	vld.idx.msk [tilespmem:v8+s13+$0x0], $0xffff  }
0x1d7: {  	v10 =	vld [tilespmem:s1+$0x1AC80];
	_ =	sdelay $0x4  }
0x1d8: {  	v9 =	vmax.f32 v9, v10  }
0x1d9: {  	[tilespmem:v8+s13+$0x0] =	vst.idx.msk $0xffff, v9  }
0x1da: {  	v9 =	vld.idx.msk [tilespmem:v8+s16+$0x0], $0xffff  }
0x1db: {  	v10 =	vld [tilespmem:s1+$0x1B900];
	_ =	sdelay $0x4  }
0x1dc: {  	v9 =	vmax.f32 v9, v10  }
0x1dd: {  	[tilespmem:v8+s16+$0x0] =	vst.idx.msk $0xffff, v9  }
0x1de: {  	v8 =	vld [tilespmem:s1+$0x15510];
	_ =	sdelay $0x6  }
0x1df: {  	v10 =	vld [tilespmem:s1+$0x19390]  }
0x1e0: {  	v9 =	vld.idx.msk [tilespmem:v8+s11+$0x0], $0xffff;
	_ =	sdelay $0x4  }
0x1e1: {  	v9 =	vmax.f32 v9, v10  }
0x1e2: {  	[tilespmem:v8+s11+$0x0] =	vst.idx.msk $0xffff, v9  }
0x1e3: {  	v9 =	vld.idx.msk [tilespmem:v8+s12+$0x0], $0xffff  }
0x1e4: {  	v10 =	vld [tilespmem:s1+$0x1A010];
	_ =	sdelay $0x4  }
0x1e5: {  	v9 =	vmax.f32 v9, v10  }
0x1e6: {  	[tilespmem:v8+s12+$0x0] =	vst.idx.msk $0xffff, v9  }
0x1e7: {  	v9 =	vld.idx.msk [tilespmem:v8+s13+$0x0], $0xffff  }
0x1e8: {  	v10 =	vld [tilespmem:s1+$0x1AC90];
	_ =	sdelay $0x4  }
0x1e9: {  	v9 =	vmax.f32 v9, v10  }
0x1ea: {  	[tilespmem:v8+s13+$0x0] =	vst.idx.msk $0xffff, v9  }
0x1eb: {  	v9 =	vld.idx.msk [tilespmem:v8+s16+$0x0], $0xffff  }
0x1ec: {  	p1 =	por $0x1, $0x1;
	v10 =	vld [tilespmem:s1+$0x1B910]  }
.Ltmp6:
0x1ed: {  	_ = 	snop;
	(pc) =	sbr.rel @!p1 .LBB2_9-.Ltmp6, $2  }
0x1ee: {  	_ =	sdelay $0x2  }
0x1ef: {  	p0 =	por $0x1, $0x1;
	s1 =	simm.s32 $0x100;
	v9 =	vmax.f32 v9, v10  }
.LBB2_10:
0x1f0: {  	p1 =	sne.s32 s1, $0x3180  }
0x1f1: {  	s2 =	sshra.s32 s0, $0x2;
	[tilespmem:v8+s16+$0x0] =	vst.idx.msk $0xffff, v9;
	s0 =	smov.u32 s1;
	s1 =	sadd.s32 $0x80, s1  }
0x1f2: {  	v8 =	vld [tilespmem:s2+$0x15500];
	_ =	sdelay $0x7  }
0x1f3: {  	v9 =	vld.idx.msk [tilespmem:v8+s11+$0x0], $0xffff  }
0x1f4: {  	v10 =	vld [tilespmem:s2+$0x19380];
	_ =	sdelay $0x4  }
0x1f5: {  	v9 =	vmax.f32 v9, v10  }
0x1f6: {  	[tilespmem:v8+s11+$0x0] =	vst.idx.msk $0xffff, v9  }
0x1f7: {  	v9 =	vld.idx.msk [tilespmem:v8+s12+$0x0], $0xffff  }
0x1f8: {  	v10 =	vld [tilespmem:s2+$0x1A000];
	_ =	sdelay $0x4  }
0x1f9: {  	v9 =	vmax.f32 v9, v10  }
0x1fa: {  	[tilespmem:v8+s12+$0x0] =	vst.idx.msk $0xffff, v9  }
0x1fb: {  	v9 =	vld.idx.msk [tilespmem:v8+s13+$0x0], $0xffff  }
0x1fc: {  	v10 =	vld [tilespmem:s2+$0x1AC80];
	_ =	sdelay $0x4  }
0x1fd: {  	v9 =	vmax.f32 v9, v10  }
0x1fe: {  	[tilespmem:v8+s13+$0x0] =	vst.idx.msk $0xffff, v9  }
0x1ff: {  	v9 =	vld.idx.msk [tilespmem:v8+s16+$0x0], $0xffff  }
0x200: {  	v10 =	vld [tilespmem:s2+$0x1B900];
	_ =	sdelay $0x4  }
0x201: {  	v9 =	vmax.f32 v9, v10  }
0x202: {  	[tilespmem:v8+s16+$0x0] =	vst.idx.msk $0xffff, v9  }
0x203: {  	v8 =	vld [tilespmem:s2+$0x15510];
	_ =	sdelay $0x7  }
0x204: {  	v9 =	vld.idx.msk [tilespmem:v8+s11+$0x0], $0xffff  }
0x205: {  	v10 =	vld [tilespmem:s2+$0x19390];
	_ =	sdelay $0x4  }
0x206: {  	v9 =	vmax.f32 v9, v10  }
0x207: {  	[tilespmem:v8+s11+$0x0] =	vst.idx.msk $0xffff, v9  }
0x208: {  	v9 =	vld.idx.msk [tilespmem:v8+s12+$0x0], $0xffff  }
0x209: {  	v10 =	vld [tilespmem:s2+$0x1A010];
	_ =	sdelay $0x4  }
0x20a: {  	v9 =	vmax.f32 v9, v10  }
0x20b: {  	[tilespmem:v8+s12+$0x0] =	vst.idx.msk $0xffff, v9  }
0x20c: {  	v9 =	vld.idx.msk [tilespmem:v8+s13+$0x0], $0xffff  }
0x20d: {  	v10 =	vld [tilespmem:s2+$0x1AC90];
	_ =	sdelay $0x4  }
0x20e: {  	v9 =	vmax.f32 v9, v10  }
0x20f: {  	[tilespmem:v8+s13+$0x0] =	vst.idx.msk $0xffff, v9  }
0x210: {  	v9 =	vld.idx.msk [tilespmem:v8+s16+$0x0], $0xffff  }
0x211: {  	v10 =	vld [tilespmem:s2+$0x1B910]  }
.Ltmp7:
0x212: {  	(pc) =	sbr.rel @p1 .LBB2_10-.Ltmp7, $2  }
0x213: {  	_ =	sdelay $0x2  }
0x214: {  	v9 =	vmax.f32 v9, v10  }
0x215: {  	s19 =	smov.u32 s0  }
.LBB2_12:
0x216: {  	_ =	sdelay $0x3  }
0x217: {  	s0 =	sshra.s32 s19, $0x2;
	[tilespmem:v8+s16+$0x0] =	vst.idx.msk @p0 $0xffff, v9  }
0x218: {  	v8 =	vld [tilespmem:s0+$0x15500];
	_ =	sdelay $0x6  }
0x219: {  	v10 =	vld [tilespmem:s0+$0x19380]  }
0x21a: {  	v9 =	vld.idx.msk [tilespmem:v8+s11+$0x0], $0xffff;
	_ =	sdelay $0x4  }
0x21b: {  	v9 =	vmax.f32 v9, v10  }
0x21c: {  	[tilespmem:v8+s11+$0x0] =	vst.idx.msk $0xffff, v9  }
0x21d: {  	v9 =	vld.idx.msk [tilespmem:v8+s12+$0x0], $0xffff  }
0x21e: {  	v57 =	vld [tilespmem:s0+$0x1A000];
	_ =	sdelay $0x4  }
0x21f: {  	v9 =	vmax.f32 v9, v57  }
0x220: {  	[tilespmem:v8+s12+$0x0] =	vst.idx.msk $0xffff, v9  }
0x221: {  	v9 =	vld.idx.msk [tilespmem:v8+s13+$0x0], $0xffff  }
0x222: {  	v58 =	vld [tilespmem:s0+$0x1AC80];
	_ =	sdelay $0x4  }
0x223: {  	v9 =	vmax.f32 v9, v58  }
0x224: {  	[tilespmem:v8+s13+$0x0] =	vst.idx.msk $0xffff, v9  }
0x225: {  	v9 =	vld.idx.msk [tilespmem:v8+s16+$0x0], $0xffff  }
0x226: {  	v59 =	vld [tilespmem:s0+$0x1B900];
	_ =	sdelay $0x4  }
0x227: {  	v9 =	vmax.f32 v9, v59  }
0x228: {  	[tilespmem:v8+s16+$0x0] =	vst.idx.msk $0xffff, v9  }
0x229: {  	v8 =	vld [tilespmem:s0+$0x15510];
	_ =	sdelay $0x6  }
0x22a: {  	v60 =	vld [tilespmem:s0+$0x19390]  }
0x22b: {  	v9 =	vld.idx.msk [tilespmem:v8+s11+$0x0], $0xffff;
	_ =	sdelay $0x4  }
0x22c: {  	v9 =	vmax.f32 v9, v60  }
0x22d: {  	[tilespmem:v8+s11+$0x0] =	vst.idx.msk $0xffff, v9  }
0x22e: {  	v9 =	vld.idx.msk [tilespmem:v8+s12+$0x0], $0xffff  }
0x22f: {  	v61 =	vld [tilespmem:s0+$0x1A010];
	_ =	sdelay $0x4  }
0x230: {  	v9 =	vmax.f32 v9, v61  }
0x231: {  	[tilespmem:v8+s12+$0x0] =	vst.idx.msk $0xffff, v9  }
0x232: {  	v9 =	vld.idx.msk [tilespmem:v8+s13+$0x0], $0xffff  }
0x233: {  	v62 =	vld [tilespmem:s0+$0x1AC90];
	_ =	sdelay $0x4  }
0x234: {  	v9 =	vmax.f32 v9, v62  }
0x235: {  	[tilespmem:v8+s13+$0x0] =	vst.idx.msk $0xffff, v9  }
0x236: {  	v9 =	vld.idx.msk [tilespmem:v8+s16+$0x0], $0xffff  }
0x237: {  	s18 =	sadd.s32 $0x1, s18;
	v63 =	vld [tilespmem:s0+$0x1B910]  }
0x238: {  	p0 =	sne.s32 s18, $0x19  }
.Ltmp8:
0x239: {  	_ = 	snop;
	(pc) =	sbr.rel @p0 .LBB2_5-.Ltmp8, $3  }
0x23a: {  	_ =	sdelay $0x1  }
0x23b: {  	v9 =	vmax.f32 v9, v63  }
0x23c: {  	[tilespmem:v8+s16+$0x0] =	vst.idx.msk $0xffff, v9  }
0x23d: {  	s0 =	rddreg [dreg:$0xa];
	s1 =	simm.s32 $0x2  }
0x23e: {  	[hbm4b:s0+s21] =	stream.strided.scatter [tilespmem:s11], [sflag:$0x2], $0x2780, s22, s21, $0x38;
	[tilespmem:$0x1C580] =	vst v63  }
0x23f: {  	_ =	swait.ge [sflag:s1], $0x2780  }
0x240: {  	[sflag:s1] =	ssyncset.done $0x0  }
0x241: {  	s28 =	rddreg [dreg:$0xb];
	[sflag:s1] =	ssyncadd.s32 $0xFFFFD880  }
0x242: {  	[hbm4b:s28+s21] =	stream.strided.scatter [tilespmem:s12], [sflag:$0x2], $0x2780, s22, s21, $0x38;
	[tilespmem:$0x1C580] =	vst v63  }
0x243: {  	_ =	swait.ge [sflag:s1], $0x2780  }
0x244: {  	[sflag:s1] =	ssyncset.done $0x0  }
0x245: {  	s29 =	rddreg [dreg:$0xc];
	[sflag:s1] =	ssyncadd.s32 $0xFFFFD880  }
0x246: {  	[hbm4b:s29+s21] =	stream.strided.scatter [tilespmem:s13], [sflag:$0x2], $0x2780, s22, s21, $0x38;
	[tilespmem:$0x1C580] =	vst v63  }
0x247: {  	_ =	swait.ge [sflag:s1], $0x2780  }
0x248: {  	[sflag:s1] =	ssyncset.done $0x0  }
0x249: {  	s30 =	rddreg [dreg:$0xd];
	[sflag:s1] =	ssyncadd.s32 $0xFFFFD880  }
0x24a: {  	[hbm4b:s30+s21] =	stream.strided.scatter [tilespmem:s16], [sflag:$0x2], $0x2780, s22, s21, $0x38;
	[tilespmem:$0x1C580] =	vst v63  }
0x24b: {  	_ =	swait.ge [sflag:s1], $0x2780  }
0x24c: {  	s2 =	rddreg [dreg:$0xf]  }
0x24d: {  	s31 =	rddreg [dreg:$0xe];
	s2 =	sadd.s32 $0x1, s2  }
0x24e: {  	p0 =	sne.s32 s2, s31  }
.Ltmp9:
0x24f: {  	_ = 	snop;
	(pc) =	sbr.rel @p0 .LBB2_1-.Ltmp9, $3  }
0x250: {  	_ =	sdelay $0x1  }
0x251: {  	[sflag:s1] =	ssyncset.done $0x0  }
0x252: {  	[sflag:s1] =	ssyncadd.s32 $0xFFFFD880  }
0x253: {  	_ =	sfence.sel $0x180000  }
0x254: {  	[bflag:$0x0] =	sbarrier.arrive $0xFFFF  }
0x255: {  	_ =	strace $0x9000004A  }
0x256: {  	s0 =	stileid.u32;
	[bflag:$0x2] =	sbarrier.arrive $0xFFFF  }
0x257: {  	p0 =	sne.s32 s0, $0x0;
	s0 =	rddreg [dreg:$0x2]  }
0x258: {  	s0 =	sadd.s32 @!p0 $0x100000, s0  }
0x259: {  	[sflag:s0] =	ssyncadd.tile.s32 @!p0 $0x1;
	_ =	shalt  }
.Lfunc_end2:
_tile_overlayer_lowered:
.L_overlay_start_2:
0x25a: {  	(tag) =	ssettag $0x2  }
0x25b: {  	s0 =	rddreg [dreg:$0x0];
	s2 =	stileid.u32  }
0x25c: {  	s1 =	rddreg [dreg:$0x1];
	p0 =	sne.s32 s2, $0x0  }
0x25d: {  	s3 =	rddreg [dreg:$0x2];
	[bflag:$0x3] =	sbarrier.arrive $0xFFFF;
	s2 =	simm.s32 @!p0 $0x1C02  }
0x25e: {  	[timem:s3], [sflag:s2] =	dma.local @!p0 [hbm:s0], s1  }
0x25f: {  	s0 =	simm.s32 @!p0 $0x2  }
0x260: {  	_ =	swait.ge @!p0 [sflag:s0], s1  }
0x261: {  	s1 =	ssub.s32 @!p0 $0x0, s1;
	[sflag:s0] =	ssyncset.done @!p0 $0x0  }
0x262: {  	[sflag:s0] =	ssyncadd.s32 @!p0 s1  }
0x263: {  	[bflag:$0x3] =	sbarrier.arrive $0xFFFF  }
0x264: {  	_ =	shalt  }

// kernel: kernel.8.cloned.1.call-start
scs
__scs_entry_jumppad:
0x0: {  	(pc) =	sbr.rel $0x88, $3  }
0x1: {  	(tag) =	ssettag $0x0;
	lr =	simm.s32 $0x1  }
0x2: {  	[smem:$0x3F96] =	sst lr;
	_ =	strace $0xD0000000  }
0x3: {  	_ = 	snop  }
0x4: {  	_ = 	snop  }
0x5: {  	_ = 	snop  }
0x6: {  	_ = 	snop  }
0x7: {  	_ = 	snop  }
__scs_overlays_trampoline_lowered:
0x8: {  	[smem:$0x3FA5] =	sst s0  }
0x9: {  	[smem:$0x3FA6] =	sst s1  }
0xa: {  	[smem:$0x3FA7] =	sst s2  }
0xb: {  	[smem:$0x3FA8] =	sst s3  }
0xc: {  	[smem:$0x3FA9] =	sst s4  }
0xd: {  	[smem:$0x3FAA] =	sst s5  }
0xe: {  	[smem:$0x3FAB] =	sst s6  }
0xf: {  	[smem:$0x3FAC] =	sst s7  }
0x10: {  	[smem:$0x3FAD] =	sst s8  }
0x11: {  	[smem:$0x3FAE] =	sst s9;
	s0 =	simm.s32 @!p0 $0x0  }
0x12: {  	s1 =	sld [smem:$0x3F94];
	s0 =	simm.s32 @p0 $0x1  }
0x13: {  	[smem:$0x3FAF] =	sst s0;
	s0 =	simm.s32 @!p1 $0x0  }
0x14: {  	s2 =	sld [smem:$0x3F93];
	s0 =	simm.s32 @p1 $0x1  }
0x15: {  	[smem:$0x3FB0] =	sst s0;
	s0 =	simm.s32 @!p2 $0x0  }
0x16: {  	s3 =	sld [smem:$0x3FDB];
	s0 =	simm.s32 @p2 $0x1  }
0x17: {  	s4 =	simm.s32 $0x1BF5;
	[smem:$0x3FB2] =	sst s0  }
0x18: {  	s0 =	sld [smem:$0x3F95];
	_ =	swait.ge [sflag:s4], $0x0  }
0x19: {  	s7 =	sld [smem:$0x3F96]  }
0x1a: {  	s8 =	sadd.s32 $0xFFFFE003, lr  }
0x1b: {  	s9 =	sadd.s32 $0xFFFFFEF7, lr;
	s5 =	simm.s32 $0xFFFFFFFF;
	p2 =	slt.u32 s8, $0xFFFFF086  }
0x1c: {  	p1 =	slt.u32 s9, $0xF7A;
	s5 =	simm.s32 @!p2 $0x0  }
0x1d: {  	s5 =	simm.s32 @p1 $0x1;
	p0 =	seq.s32 s7, s2  }
0x1e: {  	s7 =	smul.u32 @!p0 $0xF7A, s2;
	p2 =	seq.s32 @!p0 s5, $0x0  }
0x1f: {  	s9 =	smul.u32 $0xF7A, s1;
	s8 =	simm.s32 @!p0 $0x1BF5;
	p2 =	por !p2, p0  }
0x20: {  	[sflag:s8] =	ssyncset.s32 @!p0 $0xFFFFF086;
	s6 =	sadd.s32 @!p0 s3, s7;
	s7 =	simm.s32 @!p0 $0x108  }
0x21: {  	s3 =	sadd.s32 s3, s9;
	s6 =	sadd.s32 @!p0 $0x88, s6;
	s7 =	simm.s32 @p2 $0x1082  }
0x22: {  	[simem:s7], [sflag:s8] =	dma.local @!p0 [hbm:s6], $0xF7A  }
0x23: {  	s9 =	sor.u32 $0xD0000000, s2;
	s6 =	simm.s32 $0x108;
	_ =	swait.ge @!p0 [sflag:s8], $0x0  }
0x24: {  	s3 =	sadd.s32 $0x88, s3;
	s6 =	simm.s32 @!p1 $0x1082;
	[sflag:s4] =	ssyncset.s32 $0xFFFFF086  }
0x25: {  	[simem:s6], [sflag:s4] =	dma.local [hbm:s3], $0xF7A  }
0x26: {  	[smem:$0x3F96] =	sst s1;
	(tag) =	ssettag s2;
	_ =	strace s9  }
0x27: {  	s1 =	sld [smem:$0x3FA6]  }
0x28: {  	s2 =	sld [smem:$0x3FA7]  }
0x29: {  	s4 =	sld [smem:$0x3FA9]  }
0x2a: {  	p0 =	seq.s32 s5, $0x0;
	s5 =	sld [smem:$0x3FAA]  }
0x2b: {  	s6 =	sld [smem:$0x3FAB]  }
0x2c: {  	s7 =	sld [smem:$0x3FAC]  }
0x2d: {  	s3 =	simm.s32 $0x108;
	s8 =	sld [smem:$0x3FAD]  }
0x2e: {  	s3 =	simm.s32 @!p0 $0x1082;
	s9 =	sld [smem:$0x3FAE]  }
0x2f: {  	lr =	sadd.s32 s0, s3;
	s0 =	sld [smem:$0x3FA5]  }
0x30: {  	s3 =	sld [smem:$0x3FA8]  }
0x31: {  	[smem:$0x3FB1] =	sst s10  }
0x32: {  	s10 =	sld [smem:$0x3FAF];
	_ =	sdelay $0x3  }
0x33: {  	p0 =	seq.s32 s10, $0x1;
	s10 =	sld [smem:$0x3FB1];
	_ =	sdelay $0x3  }
0x34: {  	[smem:$0x3FB1] =	sst s10  }
0x35: {  	s10 =	sld [smem:$0x3FB0];
	_ =	sdelay $0x3  }
0x36: {  	p1 =	seq.s32 s10, $0x1;
	s10 =	sld [smem:$0x3FB1];
	_ =	sdelay $0x3  }
0x37: {  	[smem:$0x3FB1] =	sst s10  }
0x38: {  	s10 =	sld [smem:$0x3FB2]  }
0x39: {  	_ = 	snop;
	(pc) =	sbr.ind lr, $3  }
0x3a: {  	_ = 	snop  }
0x3b: {  	_ = 	snop  }
0x3c: {  	p2 =	seq.s32 s10, $0x1;
	s10 =	sld [smem:$0x3FB1]  }
0x3d: {  	_ =	shalt  }
0x3e: {  	_ =	shalt  }
0x3f: {  	_ =	shalt  }
0x40: {  	_ =	shalt  }
0x41: {  	_ =	shalt  }
0x42: {  	_ =	shalt  }
0x43: {  	_ =	shalt  }
0x44: {  	_ =	shalt  }
0x45: {  	_ =	shalt  }
0x46: {  	_ =	shalt  }
0x47: {  	_ =	shalt  }
0x48: {  	_ =	shalt  }
0x49: {  	_ =	shalt  }
0x4a: {  	_ =	shalt  }
0x4b: {  	_ =	shalt  }
0x4c: {  	_ =	shalt  }
0x4d: {  	_ =	shalt  }
0x4e: {  	_ =	shalt  }
0x4f: {  	_ =	shalt  }
0x50: {  	_ =	shalt  }
0x51: {  	_ =	shalt  }
0x52: {  	_ =	shalt  }
0x53: {  	_ =	shalt  }
0x54: {  	_ =	shalt  }
0x55: {  	_ =	shalt  }
0x56: {  	_ =	shalt  }
0x57: {  	_ =	shalt  }
0x58: {  	_ =	shalt  }
0x59: {  	_ =	shalt  }
0x5a: {  	_ =	shalt  }
0x5b: {  	_ =	shalt  }
0x5c: {  	_ =	shalt  }
0x5d: {  	_ =	shalt  }
0x5e: {  	_ =	shalt  }
0x5f: {  	_ =	shalt  }
0x60: {  	_ =	shalt  }
0x61: {  	_ =	shalt  }
0x62: {  	_ =	shalt  }
0x63: {  	_ =	shalt  }
0x64: {  	_ =	shalt  }
0x65: {  	_ =	shalt  }
0x66: {  	_ =	shalt  }
0x67: {  	_ =	shalt  }
0x68: {  	_ =	shalt  }
0x69: {  	_ =	shalt  }
0x6a: {  	_ =	shalt  }
0x6b: {  	_ =	shalt  }
0x6c: {  	_ =	shalt  }
0x6d: {  	_ =	shalt  }
0x6e: {  	_ =	shalt  }
0x6f: {  	_ =	shalt  }
0x70: {  	_ =	shalt  }
0x71: {  	_ =	shalt  }
0x72: {  	_ =	shalt  }
0x73: {  	_ =	shalt  }
0x74: {  	_ =	shalt  }
0x75: {  	_ =	shalt  }
0x76: {  	_ =	shalt  }
0x77: {  	_ =	shalt  }
0x78: {  	_ =	shalt  }
0x79: {  	_ =	shalt  }
0x7a: {  	_ =	shalt  }
0x7b: {  	_ =	shalt  }
0x7c: {  	_ =	shalt  }
0x7d: {  	_ =	shalt  }
0x7e: {  	_ =	shalt  }
0x7f: {  	_ =	shalt  }
0x80: {  	_ =	shalt  }
0x81: {  	_ =	shalt  }
0x82: {  	_ =	shalt  }
0x83: {  	_ =	shalt  }
0x84: {  	_ =	shalt  }
0x85: {  	_ =	shalt  }
0x86: {  	_ =	shalt  }
0x87: {  	_ =	shalt  }
.Lfunc_end0:
.L_simem_size_0:
called_computation_lowered:
.L_overlay_start_0:
0x88: {  	s2 =	sld [smem:$0x3FD9]  }
0x89: {  	s3 =	sld [smem:$0x3FFE];
	_ =	sdelay $0x1  }
0x8a: {  	s1 =	srdreg.scid  }
0x8b: {  	s0 =	sand.u32 $0x1, s1  }
0x8c: {  	s17 =	sshll.u32 s0, $0xA;
	s2 =	sadd.s32 s3, s2  }
0x8d: {  	s2 =	sadd.s32 s2, s17  }
0x8e: {  	[smem:$0x3FBD] =	sst s2  }
0x8f: {  	_ = 	snop  }
0x90: {  	s2 =	sld [smem:$0x3FD0];
	(tm) =	ssettm $0x1  }
0x91: {  	s18 =	sld [smem:$0x3FFB];
	_ =	sdelay $0x3  }
0x92: {  	_ =	strace s18  }
0x93: {  	s3 =	sld [smem:$0x3FFC];
	_ =	sdelay $0x3  }
0x94: {  	_ =	strace s3  }
0x95: {  	s3 =	sld [smem:$0x3FFD];
	_ =	sdelay $0x3  }
0x96: {  	_ =	strace s3  }
0x97: {  	_ =	strace $0x8FFFFFFF  }
0x98: {  	s19 =	sld [smem:$0x3FDB];
	_ =	sdelay $0x1  }
0x99: {  	s4 =	simm.s32 $_scs_section_size  }
0x9a: {  	s5 =	simm.s32 $_size__tile_overlayer_lowered;
	s6 =	simm.s32 $_tile_overlayer_lowered  }
0x9b: {  	s22 =	simm.s32 $0x1BFF;
	s21 =	sshll.u32 s6, $0x1;
	s3 =	sadd.s32 s4, s19  }
0x9c: {  	s7 =	simm.s32 $0x0;
	s20 =	sshll.u32 s5, $0x1;
	s5 =	sadd.s32 s21, s3  }
0x9d: {  	[timem:s7], [sflag:s22] =	dma.local [hbm:s5], s20  }
0x9e: {  	_ =	swait.ge [sflag:s22], s20  }
0x9f: {  	s4 =	ssub.s32 $0x0, s20;
	[sflag:s22] =	ssyncset.done $0x0  }
0xa0: {  	[sflag:s22] =	ssyncadd.s32 s4;
	_ =	sdelay $0x1  }
0xa1: {  	s23 =	simm.s32 $0x1B8B  }
0xa2: {  	_ =	swait.ge [sflag:s23], $0x1  }
0xa3: {  	[sflag:s23] =	ssyncset.done $0x0  }
0xa4: {  	s25 =	simm.s32 $0x1B8E;
	s24 =	sld [smem:$0x3FFE];
	[sflag:s23] =	ssyncadd.s32 $0xFFFFFFFF  }
0xa5: {  	s26 =	simm.s32 $execute0_lowered;
	[smem:$0x3FD2] =	sst s25  }
0xa6: {  	s5 =	sshll.u32 s26, $0x1;
	_ =	strace $0x80000046;
	[dreg:$0x1] =	wrdreg $0xFFFFFFFF  }
0xa7: {  	s28 =	simm.s32 $_size_execute0_lowered;
	s3 =	sadd.s32 s3, s5;
	[dreg:$0x0] =	wrdreg $0x0  }
0xa8: {  	s5 =	sshll.u32 s28, $0x1;
	[dreg:$0x2] =	wrdreg s3  }
0xa9: {  	[dreg:$0x3] =	wrdreg s5  }
0xaa: {  	[dreg:$0x4] =	wrdreg $0xC0  }
0xab: {  	_ =	task [dreg:s7], $0x5FFFF  }
0xac: {  	[dreg:$0x1] =	wrdreg $0xFFFFFFFF  }
0xad: {  	[dreg:$0x0] =	wrdreg $0x60  }
0xae: {  	[dreg:$0x2] =	wrdreg s2  }
0xaf: {  	[dreg:$0x3] =	wrdreg s24  }
0xb0: {  	[dreg:$0x4] =	wrdreg $0x9  }
0xb1: {  	_ =	task.clear_ibuf [dreg:s7], $0x5FFFF;
	_ =	strace $0x90000046  }
0xb2: {  	s29 =	simm.s32 $0x9;
	_ =	strace $0x80000048  }
0xb3: {  	_ =	swait.ge [sflag:s29], $0x1  }
0xb4: {  	[sflag:s29] =	ssyncadd.s32 $0xFFFFFFFF  }
0xb5: {  	_ =	strace $0x90000048  }
0xb6: {  	_ =	sfence  }
0xb7: {  	s30 =	sld [smem:$0x0];
	_ =	sdelay $0x2  }
0xb8: {  	s31 =	sshll.u32 s1, $0xD;
	s1 =	sshrl.u32 s1, $0x2  }
0xb9: {  	s3 =	sand.u32 $0x4000, s31;
	s1 =	sadd.s32 s1, s30  }
0xba: {  	s0 =	sor.u32 s3, s0;
	s1 =	sshll.u32 s1, $0x11  }
0xbb: {  	s0 =	sor.u32 s1, s0  }
0xbc: {  	s0 =	sadd.s32 $0x8F2B, s0  }
0xbd: {  	[sflag:s0] =	ssyncadd.remote.s32 $0x1  }
0xbe: {  	_ =	sfence.sel $0xFFFF  }
0xbf: {  	[dreg:$0x0] =	wrdreg $0xFFFFFFFF;
	(pc) =	sbr.abs _section_cstart, $3  }
0xc0: {  	[dreg:$0x1] =	wrdreg $0xFFFFFFFF  }
0xc1: {  	_ =	task.clear_ibuf [dreg:s7], $0x2FFFF;
	_ =	strace $0x9FFFFFFF  }
0xc2: {  	(tm) =	ssettm $0x7FFFFFFF  }
0xc3: {  	_ =	shalt  }
tec
execute0_lowered:
.L_overlay_start_1:
0x0: {  	(tag) =	ssettag $0x1  }
0x1: {  	s2 =	rddreg [dreg:$0x0]  }
0x2: {  	s0 =	rddreg [dreg:$0x1];
	s1 =	simm.s32 $0x0;
	s30 =	srdreg.scid  }
0x3: {  	s6 =	simm.s32 $0x0;
	s7 =	stileid.u32;
	[smem:$0x7FF] =	sst s1  }
0x4: {  	s3 =	sadd.s32 $0x4F8200, s0;
	s29 =	sadd.s32 $0xC400, s0;
	s4 =	sadd.s32 $0x2600, s0  }
0x5: {  	s31 =	sand.u32 $0x1, s30;
	s0 =	sadd.s32 $0x16200, s0;
	s5 =	sshrl.u32 s7, $0x2  }
0x6: {  	s8 =	sshll.u32 s7, $0x1;
	_ =	strace $0x80000047;
	[dreg:$0x3] =	wrdreg s29  }
0x7: {  	s10 =	sshll.u32 s7, $0x8;
	[dreg:$0x4] =	wrdreg s4;
	s1 =	ssub.s32 $0x2, s31  }
0x8: {  	s11 =	smul.u32 $0x13C00, s5;
	s9 =	sand.u32 $0x2, s8;
	s14 =	sand.u32 $0x200, s10  }
0x9: {  	s12 =	sshrl.u32 s1, $0x1;
	s4 =	sor.u32 s31, s9;
	s16 =	sor.u32 $0x80, s14  }
0xa: {  	s1 =	ssub.s32 s1, s12;
	s13 =	sor.u32 s11, s14;
	s17 =	sshll.u32 s4, $0x5  }
0xb: {  	s18 =	sor.u32 s11, s16;
	s23 =	smul.u32 $0x13880, s4;
	s9 =	smov.u32 s16  }
0xc: {  	v0 =	vimm.s32 $0xFFEDCBA9;
	v1 =	vimm.s32 $0x87654321;
	s15 =	sshrl.u32 s13, $0x3;
	s8 =	sor.u32 s8, s17;
	s12 =	sshrl.u32 s18, $0x3  }
0xd: {  	v2 =	vimm.s32 $0xEDCBA987;
	v3 =	vimm.s32 $0x65432100;
	s17 =	sor.u32 $0x100, s14;
	s18 =	sor.u32 $0x180, s14;
	s31 =	smax.u32 s1, $0x1  }
0xe: {  	v0 =	vunpack.c.l.s4.s8 v0;
	v1 =	vunpack.c.l.s4.s8 v1;
	v2 =	vunpack.c.l.s4.s8 v2;
	s1 =	simm.s32 $0x2;
	s7 =	sadd.s32 s2, s15;
	s8 =	sshrl.u32 s8, $0x3  }
0xf: {  	v3 =	vunpack.c.l.s4.s8 v3;
	s13 =	sor.u32 s11, s17;
	s19 =	sadd.s32 s2, s12;
	[dreg:$0x9] =	wrdreg s23  }
0x10: {  	v4 =	vunpack.c.0.s8.s32 v0;
	v5 =	vunpack.c.0.s8.s32 v1;
	v2 =	vunpack.c.0.s8.s32 v2;
	s11 =	sor.u32 s11, s18;
	s15 =	smul.u32 $0x271000, s5;
	[dreg:$0xe] =	wrdreg s31  }
0x11: {  	v3 =	vunpack.c.0.s8.s32 v3;
	s10 =	smov.u32 s17;
	s12 =	simm.s32 $0xC580;
	[dreg:$0x5] =	wrdreg s7  }
0x12: {  	v8 =	vimm.s32 $0xE40000;
	v4 =	vcombine.low v5, v4;
	v2 =	vand.u32 $0xF, v2;
	s8 =	smul.u32 $0x13C00, s8;
	[dreg:$0x6] =	wrdreg s19;
	s20 =	sshrl.u32 s13, $0x3  }
0x13: {  	v5 =	vimm.s32 $0xDCBA9876;
	v2 =	vcombine.low v3, v2;
	v3 =	vimm.s32 $0x54321000;
	s11 =	sshrl.u32 s11, $0x3;
	s7 =	smov.u32 s14;
	s21 =	sadd.s32 s2, s20  }
0x14: {  	v6 =	vunpack.c.l.s4.s8 v3;
	v3 =	vunpack.c.l.s4.s8 v5;
	v5 =	vimm.s32 $0xBA987654;
	s13 =	simm.s32 $0xED00;
	s2 =	sadd.s32 s2, s11;
	[dreg:$0x7] =	wrdreg s21  }
0x15: {  	v7 =	vimm.s32 $0x32100000;
	v8 =	vunpack.c.l.s2.s4 v8;
	v5 =	vunpack.c.l.s4.s8 v5;
	s11 =	simm.s32 $0x9E00;
	s22 =	sor.u32 s14, s8;
	[dreg:$0x8] =	wrdreg s2  }
0x16: {  	v7 =	vunpack.c.l.s4.s8 v7;
	s25 =	sor.u32 s16, s8;
	s26 =	sor.u32 s17, s8;
	s14 =	smov.u32 s18  }
0x17: {  	vm1 =	vcmask $0x3F3C;
	v8 =	vunpack.c.l.s4.s8 v8;
	s28 =	sor.u32 s18, s8;
	s21 =	simm.s32 $0x80;
	s24 =	sshrl.u32 s22, $0x3;
	v5 =	vunpack.c.0.s8.s32 v5  }
0x18: {  	vm2 =	vcmask $0x3F04;
	vm0 =	vcmask $0x3F30;
	v7 =	vunpack.c.0.s8.s32 v7;
	s8 =	simm.s32 $0x1;
	s16 =	simm.s32 $0x11480;
	s2 =	sadd.s32 s0, s24  }
0x19: {  	v0 =	vimm.f32 $-Inf;
	v8 =	vunpack.c.0.s8.s32 v8;
	s29 =	sshrl.u32 s26, $0x3;
	[dreg:$0xa] =	wrdreg s2;
	s2 =	sshrl.u32 s25, $0x3;
	v5 =	vand.u32 $0xF, v5  }
0x1a: {  	v9 =	vunpack.c.0.s8.s32 v3;
	s30 =	sshrl.u32 s28, $0x3;
	s22 =	simm.s32 $0x400;
	s2 =	sadd.s32 s0, s2;
	v5 =	vcombine.low v7, v5;
	v7 =	vimm.s32 $0x7060504  }
0x1b: {  	v3 =	vand.u32 $0xF, v4;
	v4 =	vunpack.c.0.s8.s32 v6;
	s26 =	simm.s32 $0x7680;
	[dreg:$0xb] =	wrdreg s2;
	s2 =	sadd.s32 s0, s29;
	v7 =	vunpack.c.0.s8.s32 v7  }
0x1c: {  	v1 =	vlaneseq.u32;
	v8 =	vand.u32 $0x3, v8;
	v6 =	vand.u32 $0xF, v9;
	s24 =	simm.s32 $0x2780;
	s0 =	sadd.s32 s0, s30;
	[dreg:$0xc] =	wrdreg s2  }
0x1d: {  	s25 =	simm.s32 $0x4F00;
	v4 =	vcombine.low v4, v6;
	v6 =	vor.u32 $0x2710, v1;
	[dreg:$0xd] =	wrdreg s0;
	s2 =	simm.s32 $0x0;
	v7 =	vsel vm0, v7, v8  }
.LBB2_1:
0x1e: {  	[dreg:$0xf] =	wrdreg s2  }
0x1f: {  	s0 =	rddreg [dreg:$0x5]  }
0x20: {  	[tilespmem:s6], [sflag:$0x2] =	stream.strided.gather [hbm4b:s0+s21], $0x2780, s22, s21, $0x38;
	[tilespmem:$0x1C580] =	vst v63  }
0x21: {  	_ =	swait.ge [sflag:s1], $0x2780  }
0x22: {  	[sflag:s1] =	ssyncset.done $0x0  }
0x23: {  	s29 =	rddreg [dreg:$0x6];
	[sflag:s1] =	ssyncadd.s32 $0xFFFFD880  }
0x24: {  	[tilespmem:s24], [sflag:$0x2] =	stream.strided.gather [hbm4b:s29+s21], $0x2780, s22, s21, $0x38;
	[tilespmem:$0x1C580] =	vst v63  }
0x25: {  	_ =	swait.ge [sflag:s1], $0x2780  }
0x26: {  	[sflag:s1] =	ssyncset.done $0x0  }
0x27: {  	s30 =	rddreg [dreg:$0x7];
	[sflag:s1] =	ssyncadd.s32 $0xFFFFD880  }
0x28: {  	[tilespmem:s25], [sflag:$0x2] =	stream.strided.gather [hbm4b:s30+s21], $0x2780, s22, s21, $0x38;
	[tilespmem:$0x1C580] =	vst v63  }
0x29: {  	_ =	swait.ge [sflag:s1], $0x2780  }
0x2a: {  	[sflag:s1] =	ssyncset.done $0x0  }
0x2b: {  	s31 =	rddreg [dreg:$0x8];
	[sflag:s1] =	ssyncadd.s32 $0xFFFFD880  }
0x2c: {  	[tilespmem:s26], [sflag:$0x2] =	stream.strided.gather [hbm4b:s31+s21], $0x2780, s22, s21, $0x38;
	[tilespmem:$0x1C580] =	vst v63  }
0x2d: {  	_ =	swait.ge [sflag:s1], $0x2780  }
0x2e: {  	[sflag:s1] =	ssyncset.done $0x0  }
0x2f: {  	s4 =	simm.s32 $0x9E20;
	[sflag:s1] =	ssyncadd.s32 $0xFFFFD880  }
0x30: {  	[tilespmem:s4+$0xFFFFFFF0] =	vst v0  }
0x31: {  	[tilespmem:s4+$0x0] =	vst v0  }
0x32: {  	[tilespmem:s4+$0x10] =	vst v0  }
0x33: {  	s0 =	simm.s32 $0xC5A0;
	[tilespmem:s4+$0xFFFFFFE0] =	vst v0  }
0x34: {  	[tilespmem:s0+$0xFFFFFFF0] =	vst v0  }
0x35: {  	[tilespmem:s0+$0x0] =	vst v0  }
0x36: {  	[tilespmem:s0+$0x10] =	vst v0  }
0x37: {  	s1 =	simm.s32 $0xED20;
	[tilespmem:s0+$0xFFFFFFE0] =	vst v0  }
0x38: {  	[tilespmem:s1+$0xFFFFFFF0] =	vst v0  }
0x39: {  	[tilespmem:s1+$0x0] =	vst v0  }
0x3a: {  	[tilespmem:s1+$0x10] =	vst v0  }
0x3b: {  	s2 =	simm.s32 $0x114A0;
	[tilespmem:s1+$0xFFFFFFE0] =	vst v0  }
0x3c: {  	[tilespmem:s2+$0xFFFFFFF0] =	vst v0  }
0x3d: {  	[tilespmem:s2+$0x0] =	vst v0  }
0x3e: {  	[tilespmem:s2+$0x10] =	vst v0  }
0x3f: {  	s5 =	simm.s32 $0x9E60;
	s4 =	simm.s32 $0x0;
	[tilespmem:s2+$0xFFFFFFE0] =	vst v0  }
.LBB2_2:
0x40: {  	[tilespmem:s5+$0xFFFFFFF0] =	vst v0;
	s0 =	sadd.s32 $0x40, s0  }
0x41: {  	s1 =	sadd.s32 $0x40, s1;
	[tilespmem:s0+$0xFFFFFFF0] =	vst v0  }
0x42: {  	s2 =	sadd.s32 $0x40, s2;
	[tilespmem:s1+$0xFFFFFFF0] =	vst v0  }
0x43: {  	[tilespmem:s2+$0xFFFFFFF0] =	vst v0  }
0x44: {  	[tilespmem:s5+$0x0] =	vst v0  }
0x45: {  	[tilespmem:s0+$0x0] =	vst v0  }
0x46: {  	[tilespmem:s1+$0x0] =	vst v0  }
0x47: {  	[tilespmem:s2+$0x0] =	vst v0  }
0x48: {  	[tilespmem:s5+$0x10] =	vst v0  }
0x49: {  	s4 =	sadd.s32 $0x4, s4;
	[tilespmem:s0+$0x10] =	vst v0  }
0x4a: {  	p0 =	slt.u32 s4, $0x26C;
	[tilespmem:s1+$0x10] =	vst v0  }
.Ltmp0:
0x4b: {  	[tilespmem:s2+$0x10] =	vst v0;
	(pc) =	sbr.rel @p0 .LBB2_2-.Ltmp0, $4  }
0x4c: {  	[tilespmem:s5+$0xFFFFFFE0] =	vst v0  }
0x4d: {  	[tilespmem:s0+$0xFFFFFFE0] =	vst v0  }
0x4e: {  	[tilespmem:s1+$0xFFFFFFE0] =	vst v0  }
0x4f: {  	s18 =	simm.s32 $0x0;
	s5 =	sadd.s32 $0x40, s5;
	[tilespmem:s2+$0xFFFFFFE0] =	vst v0  }
0x50: {  	s0 =	simm.s32 $0x0  }
.LBB2_4:
0x51: {  	p0 =	sne.s32 s0, $0x40  }
.Ltmp1:
0x52: {  	s1 =	sshra.s32 s0, $0x2;
	(pc) =	sbr.rel @p0 .LBB2_4-.Ltmp1, $4  }
0x53: {  	[tilespmem:s1+$0xC500] =	vst v0  }
0x54: {  	[tilespmem:s1+$0xEC80] =	vst v0  }
0x55: {  	[tilespmem:s1+$0x11400] =	vst v0  }
0x56: {  	s0 =	sadd.s32 $0x40, s0;
	[tilespmem:s1+$0x13B80] =	vst v0  }
.Ltmp2:
0x57: {  	_ = 	snop;
	(pc) =	sbr.rel .LBB2_5-.Ltmp2, $1  }
0x58: {  	_ =	sdelay $0x3  }
.LBB2_9:
.Ltmp3:
0x59: {  	(pc) =	sbr.rel .LBB2_12-.Ltmp3, $2  }
0x5a: {  	_ =	sdelay $0x2  }
0x5b: {  	s19 =	simm.s32 $0x80  }
.LBB2_5:
0x5c: {  	s0 =	smul.u32 $0xC80, s18  }
0x5d: {  	s1 =	rddreg [dreg:$0x9]  }
0x5e: {  	s2 =	rddreg [dreg:$0x3];
	s4 =	simm.s32 $0x0;
	s0 =	sadd.s32 s1, s0  }
0x5f: {  	s5 =	simm.s32 $0x13C00;
	s1 =	sshrl.u32 s0, $0x3;
	s0 =	sshll.u32 s0, $0x3  }
0x60: {  	s20 =	rddreg [dreg:$0x4];
	s2 =	sadd.s32 s2, s1;
	s0 =	sadd.s32 s15, s0  }
0x61: {  	[tilespmem:s5], [sflag:$0x1] =	stream.linear.gather [hbm4b:s2+s4], $0xC80, $0x38;
	[tilespmem:$0x1C580] =	vst v63  }
0x62: {  	s23 =	simm.s32 $0x14880;
	s1 =	sadd.s32 s20, s1;
	s2 =	sor.u32 s7, s0  }
0x63: {  	[tilespmem:s23], [sflag:$0x1] =	stream.linear.gather [hbm4b:s1+s4], $0xC80, $0x38;
	[tilespmem:$0x1C580] =	vst v63  }
0x64: {  	s1 =	sshrl.u32 s2, $0x3  }
0x65: {  	s5 =	sor.u32 s9, s0;
	s4 =	simm.s32 $0x16180;
	s1 =	sadd.s32 s3, s1  }
0x66: {  	[tilespmem:s4], [sflag:$0x1] =	stream.strided.gather [hbm4b:s1+s21], $0xC80, s22, s21, $0x38;
	[tilespmem:$0x1C580] =	vst v63  }
0x67: {  	s1 =	sshrl.u32 s5, $0x3  }
0x68: {  	s17 =	simm.s32 $0x16E00;
	s19 =	sor.u32 s10, s0;
	s1 =	sadd.s32 s3, s1  }
0x69: {  	[tilespmem:s17], [sflag:$0x1] =	stream.strided.gather [hbm4b:s1+s21], $0xC80, s22, s21, $0x38;
	[tilespmem:$0x1C580] =	vst v63  }
0x6a: {  	s0 =	sor.u32 s14, s0;
	s1 =	sshrl.u32 s19, $0x3  }
0x6b: {  	s20 =	simm.s32 $0x17A80;
	s0 =	sshrl.u32 s0, $0x3;
	s1 =	sadd.s32 s3, s1  }
0x6c: {  	[tilespmem:s20], [sflag:$0x1] =	stream.strided.gather [hbm4b:s1+s21], $0xC80, s22, s21, $0x38;
	[tilespmem:$0x1C580] =	vst v63  }
0x6d: {  	s0 =	sadd.s32 s3, s0;
	s23 =	simm.s32 $0x18700  }
0x6e: {  	[tilespmem:s23], [sflag:$0x1] =	stream.strided.gather [hbm4b:s0+s21], $0xC80, s22, s21, $0x38;
	[tilespmem:$0x1C580] =	vst v63  }
0x6f: {  	_ =	swait.ge [sflag:s8], $0xC80  }
0x70: {  	[sflag:s8] =	ssyncset.done $0x0  }
0x71: {  	[sflag:s8] =	ssyncadd.s32 $0xFFFFF380  }
0x72: {  	_ =	swait.ge [sflag:s8], $0xC80  }
0x73: {  	[sflag:s8] =	ssyncset.done $0x0  }
0x74: {  	[sflag:s8] =	ssyncadd.s32 $0xFFFFF380  }
0x75: {  	_ =	swait.ge [sflag:s8], $0xC80  }
0x76: {  	[sflag:s8] =	ssyncset.done $0x0  }
0x77: {  	[sflag:s8] =	ssyncadd.s32 $0xFFFFF380  }
0x78: {  	_ =	swait.ge [sflag:s8], $0xC80  }
0x79: {  	[sflag:s8] =	ssyncset.done $0x0  }
0x7a: {  	[sflag:s8] =	ssyncadd.s32 $0xFFFFF380  }
0x7b: {  	_ =	swait.ge [sflag:s8], $0xC80  }
0x7c: {  	[sflag:s8] =	ssyncset.done $0x0  }
0x7d: {  	[sflag:s8] =	ssyncadd.s32 $0xFFFFF380  }
0x7e: {  	_ =	swait.ge [sflag:s8], $0xC80  }
0x7f: {  	[sflag:s8] =	ssyncset.done $0x0  }
0x80: {  	s1 =	simm.s32 $0x14890;
	[sflag:s8] =	ssyncadd.s32 $0xFFFFF380  }
0x81: {  	v8 =	vld [tilespmem:s1+$0x0];
	_ =	sdelay $0x4  }
0x82: {  	v8 =	vxor.u32 $0x80000000, v8  }
0x83: {  	(xrf1) =	vsort.ascd.msk.u32 $0xffff, v8, v1;
	_ =	sdelay $0x4  }
0x84: {  	v8 =	vld [tilespmem:s1+$0xFFFFFFF0];
	_ =	sdelay $0x4  }
0x85: {  	v8 =	vxor.u32 $0x80000000, v8  }
0x86: {  	(xrf1) =	vsort.ascd.msk.u32 $0xffff, v8, v1;
	_ =	sdelay $0x2  }
0x87: {  	s2 =	simm.s32 $0x13C10;
	v8, v12, _ =	vpop (xrf1)  }
0x88: {  	v13 =	vld [tilespmem:s2+$0x0];
	v8 =	vxor.u32 $0x80000000, v8  }
0x89: {  	v9 =	vperm.xlane v8, v3;
	_ =	sdelay $0x1  }
0x8a: {  	vm0 =	vne.s32 v8, v9  }
0x8b: {  	vm0 =	vmor vm0, vm1  }
0x8c: {  	s4 =	simm.s32 $0x15510;
	v9 =	vsel vm0, v8, v6  }
0x8d: {  	s5 =	simm.s32 $0x16190;
	[tilespmem:s4+$0x0] =	vst v9  }
0x8e: {  	s19 =	simm.s32 $0x0;
	v9 =	vld [tilespmem:s5+$0x0]  }
0x8f: {  	v10 =	vld.idx.msk [tilespmem:v13+s19+$0x0], $0xffff;
	_ =	sdelay $0x1  }
0x90: {  	v17 =	vld [tilespmem:s2+$0xFFFFFFF0];
	v11, v16, _ =	vpop (xrf1)  }
0x91: {  	v11 =	vxor.u32 $0x80000000, v11  }
0x92: {  	v14 =	vperm.xlane v11, v3  }
0x93: {  	v9 =	vadd.f32 v9, v10  }
0x94: {  	vm0 =	vne.s32 v11, v14  }
0x95: {  	vm0 =	vmor vm0, vm1;
	v9 =	vperm.xlane v9, v12  }
0x96: {  	v14 =	vperm.xlane v8, v2;
	v10 =	vsel vm0, v11, v6  }
0x97: {  	[tilespmem:s4+$0xFFFFFFF0] =	vst v10;
	v10 =	vperm.xlane v9, v2  }
0x98: {  	vm0 =	veq.s32 v8, v14;
	v15 =	vld.idx.msk [tilespmem:v17+s19+$0x0], $0xffff  }
0x99: {  	vm4 =	vmand vm0, vm2;
	v14 =	vld [tilespmem:s5+$0xFFFFFFF0];
	v10 =	vmax.f32 v9, v10  }
0x9a: {  	v18 =	vperm.xlane v8, v4;
	v9 =	vsel vm4, v10, v9  }
0x9b: {  	v10 =	vperm.xlane v9, v4  }
0x9c: {  	vm7 =	vmmov vm2;
	vm6 =	vcmask $0x3F08;
	vm0 =	veq.s32 v8, v18  }
0x9d: {  	vm13 =	vmmov vm1;
	vm2 =	vmand vm0, vm6;
	v10 =	vmax.f32 v9, v10  }
0x9e: {  	v14 =	vadd.f32 v14, v15;
	v15 =	vperm.xlane v8, v5;
	v9 =	vsel vm2, v10, v9  }
0x9f: {  	vm12 =	vcmask $0x3F10;
	vm3 =	vcmask $0x3F20;
	v10 =	vperm.xlane v9, v5  }
0xa0: {  	v14 =	vperm.xlane v14, v16;
	vm0 =	veq.s32 v8, v15;
	v15 =	vperm.xlane v11, v2  }
0xa1: {  	v19 =	vperm.xlane v8, v7;
	vm1 =	vmand vm0, vm12;
	v10 =	vmax.f32 v9, v10  }
0xa2: {  	v18 =	vperm.xlane v14, v2;
	vm0 =	veq.s32 v11, v15;
	v9 =	vsel vm1, v10, v9  }
0xa3: {  	vm5 =	vmand vm0, vm7;
	vm0 =	veq.s32 v8, v19;
	v15 =	vperm.xlane v9, v7  }
0xa4: {  	v18 =	vmax.f32 v14, v18;
	vm10 =	vmand vm0, vm3  }
0xa5: {  	v8 =	vsel vm5, v18, v14;
	v10 =	vperm.xlane v11, v4;
	v14 =	vmax.f32 v9, v15  }
0xa6: {  	s17 =	simm.s32 $0x148B0;
	s20 =	simm.s32 $0x19390;
	v18 =	vperm.xlane v8, v4;
	v9 =	vsel vm10, v14, v9  }
0xa7: {  	vm0 =	vmmov vm3;
	vm3 =	veq.s32 v11, v10;
	v15 =	vld [tilespmem:s17+$0x0];
	[tilespmem:s20+$0x0] =	vst v9  }
0xa8: {  	s23 =	simm.s32 $0x16E10;
	vm3 =	vmand vm3, vm6;
	v9 =	vmax.f32 v8, v18;
	v10 =	vld.idx.msk [tilespmem:v13+s24+$0x0], $0xffff  }
0xa9: {  	v14 =	vperm.xlane v11, v5;
	v8 =	vsel vm3, v9, v8;
	v9 =	vld [tilespmem:s23+$0x0]  }
0xaa: {  	v18 =	vperm.xlane v8, v5  }
0xab: {  	vm11 =	vmmov vm7;
	vm15 =	vmmov vm6;
	vm6 =	veq.s32 v11, v14  }
0xac: {  	vm7 =	vmand vm6, vm12;
	v15 =	vxor.u32 $0x80000000, v15;
	v14 =	vmax.f32 v8, v18  }
0xad: {  	(xrf1) =	vsort.ascd.msk.u32 $0xffff, v15, v1;
	v15 =	vperm.xlane v11, v7;
	v8 =	vsel vm7, v14, v8  }
0xae: {  	v14 =	vperm.xlane v8, v7;
	v9 =	vadd.f32 v9, v10  }
0xaf: {  	vm6 =	veq.s32 v11, v15  }
0xb0: {  	v19 =	vld [tilespmem:s17+$0xFFFFFFF0];
	vm9 =	vmand vm6, vm0;
	v11 =	vmax.f32 v8, v14;
	v9 =	vperm.xlane v9, v12  }
0xb1: {  	v8 =	vsel vm9, v11, v8  }
0xb2: {  	[tilespmem:s20+$0xFFFFFFF0] =	vst v8;
	v8 =	vperm.xlane v9, v2;
	_ =	sdelay $0x1  }
0xb3: {  	v8 =	vmax.f32 v9, v8  }
0xb4: {  	v10 =	vxor.u32 $0x80000000, v19;
	v9 =	vsel vm4, v8, v9  }
0xb5: {  	(xrf1) =	vsort.ascd.msk.u32 $0xffff, v10, v1;
	v8 =	vperm.xlane v9, v4  }
0xb6: {  	v10 =	vld.idx.msk [tilespmem:v17+s24+$0x0], $0xffff  }
0xb7: {  	v11 =	vld [tilespmem:s23+$0xFFFFFFF0];
	_ =	sdelay $0x1  }
0xb8: {  	v14 =	vmax.f32 v9, v8  }
0xb9: {  	v9 =	vsel vm2, v14, v9;
	v15, v8, _ =	vpop (xrf1)  }
0xba: {  	v14 =	vxor.u32 $0x80000000, v15;
	v15 =	vperm.xlane v9, v5  }
0xbb: {  	v11 =	vadd.f32 v11, v10  }
0xbc: {  	v15 =	vmax.f32 v9, v15  }
0xbd: {  	s4 =	simm.s32 $0x13C30;
	v18 =	vperm.xlane v11, v16;
	v11 =	vperm.xlane v14, v3;
	v15 =	vsel vm1, v15, v9  }
0xbe: {  	v10 =	vld [tilespmem:s4+$0x0];
	v21 =	vperm.xlane v15, v7  }
0xbf: {  	vm6 =	vmmov vm5;
	vm0 =	vmmov vm3;
	vm8 =	vne.s32 v14, v11  }
0xc0: {  	v19 =	vperm.xlane v18, v2;
	vm5 =	vmor vm8, vm13;
	v21 =	vmax.f32 v15, v21  }
0xc1: {  	s5 =	simm.s32 $0x15530;
	v22 =	vsel vm5, v14, v6;
	v15 =	vsel vm10, v21, v15;
	v21 =	vimm.s32 $0x0  }
0xc2: {  	s17 =	simm.s32 $0x161B0;
	v19 =	vmax.f32 v18, v19;
	v11 =	vld [tilespmem:s4+$0xFFFFFFF0];
	v20, v9, _ =	vpop (xrf1);
	[tilespmem:s5+$0x0] =	vst v22;
	v21 =	vsel vm0, $0xFFFFFFFF, v21  }
0xc3: {  	s20 =	simm.s32 $0x1A010;
	v18 =	vsel vm6, v19, v18;
	v20 =	vxor.u32 $0x80000000, v20;
	v23 =	vld [tilespmem:s17+$0x0];
	[tilespmem:$0x1FF70] =	vst v21  }
0xc4: {  	vm8 =	vmmov vm7;
	v19 =	vperm.xlane v20, v3;
	[tilespmem:s20+$0x0] =	vst v15;
	v15 =	vimm.s32 $0x0  }
0xc5: {  	v55 =	vimm.s32 $0x0;
	v15 =	vsel vm8, $0xFFFFFFFF, v15  }
0xc6: {  	vm14 =	vmmov vm2;
	v22 =	vperm.xlane v18, v4;
	vm3 =	vne.s32 v20, v19;
	v19 =	vld.idx.msk [tilespmem:v10+s19+$0x0], $0xffff;
	[tilespmem:$0x1FF90] =	vst v15  }
0xc7: {  	s23 =	simm.s32 $0x17A90;
	v27 =	vperm.xlane v14, v5;
	v24 =	vperm.xlane v20, v4;
	vm3 =	vmor vm3, vm13;
	v21 =	vld.idx.msk [tilespmem:v13+s25+$0x0], $0xffff  }
0xc8: {  	v25 =	vsel vm3, v20, v6;
	v15 =	vmax.f32 v18, v22;
	v22 =	vperm.xlane v20, v2;
	v26 =	vld [tilespmem:s23+$0x0]  }
0xc9: {  	v15 =	vsel vm0, v15, v18;
	v18 =	vperm.xlane v20, v5;
	vm0 =	vmmov vm4  }
0xca: {  	[tilespmem:s5+$0xFFFFFFF0] =	vst v25;
	vm5 =	veq.s32 v20, v22;
	v22 =	vperm.xlane v15, v5;
	v25 =	vsel vm0, $0xFFFFFFFF, v55  }
0xcb: {  	v63 =	vperm.xlane v14, v7;
	vm3 =	vmmov vm9;
	vm9 =	veq.s32 v20, v24;
	v54 =	vld.idx.msk [tilespmem:v11+s19+$0x0], $0xffff;
	[tilespmem:$0x1FFB0] =	vst v25  }
0xcc: {  	vm4 =	veq.s32 v20, v18;
	v19 =	vadd.f32 v23, v19;
	v25 =	vld [tilespmem:s17+$0xFFFFFFF0];
	v18 =	vmax.f32 v15, v22  }
0xcd: {  	v23 =	vperm.xlane v14, v2;
	v15 =	vsel vm8, v18, v15;
	v18 =	vadd.f32 v26, v21  }
0xce: {  	vm13 =	vmand vm9, vm15;
	v19 =	vperm.xlane v19, v8;
	v21 =	vperm.xlane v15, v7  }
0xcf: {  	vm9 =	vmmov vm1;
	vm7 =	vmand vm5, vm11;
	v18 =	vperm.xlane v18, v12  }
0xd0: {  	vm2 =	veq.s32 v14, v23;
	v56 =	vperm.xlane v19, v2;
	v21 =	vmax.f32 v15, v21  }
0xd1: {  	v24 =	vadd.f32 v25, v54;
	v15 =	vsel vm3, v21, v15;
	v21 =	vperm.xlane v18, v2  }
0xd2: {  	vm2 =	vmand vm2, vm11;
	v57 =	vmax.f32 v19, v56;
	[tilespmem:s20+$0xFFFFFFF0] =	vst v15;
	v15 =	vperm.xlane v14, v4  }
0xd3: {  	v19 =	vsel vm2, v57, v19;
	v23 =	vperm.xlane v24, v9;
	v21 =	vmax.f32 v18, v21  }
0xd4: {  	vm5 =	veq.s32 v14, v63;
	v60 =	vperm.xlane v19, v4;
	v18 =	vsel vm0, v21, v18  }
0xd5: {  	vm1 =	veq.s32 v14, v15;
	v59 =	vperm.xlane v23, v2;
	v15 =	vperm.xlane v18, v4  }
0xd6: {  	vm8 =	vmand vm4, vm12;
	vm11 =	vmand vm1, vm15;
	v26 =	vmax.f32 v19, v60  }
0xd7: {  	v19 =	vsel vm11, v26, v19;
	v25 =	vmax.f32 v23, v59;
	v15 =	vmax.f32 v18, v15  }
0xd8: {  	v61 =	vperm.xlane v19, v5;
	v23 =	vsel vm7, v25, v23;
	v15 =	vsel vm14, v15, v18  }
0xd9: {  	vm4 =	veq.s32 v14, v27;
	v18 =	vperm.xlane v23, v4;
	v62 =	vperm.xlane v15, v5  }
0xda: {  	v22 =	vperm.xlane v20, v7;
	vm4 =	vmand vm4, vm12;
	v25 =	vmax.f32 v19, v61  }
0xdb: {  	v19 =	vsel vm4, v25, v19;
	v18 =	vmax.f32 v23, v18;
	v28 =	vmax.f32 v15, v62  }
0xdc: {  	v58 =	vld.idx.msk [tilespmem:v17+s25+$0x0], $0xffff;
	v29 =	vperm.xlane v19, v7;
	v18 =	vsel vm13, v18, v23;
	v15 =	vsel vm9, v28, v15  }
0xdd: {  	vm12 =	vcmask $0x3F20;
	v21 =	vld [tilespmem:s23+$0xFFFFFFF0];
	v23 =	vperm.xlane v18, v5;
	v14 =	vperm.xlane v15, v7  }
0xde: {  	vm15 =	vmand vm5, vm12;
	vm1 =	vmmov vm10;
	v30 =	vmax.f32 v19, v29  }
0xdf: {  	s5 =	simm.s32 $0x148D0;
	s23 =	simm.s32 $0x193B0;
	v19 =	vsel vm15, v30, v19;
	v23 =	vmax.f32 v18, v23;
	v14 =	vmax.f32 v15, v14  }
0xe0: {  	s28 =	simm.s32 $0x16E30;
	v31 =	vld [tilespmem:s5+$0x0];
	[tilespmem:s23+$0x0] =	vst v19;
	v14 =	vsel vm1, v14, v15;
	v15 =	vsel vm8, v23, v18  }
0xe1: {  	s20 =	simm.s32 $0x1AC90;
	vm5 =	veq.s32 v20, v22;
	v22 =	vld [tilespmem:s28+$0x0];
	v19 =	vperm.xlane v15, v7  }
0xe2: {  	vm6 =	vmmov vm6;
	v21 =	vadd.f32 v21, v58;
	v18 =	vld.idx.msk [tilespmem:v10+s24+$0x0], $0xffff;
	v23 =	vimm.s32 $0x0;
	[tilespmem:s20+$0x0] =	vst v14  }
0xe3: {  	s17 =	simm.s32 $0x18710;
	vm0 =	vmand vm5, vm12;
	v23 =	vsel vm6, $0xFFFFFFFF, v23;
	v13 =	vld.idx.msk [tilespmem:v13+s26+$0x0], $0xffff;
	v19 =	vmax.f32 v15, v19  }
0xe4: {  	v21 =	vperm.xlane v21, v16;
	v20 =	vld [tilespmem:s17+$0x0];
	[tilespmem:$0x1FF60] =	vst v23;
	v15 =	vsel vm0, v19, v15  }
0xe5: {  	v23 =	vxor.u32 $0x80000000, v31;
	[tilespmem:s23+$0xFFFFFFF0] =	vst v15  }
0xe6: {  	v14 =	vperm.xlane v21, v2;
	(xrf1) =	vsort.ascd.msk.u32 $0xffff, v23, v1;
	v23 =	vld [tilespmem:$0x1FF70];
	_ =	sdelay $0x1  }
0xe7: {  	v14 =	vmax.f32 v21, v14  }
0xe8: {  	v14 =	vsel vm6, v14, v21  }
0xe9: {  	v19 =	vperm.xlane v14, v4  }
0xea: {  	vm5 =	vnez.u8 v23  }
0xeb: {  	v19 =	vmax.f32 v14, v19;
	vm6 =	vmmov vm5  }
0xec: {  	v21 =	vld [tilespmem:s5+$0xFFFFFFF0];
	v14 =	vsel vm6, v19, v14  }
0xed: {  	v18 =	vadd.f32 v22, v18;
	v15 =	vld.idx.msk [tilespmem:v11+s24+$0x0], $0xffff;
	v13 =	vadd.f32 v20, v13;
	v19 =	vperm.xlane v14, v5  }
0xee: {  	v20 =	vimm.s32 $0x0;
	v23 =	vld [tilespmem:s28+$0xFFFFFFF0]  }
0xef: {  	v12 =	vperm.xlane v13, v12;
	v13 =	vperm.xlane v18, v8;
	v18 =	vmax.f32 v14, v19;
	v19 =	vld [tilespmem:$0x1FF90]  }
0xf0: {  	v20 =	vsel vm6, $0xFFFFFFFF, v20  }
0xf1: {  	[tilespmem:$0x1FF80] =	vst v20;
	v20 =	vxor.u32 $0x80000000, v21;
	v21 =	vld [tilespmem:$0x1FFB0]  }
0xf2: {  	v32 =	vimm.s32 $0x0;
	v35 =	vimm.s32 $0x0  }
0xf3: {  	vm12 =	vmmov vm15;
	vm10 =	vmmov vm0;
	v15 =	vadd.f32 v23, v15  }
0xf4: {  	v61 =	vimm.s32 $0x0;
	v29 =	vimm.s32 $0x0;
	(xrf1) =	vsort.ascd.msk.u32 $0xffff, v20, v1;
	vm5 =	vnez.u8 v19  }
0xf5: {  	v20 =	vimm.s32 $0x0;
	v15 =	vperm.xlane v15, v9;
	vm6 =	vmmov vm5  }
0xf6: {  	v19 =	vperm.xlane v12, v2;
	vm5 =	vnez.u8 v21;
	v20 =	vsel vm6, $0xFFFFFFFF, v20  }
0xf7: {  	v14 =	vsel vm6, v18, v14;
	v18 =	vperm.xlane v13, v2;
	vm6 =	vmmov vm7  }
0xf8: {  	v19 =	vmax.f32 v12, v19;
	vm7 =	vmmov vm13;
	vm13 =	vmmov vm8  }
0xf9: {  	[tilespmem:$0x1FFA0] =	vst v20;
	v20 =	vperm.xlane v14, v7;
	v12 =	vsel vm5, v19, v12;
	v18 =	vmax.f32 v13, v18  }
0xfa: {  	vm8 =	vcmask $0x3F04;
	v13 =	vsel vm2, v18, v13;
	v18 =	vperm.xlane v12, v4  }
0xfb: {  	v19 =	vmax.f32 v14, v20;
	v20 =	vperm.xlane v15, v2;
	v21 =	vperm.xlane v13, v4  }
0xfc: {  	vm5 =	vmmov vm6;
	v19 =	vsel vm3, v19, v14;
	v14 =	vmax.f32 v12, v18  }
0xfd: {  	v18 =	vmax.f32 v15, v20;
	v20 =	vmax.f32 v13, v21;
	v12 =	vsel vm14, v14, v12  }
0xfe: {  	vm3 =	vmmov vm3;
	v13 =	vsel vm11, v20, v13;
	v20 =	vperm.xlane v12, v5  }
0xff: {  	v25 =	vsel vm7, $0xFFFFFFFF, v35;
	v24 =	vsel vm3, $0xFFFFFFFF, v32;
	v23 =	vperm.xlane v13, v5  }
0x100: {  	s31 =	simm.s32 $0x13C50;
	v18 =	vsel vm6, v18, v15;
	vm6 =	vcmask $0x3F3C;
	v21, v14, _ =	vpop (xrf1);
	v20 =	vmax.f32 v12, v20  }
0x101: {  	v15 =	vld [tilespmem:s31+$0x0];
	[tilespmem:$0x1FFC0] =	vst v24;
	v22 =	vxor.u32 $0x80000000, v21;
	v21 =	vperm.xlane v18, v4;
	v23 =	vmax.f32 v13, v23  }
0x102: {  	[tilespmem:s20+$0xFFFFFFF0] =	vst v19;
	v20 =	vsel vm9, v20, v12;
	v19, v12, _ =	vpop (xrf1);
	vm9 =	vmmov vm2;
	v33 =	vperm.xlane v22, v3  }
0x103: {  	v23 =	vsel vm4, v23, v13;
	v34 =	vperm.xlane v20, v7;
	v19 =	vxor.u32 $0x80000000, v19  }
0x104: {  	vm4 =	vmmov vm4;
	v47 =	vperm.xlane v22, v2;
	v51 =	vperm.xlane v22, v4  }
0x105: {  	v29 =	vsel vm9, $0xFFFFFFFF, v29;
	v57 =	vperm.xlane v22, v5;
	v60 =	vperm.xlane v22, v7  }
0x106: {  	v21 =	vmax.f32 v18, v21;
	v38 =	vperm.xlane v19, v3;
	vm3 =	vne.s32 v22, v33  }
0x107: {  	v13 =	vld [tilespmem:s31+$0xFFFFFFF0];
	[tilespmem:$0x1FFD0] =	vst v25;
	v18 =	vsel vm7, v21, v18;
	v21 =	vperm.xlane v23, v7;
	vm3 =	vmor vm3, vm6  }
0x108: {  	s0 =	simm.s32 $0x15550;
	v17 =	vld.idx.msk [tilespmem:v17+s26+$0x0], $0xffff;
	v39 =	vperm.xlane v19, v2;
	v24 =	vmax.f32 v20, v34;
	v36 =	vsel vm3, v22, v6  }
0x109: {  	s2 =	simm.s32 $0x161D0;
	v37 =	vld [tilespmem:s17+$0xFFFFFFF0];
	v40 =	vperm.xlane v19, v4;
	v20 =	vsel vm1, v24, v20;
	v21 =	vmax.f32 v23, v21;
	[tilespmem:s0+$0x0] =	vst v36  }
0x10a: {  	s29 =	simm.s32 $0x1A030;
	vm0 =	vne.s32 v19, v38;
	vm2 =	veq.s32 v19, v39;
	v21 =	vsel vm15, v21, v23;
	v28 =	vld [tilespmem:s2+$0x0]  }
0x10b: {  	v44 =	vperm.xlane v18, v5;
	vm1 =	vcmask $0x3F08;
	vm0 =	vmor vm0, vm6;
	v41 =	vld.idx.msk [tilespmem:v15+s19+$0x0], $0xffff;
	[tilespmem:s29+$0x0] =	vst v21  }
0x10c: {  	s30 =	simm.s32 $0x17AB0;
	vm3 =	veq.s32 v19, v40;
	vm7 =	vmand vm2, vm8;
	v23 =	vperm.xlane v19, v5;
	v21 =	vld.idx.msk [tilespmem:v10+s25+$0x0], $0xffff  }
0x10d: {  	vm2 =	veq.s32 v22, v51;
	v42 =	vsel vm0, v19, v6;
	vm6 =	vmand vm3, vm1;
	v43 =	vld [tilespmem:s30+$0x0]  }
0x10e: {  	vm1 =	vcmask $0x3F10;
	[tilespmem:s0+$0xFFFFFFF0] =	vst v42;
	vm0 =	veq.s32 v19, v23;
	v23 =	vperm.xlane v19, v7  }
0x10f: {  	vm3 =	vmmov vm11;
	vm11 =	vmmov vm13;
	vm15 =	vmmov vm10;
	v45 =	vld.idx.msk [tilespmem:v13+s19+$0x0], $0xffff  }
0x110: {  	vm14 =	vmand vm0, vm1;
	vm1 =	veq.s32 v19, v23;
	v19 =	vld [tilespmem:s2+$0xFFFFFFF0];
	v23 =	vmax.f32 v18, v44  }
0x111: {  	v17 =	vadd.f32 v37, v17;
	v18 =	vsel vm13, v23, v18;
	v46 =	vadd.f32 v28, v41  }
0x112: {  	vm0 =	vcmask $0x3F20;
	v23 =	vperm.xlane v18, v7;
	v21 =	vadd.f32 v43, v21  }
0x113: {  	v16 =	vperm.xlane v17, v16;
	vm0 =	vmand vm1, vm0;
	v17 =	vperm.xlane v46, v14  }
0x114: {  	vm1 =	veq.s32 v22, v47;
	v23 =	vmax.f32 v18, v23;
	v21 =	vperm.xlane v21, v8  }
0x115: {  	v19 =	vadd.f32 v19, v45;
	v18 =	vsel vm10, v23, v18;
	v48 =	vperm.xlane v17, v2  }
0x116: {  	v49 =	vperm.xlane v16, v2;
	vm1 =	vmand vm1, vm8;
	[tilespmem:s29+$0xFFFFFFF0] =	vst v18;
	v23 =	vperm.xlane v21, v2  }
0x117: {  	vm8 =	vcmask $0x3F08;
	v18 =	vperm.xlane v19, v12;
	v50 =	vld.idx.msk [tilespmem:v11+s25+$0x0], $0xffff;
	v19 =	vmax.f32 v17, v48  }
0x118: {  	vm13 =	vmand vm2, vm8;
	v19 =	vsel vm1, v19, v17;
	v17 =	vmax.f32 v21, v23;
	v23 =	vld [tilespmem:s30+$0xFFFFFFF0]  }
0x119: {  	v52 =	vperm.xlane v18, v2;
	v53 =	vperm.xlane v19, v4;
	v21 =	vsel vm9, v17, v21  }
0x11a: {  	vm2 =	vmmov vm3;
	vm8 =	vcmask $0x3F10;
	v54 =	vperm.xlane v21, v4  }
0x11b: {  	v17 =	vmax.f32 v16, v49;
	v55 =	vmax.f32 v18, v52;
	v56 =	vmax.f32 v19, v53  }
0x11c: {  	v18 =	vsel vm7, v55, v18;
	v19 =	vsel vm13, v56, v19;
	v58 =	vmax.f32 v21, v54  }
0x11d: {  	v59 =	vperm.xlane v19, v5;
	v21 =	vsel vm3, v58, v21;
	v24 =	vadd.f32 v23, v50  }
0x11e: {  	vm3 =	veq.s32 v22, v57;
	v23 =	vperm.xlane v18, v4;
	v27 =	vperm.xlane v21, v5  }
0x11f: {  	vm3 =	vmand vm3, vm8;
	vm8 =	vcmask $0x3F20;
	v25 =	vmax.f32 v19, v59  }
0x120: {  	v23 =	vmax.f32 v18, v23;
	v25 =	vsel vm3, v25, v19;
	v19 =	vmax.f32 v21, v27  }
0x121: {  	v27 =	vsel vm4, $0xFFFFFFFF, v61;
	v19 =	vsel vm4, v19, v21;
	v62 =	vperm.xlane v25, v7  }
0x122: {  	[tilespmem:$0x1FFE0] =	vst v29;
	v21 =	vsel vm6, v23, v18;
	vm4 =	veq.s32 v22, v60;
	v63 =	vperm.xlane v19, v7  }
0x123: {  	s6 =	simm.s32 $0x0;
	s23 =	simm.s32 $0x1B910;
	[tilespmem:$0x1FFF0] =	vst v27;
	v22 =	vperm.xlane v21, v5;
	vm4 =	vmand vm4, vm8;
	v18 =	vmax.f32 v25, v62  }
0x124: {  	s1 =	simm.s32 $0x148F0;
	s4 =	simm.s32 $0x193D0;
	s5 =	simm.s32 $0x4;
	[tilespmem:s23+$0x0] =	vst v20;
	v23 =	vsel vm4, v18, v25;
	v18 =	vperm.xlane v24, v9;
	v20 =	vmax.f32 v19, v63  }
.LBB2_6:
0x125: {  	v19 =	vsel vm12, v20, v19;
	v20 =	vld [tilespmem:$0x1FF60];
	_ =	sdelay $0x4  }
0x126: {  	v24 =	vld [tilespmem:s1+$0x0];
	[tilespmem:s4+$0x0] =	vst v23;
	s20 =	sadd.s32 $0x20, s20;
	v22 =	vmax.f32 v21, v22;
	vm10 =	vnez.u8 v20  }
0x127: {  	vm8 =	vmmov vm7;
	v20 =	vld.idx.msk [tilespmem:v15+s24+$0x0], $0xffff;
	[tilespmem:s20+$0x0] =	vst v19;
	v16 =	vsel vm10, v17, v16;
	v17 =	vsel vm14, v22, v21  }
0x128: {  	v21 =	vperm.xlane v18, v2;
	v22 =	vld.idx.msk [tilespmem:v10+s26+$0x0], $0xffff;
	v10 =	vmovc v15;
	v15 =	vimm.s32 $0x0;
	v19 =	vperm.xlane v17, v7  }
0x129: {  	v23 =	vperm.xlane v16, v4;
	v15 =	vsel vm8, $0xFFFFFFFF, v15  }
0x12a: {  	vm10 =	vmmov vm5;
	[tilespmem:$0x1FF50] =	vst v15;
	v15 =	vmax.f32 v18, v21;
	v19 =	vmax.f32 v17, v19  }
0x12b: {  	v15 =	vsel vm10, v15, v18;
	v18 =	vmax.f32 v16, v23;
	v23 =	vld [tilespmem:s1+$0xFFFFFFF0];
	v17 =	vsel vm0, v19, v17  }
0x12c: {  	[tilespmem:s4+$0xFFFFFFF0] =	vst v17;
	v17 =	vld [tilespmem:$0x1FF80];
	_ =	sdelay $0x4  }
0x12d: {  	vm7 =	vnez.u8 v17;
	v17 =	vld [tilespmem:$0x1FFD0]  }
0x12e: {  	s17 =	sadd.s32 $0x20, s17  }
0x12f: {  	v21 =	vld [tilespmem:s17+$0x0];
	_ =	sdelay $0x1  }
0x130: {  	v19 =	vperm.xlane v15, v4  }
0x131: {  	vm9 =	vmmov vm0;
	vm0 =	vnez.u8 v17  }
0x132: {  	v16 =	vsel vm7, v18, v16;
	v18 =	vmax.f32 v15, v19;
	vm7 =	vmmov vm0  }
0x133: {  	s28 =	sadd.s32 $0x20, s28;
	v15 =	vsel vm7, v18, v15;
	v18 =	vadd.f32 v21, v22  }
0x134: {  	v25 =	vld [tilespmem:s28+$0x0]  }
0x135: {  	v18 =	vperm.xlane v18, v8;
	v8 =	vld [tilespmem:$0x1FFA0]  }
0x136: {  	v26 =	vimm.s32 $0x0  }
0x137: {  	v24 =	vxor.u32 $0x80000000, v24;
	v26 =	vsel vm10, $0xFFFFFFFF, v26  }
0x138: {  	vm0 =	vmmov vm14;
	v22 =	vxor.u32 $0x80000000, v23;
	v23 =	vimm.s32 $0x0  }
0x139: {  	v20 =	vadd.f32 v25, v20;
	v19 =	vperm.xlane v16, v5;
	v23 =	vsel vm0, $0xFFFFFFFF, v23  }
0x13a: {  	vm10 =	vmmov vm6;
	v21 =	vperm.xlane v15, v5;
	[tilespmem:$0x1FF40] =	vst v23;
	v23 =	vld [tilespmem:$0x1FFE0];
	vm6 =	vnez.u8 v8;
	v8 =	vmovc v14  }
0x13b: {  	(xrf1) =	vsort.ascd.msk.u32 $0xffff, v24, v1;
	v19 =	vmax.f32 v16, v19;
	v14 =	vperm.xlane v20, v8  }
0x13c: {  	v35 =	vld [tilespmem:s28+$0xFFFFFFF0];
	(xrf1) =	vsort.ascd.msk.u32 $0xffff, v22, v1;
	v16 =	vsel vm6, v19, v16;
	v19 =	vmax.f32 v15, v21;
	vm6 =	vmmov vm11  }
0x13d: {  	v17 =	vld.idx.msk [tilespmem:v13+s24+$0x0], $0xffff;
	v15 =	vsel vm6, v19, v15;
	v19 =	vperm.xlane v18, v2;
	v21 =	vperm.xlane v14, v2  }
0x13e: {  	v22 =	vperm.xlane v15, v7  }
0x13f: {  	vm0 =	vnez.u8 v23;
	v19 =	vmax.f32 v18, v19;
	v21 =	vmax.f32 v14, v21  }
0x140: {  	v18 =	vsel vm0, v19, v18;
	v19 =	vsel vm1, v21, v14;
	v14 =	vmax.f32 v15, v22  }
0x141: {  	v20 =	vimm.s32 $0x0;
	v37 =	vsel vm15, v14, v15;
	v15 =	vld [tilespmem:$0x1FFC0]  }
0x142: {  	v17 =	vadd.f32 v35, v17;
	v20 =	vsel vm6, $0xFFFFFFFF, v20  }
0x143: {  	v40 =	vld [tilespmem:$0x1FFF0];
	[tilespmem:$0x1FFA0] =	vst v20;
	v20 =	vperm.xlane v16, v7  }
0x144: {  	v34 =	vimm.s32 $0x0;
	v36 =	vimm.s32 $0x0;
	v17 =	vperm.xlane v17, v12  }
0x145: {  	v24 =	vsel vm10, $0xFFFFFFFF, v34;
	v20 =	vmax.f32 v16, v20;
	v21 =	vperm.xlane v18, v4  }
0x146: {  	v22 =	vperm.xlane v17, v2;
	v23 =	vperm.xlane v19, v4;
	vm5 =	vnez.u8 v15  }
0x147: {  	[tilespmem:s20+$0xFFFFFFF0] =	vst v37;
	v15 =	vsel vm5, v20, v16;
	vm5 =	vmmov vm15;
	v16 =	vimm.s32 $0x0  }
0x148: {  	vm0 =	vnez.u8 v40;
	v38 =	vmax.f32 v18, v21;
	v21 =	vld.idx.msk [tilespmem:v11+s26+$0x0], $0xffff;
	v16 =	vsel vm5, $0xFFFFFFFF, v16  }
0x149: {  	v11, v14, _ =	vpop (xrf1);
	v20 =	vmax.f32 v19, v23;
	[tilespmem:$0x1FFC0] =	vst v16;
	v16 =	vmax.f32 v17, v22;
	v22 =	vsel vm2, v38, v18  }
0x14a: {  	s31 =	sadd.s32 $0x20, s31;
	[tilespmem:$0x1FFD0] =	vst v24;
	v42, v41, _ =	vpop (xrf1);
	v16 =	vsel vm8, v16, v17;
	v17 =	vsel vm13, v20, v19;
	v19 =	vld [tilespmem:s17+$0xFFFFFFF0];
	v20 =	vperm.xlane v22, v5  }
0x14b: {  	v24 =	vxor.u32 $0x80000000, v42;
	v18 =	vxor.u32 $0x80000000, v11;
	[tilespmem:s23+$0xFFFFFFF0] =	vst v15;
	v15 =	vld [tilespmem:s31+$0x0];
	v23 =	vperm.xlane v16, v4  }
0x14c: {  	v28 =	vperm.xlane v18, v3;
	v39 =	vperm.xlane v17, v5;
	v20 =	vmax.f32 v22, v20  }
0x14d: {  	vm5 =	vcmask $0x3F3C;
	v23 =	vmax.f32 v16, v23;
	v20 =	vsel vm0, v20, v22  }
0x14e: {  	v27 =	vmax.f32 v17, v39;
	vm0 =	vne.s32 v18, v28;
	v22 =	vperm.xlane v20, v7  }
0x14f: {  	v17 =	vsel vm3, v27, v17;
	vm0 =	vmor vm0, vm5;
	v16 =	vsel vm10, v23, v16  }
0x150: {  	s0 =	sadd.s32 $0x20, s0;
	[tilespmem:$0x1FF60] =	vst v26;
	v23 =	vperm.xlane v17, v7;
	v43 =	vsel vm0, v18, v6;
	v22 =	vmax.f32 v20, v22  }
0x151: {  	s2 =	sadd.s32 $0x20, s2;
	v54 =	vimm.s32 $0x0;
	v44 =	vperm.xlane v24, v3;
	s23 =	sadd.s32 $0x20, s23;
	[tilespmem:s0+$0x0] =	vst v43;
	v20 =	vsel vm12, v22, v20  }
0x152: {  	v63 =	vimm.s32 $0x0;
	v26 =	vsel vm7, $0xFFFFFFFF, v36;
	v23 =	vmax.f32 v17, v23;
	v46 =	vld [tilespmem:s2+$0x0];
	[tilespmem:s23+$0x0] =	vst v20  }
0x153: {  	vm0 =	vne.s32 v24, v44;
	v22 =	vperm.xlane v24, v2;
	v17 =	vsel vm4, v23, v17;
	v23 =	vld.idx.msk [tilespmem:v15+s19+$0x0], $0xffff  }
0x154: {  	vm15 =	vmmov vm9;
	v45 =	vperm.xlane v24, v4;
	v11 =	vmovc v13;
	v13 =	vld [tilespmem:s31+$0xFFFFFFF0];
	vm0 =	vmor vm0, vm5  }
0x155: {  	vm2 =	vmmov vm1;
	vm1 =	veq.s32 v24, v22;
	v22 =	vsel vm0, v24, v6  }
0x156: {  	vm9 =	vcmask $0x3F08;
	vm8 =	vmmov vm3;
	[tilespmem:s0+$0xFFFFFFF0] =	vst v22;
	v22 =	vperm.xlane v16, v5  }
0x157: {  	s29 =	sadd.s32 $0x20, s29;
	[tilespmem:$0x1FF80] =	vst v26;
	v51 =	vperm.xlane v18, v4;
	v57 =	vperm.xlane v18, v5;
	v26 =	vsel vm8, $0xFFFFFFFF, v63  }
0x158: {  	v19 =	vadd.f32 v19, v21;
	[tilespmem:s29+$0x0] =	vst v17;
	v21 =	vmax.f32 v16, v22;
	v22 =	vadd.f32 v46, v23;
	v23 =	vld [tilespmem:$0x1FF40]  }
0x159: {  	s30 =	sadd.s32 $0x20, s30;
	v28 =	vsel vm2, $0xFFFFFFFF, v54;
	vm5 =	veq.s32 v24, v45;
	v20 =	vperm.xlane v24, v5;
	v17 =	vld.idx.msk [tilespmem:v10+s25+$0x0], $0xffff  }
0x15a: {  	vm10 =	vcmask $0x3F04;
	vm3 =	veq.s32 v18, v57;
	vm6 =	vmand vm5, vm9;
	v47 =	vld [tilespmem:s30+$0x0]  }
0x15b: {  	vm12 =	vcmask $0x3F10;
	vm0 =	veq.s32 v24, v20;
	v20 =	vperm.xlane v24, v7  }
0x15c: {  	vm5 =	vmmov vm13;
	vm13 =	vcmask $0x3F20;
	vm7 =	vmand vm1, vm10;
	v48 =	vld.idx.msk [tilespmem:v13+s19+$0x0], $0xffff  }
0x15d: {  	vm14 =	vmand vm0, vm12;
	vm1 =	veq.s32 v24, v20;
	v20 =	vld [tilespmem:s2+$0xFFFFFFF0];
	vm11 =	vnez.u8 v23  }
0x15e: {  	vm12 =	vmmov vm4;
	vm4 =	vcmask $0x3F10;
	v21 =	vsel vm11, v21, v16  }
0x15f: {  	vm3 =	vmand vm3, vm4;
	v17 =	vadd.f32 v47, v17;
	v23 =	vperm.xlane v21, v7  }
0x160: {  	vm0 =	vmand vm1, vm13;
	v16 =	vperm.xlane v19, v9;
	v19 =	vperm.xlane v22, v14  }
0x161: {  	v17 =	vperm.xlane v17, v8;
	v22 =	vperm.xlane v18, v2;
	v23 =	vmax.f32 v21, v23  }
0x162: {  	v20 =	vadd.f32 v20, v48;
	v49 =	vperm.xlane v19, v2;
	v21 =	vsel vm15, v23, v21  }
0x163: {  	v9 =	vmovc v12;
	v12 =	vmov v41;
	vm1 =	veq.s32 v18, v22;
	[tilespmem:s29+$0xFFFFFFF0] =	vst v21;
	v21 =	vperm.xlane v17, v2  }
0x164: {  	v20 =	vperm.xlane v20, v12;
	vm1 =	vmand vm1, vm10;
	v23 =	vmax.f32 v19, v49  }
0x165: {  	v22 =	vperm.xlane v16, v2;
	v19 =	vsel vm1, v23, v19;
	v50 =	vld.idx.msk [tilespmem:v11+s25+$0x0], $0xffff;
	v21 =	vmax.f32 v17, v21  }
0x166: {  	v52 =	vperm.xlane v20, v2;
	v23 =	vld [tilespmem:s30+$0xFFFFFFF0];
	v53 =	vperm.xlane v19, v4;
	v21 =	vsel vm2, v21, v17  }
0x167: {  	v60 =	vld [tilespmem:$0x1FF50];
	vm2 =	veq.s32 v18, v51;
	v17 =	vmax.f32 v16, v22;
	v55 =	vperm.xlane v21, v4  }
0x168: {  	v22 =	vmax.f32 v20, v52;
	v56 =	vmax.f32 v19, v53;
	vm13 =	vmand vm2, vm9  }
0x169: {  	vm2 =	vmmov vm5;
	v19 =	vsel vm13, v56, v19;
	v25 =	vmax.f32 v21, v55  }
0x16a: {  	v20 =	vsel vm7, v22, v20;
	v22 =	vperm.xlane v19, v5;
	v21 =	vsel vm5, v25, v21  }
0x16b: {  	s5 =	sadd.s32 $0x2, s5;
	v24 =	vadd.f32 v23, v50;
	v23 =	vperm.xlane v18, v7;
	v59 =	vperm.xlane v21, v5  }
0x16c: {  	p0 =	slt.u32 s5, $0xC6;
	v58 =	vperm.xlane v20, v4;
	vm5 =	vnez.u8 v60;
	v22 =	vmax.f32 v19, v22  }
.Ltmp4:
0x16d: {  	vm4 =	veq.s32 v18, v23;
	v61 =	vsel vm3, v22, v19;
	v19 =	vmax.f32 v21, v59;
	(pc) =	sbr.rel @p0 .LBB2_6-.Ltmp4, $4  }
0x16e: {  	v22 =	vmax.f32 v20, v58;
	v62 =	vperm.xlane v61, v7;
	v19 =	vsel vm8, v19, v21  }
0x16f: {  	v21 =	vsel vm6, v22, v20;
	vm8 =	vcmask $0x3F20;
	v20 =	vperm.xlane v19, v7  }
0x170: {  	[tilespmem:$0x1FFF0] =	vst v26;
	v22 =	vperm.xlane v21, v5;
	vm4 =	vmand vm4, vm8;
	v18 =	vmax.f32 v61, v62  }
0x171: {  	s1 =	sadd.s32 $0x20, s1;
	s4 =	sadd.s32 $0x20, s4;
	[tilespmem:$0x1FFE0] =	vst v28;
	v23 =	vsel vm4, v18, v61;
	v18 =	vperm.xlane v24, v9;
	v20 =	vmax.f32 v19, v20  }
0x172: {  	v22 =	vmax.f32 v21, v22  }
0x173: {  	v21 =	vsel vm14, v22, v21  }
0x174: {  	v22 =	vperm.xlane v21, v7  }
0x175: {  	[tilespmem:s4+$0x0] =	vst v23  }
0x176: {  	s0 =	sadd.s32 $0x20, s28;
	v23 =	vld.idx.msk [tilespmem:v15+s24+$0x0], $0xffff;
	v22 =	vmax.f32 v21, v22  }
0x177: {  	v45 =	vld [tilespmem:s0+$0x0];
	v21 =	vsel vm0, v22, v21  }
0x178: {  	[tilespmem:s4+$0xFFFFFFF0] =	vst v21  }
0x179: {  	v21 =	vld.idx.msk [tilespmem:v13+s24+$0x0], $0xffff  }
0x17a: {  	v24 =	vld [tilespmem:s0+$0xFFFFFFF0];
	_ =	sdelay $0x1  }
0x17b: {  	v22 =	vadd.f32 v45, v23;
	_ =	sdelay $0x1  }
0x17c: {  	v22 =	vperm.xlane v22, v14  }
0x17d: {  	v21 =	vadd.f32 v24, v21  }
0x17e: {  	v46 =	vperm.xlane v22, v2  }
0x17f: {  	v21 =	vperm.xlane v21, v12  }
0x180: {  	v23 =	vmax.f32 v22, v46  }
0x181: {  	v22 =	vsel vm1, v23, v22;
	v47 =	vperm.xlane v21, v2  }
0x182: {  	v23 =	vperm.xlane v22, v4  }
0x183: {  	vm7 =	vmmov vm7;
	v24 =	vmax.f32 v21, v47  }
0x184: {  	v23 =	vmax.f32 v22, v23;
	v21 =	vsel vm7, v24, v21  }
0x185: {  	v22 =	vsel vm13, v23, v22;
	v24 =	vperm.xlane v21, v4  }
0x186: {  	v23 =	vperm.xlane v22, v5  }
0x187: {  	vm6 =	vmmov vm6;
	v24 =	vmax.f32 v21, v24  }
0x188: {  	v23 =	vmax.f32 v22, v23;
	v21 =	vsel vm6, v24, v21  }
0x189: {  	v22 =	vsel vm3, v23, v22;
	v24 =	vperm.xlane v21, v5  }
0x18a: {  	v23 =	vperm.xlane v22, v7  }
0x18b: {  	vm14 =	vmmov vm14;
	v24 =	vmax.f32 v21, v24  }
0x18c: {  	v23 =	vmax.f32 v22, v23;
	v21 =	vsel vm14, v24, v21  }
0x18d: {  	s28 =	sadd.s32 $0x20, s29;
	v22 =	vsel vm4, v23, v22;
	v24 =	vperm.xlane v21, v7  }
0x18e: {  	[tilespmem:s28+$0x0] =	vst v22  }
0x18f: {  	s1 =	sadd.s32 $0x20, s30;
	vm0 =	vmmov vm0;
	v49 =	vld.idx.msk [tilespmem:v15+s25+$0x0], $0xffff;
	v48 =	vmax.f32 v21, v24  }
0x190: {  	v50 =	vld [tilespmem:s1+$0x0];
	v21 =	vsel vm0, v48, v21  }
0x191: {  	[tilespmem:s28+$0xFFFFFFF0] =	vst v21  }
0x192: {  	v21 =	vld.idx.msk [tilespmem:v13+s25+$0x0], $0xffff  }
0x193: {  	v51 =	vld [tilespmem:s1+$0xFFFFFFF0];
	_ =	sdelay $0x1  }
0x194: {  	v25 =	vperm.xlane v18, v2;
	v22 =	vadd.f32 v50, v49  }
0x195: {  	vm5 =	vmmov vm5;
	v26 =	vimm.s32 $0x0;
	v53 =	vld [tilespmem:$0x1FFD0]  }
0x196: {  	v54 =	vimm.s32 $0x0;
	v25 =	vmax.f32 v18, v25;
	v22 =	vperm.xlane v22, v14  }
0x197: {  	vm9 =	vmmov vm1;
	v18 =	vsel vm5, v25, v18;
	v21 =	vadd.f32 v51, v21  }
0x198: {  	vm11 =	vmmov vm11;
	v52 =	vperm.xlane v18, v4;
	v55 =	vperm.xlane v22, v2  }
0x199: {  	v19 =	vsel vm12, v20, v19;
	v26 =	vsel vm5, $0xFFFFFFFF, v26;
	v21 =	vperm.xlane v21, v12  }
0x19a: {  	v23 =	vmax.f32 v18, v52;
	vm8 =	vnez.u8 v53;
	v56 =	vmax.f32 v22, v55  }
0x19b: {  	vm10 =	vmmov vm8;
	v22 =	vsel vm9, v56, v22;
	v57 =	vperm.xlane v21, v2  }
0x19c: {  	v24 =	vsel vm10, $0xFFFFFFFF, v54;
	v18 =	vsel vm10, v23, v18;
	v23 =	vperm.xlane v22, v4  }
0x19d: {  	vm8 =	vmmov vm7;
	vm10 =	vmmov vm13;
	[tilespmem:$0x1FF30] =	vst v24;
	v24 =	vmax.f32 v21, v57  }
0x19e: {  	v58 =	vperm.xlane v18, v5;
	v23 =	vmax.f32 v22, v23;
	v21 =	vsel vm8, v24, v21  }
0x19f: {  	vm3 =	vmmov vm3;
	v59 =	vsel vm10, v23, v22;
	v24 =	vperm.xlane v21, v4  }
0x1a0: {  	s29 =	sadd.s32 $0x20, s20;
	[tilespmem:$0x1FF20] =	vst v26;
	vm7 =	vmmov vm12;
	v25 =	vmax.f32 v18, v58;
	v22 =	vperm.xlane v59, v5  }
0x1a1: {  	vm12 =	vmmov vm6;
	[tilespmem:s29+$0x0] =	vst v19;
	v18 =	vsel vm11, v25, v18;
	v60 =	vmax.f32 v21, v24  }
0x1a2: {  	s30 =	sadd.s32 $0x20, s17;
	v10 =	vld.idx.msk [tilespmem:v10+s26+$0x0], $0xffff;
	v61 =	vperm.xlane v18, v7;
	v22 =	vmax.f32 v59, v22;
	v21 =	vsel vm12, v60, v21  }
0x1a3: {  	v62 =	vld [tilespmem:s30+$0x0];
	v20 =	vsel vm3, v22, v59;
	v23 =	vperm.xlane v21, v5  }
0x1a4: {  	vm5 =	vmmov vm2;
	v19 =	vmax.f32 v18, v61;
	v22 =	vperm.xlane v20, v7  }
0x1a5: {  	vm1 =	vmmov vm14;
	v18 =	vsel vm15, v19, v18;
	v23 =	vmax.f32 v21, v23  }
0x1a6: {  	vm2 =	vmmov vm4;
	[tilespmem:s29+$0xFFFFFFF0] =	vst v18;
	v25 =	vmax.f32 v20, v22;
	v63 =	vsel vm1, v23, v21  }
0x1a7: {  	s0 =	sadd.s32 $0x20, s29;
	v11 =	vld.idx.msk [tilespmem:v11+s26+$0x0], $0xffff;
	v18 =	vsel vm2, v25, v20;
	v21 =	vperm.xlane v63, v7  }
0x1a8: {  	v10 =	vadd.f32 v62, v10;
	v26 =	vld [tilespmem:s30+$0xFFFFFFF0];
	[tilespmem:s0+$0x0] =	vst v18  }
0x1a9: {  	s1 =	sadd.s32 $0x20, s30;
	v28 =	vld.idx.msk [tilespmem:v15+s26+$0x0], $0xffff;
	v27 =	vmax.f32 v63, v21  }
0x1aa: {  	v8 =	vperm.xlane v10, v8;
	v10 =	vld [tilespmem:s1+$0x0];
	v18 =	vsel vm0, v27, v63  }
0x1ab: {  	[tilespmem:s0+$0xFFFFFFF0] =	vst v18  }
0x1ac: {  	v29 =	vld.idx.msk [tilespmem:v13+s26+$0x0], $0xffff  }
0x1ad: {  	v11 =	vadd.f32 v26, v11;
	v31 =	vld [tilespmem:s1+$0xFFFFFFF0]  }
0x1ae: {  	v32 =	vld [tilespmem:$0x1FF60]  }
0x1af: {  	v9 =	vperm.xlane v11, v9;
	v10 =	vadd.f32 v10, v28;
	v34 =	vld [tilespmem:$0x1FFE0]  }
0x1b0: {  	v30 =	vperm.xlane v8, v2;
	v37 =	vld [tilespmem:$0x1FF80]  }
0x1b1: {  	v39 =	vperm.xlane v9, v2;
	v44 =	vld [tilespmem:$0x1FF20];
	v10 =	vperm.xlane v10, v14  }
0x1b2: {  	vm6 =	vmmov vm0  }
0x1b3: {  	v33 =	vmax.f32 v8, v30;
	v49 =	vld [tilespmem:$0x1FFA0];
	v15 =	vmax.f32 v9, v39;
	v40 =	vperm.xlane v10, v2  }
0x1b4: {  	vm13 =	vnez.u8 v32;
	vm0 =	vnez.u8 v34;
	v13 =	vadd.f32 v31, v29  }
0x1b5: {  	vm14 =	vnez.u8 v37;
	v14 =	vmax.f32 v10, v40;
	v16 =	vsel vm13, v17, v16  }
0x1b6: {  	v8 =	vsel vm0, v33, v8;
	vm0 =	vnez.u8 v44;
	v35 =	vperm.xlane v16, v4  }
0x1b7: {  	v10 =	vsel vm9, v14, v10;
	v36 =	vperm.xlane v8, v4;
	v41 =	vperm.xlane v13, v12  }
0x1b8: {  	v9 =	vsel vm0, v15, v9;
	v48 =	vperm.xlane v10, v4;
	vm0 =	vnez.u8 v49  }
0x1b9: {  	v50 =	vld [tilespmem:$0x1FFF0];
	v47 =	vperm.xlane v9, v4;
	v11 =	vmax.f32 v16, v35;
	v38 =	vmax.f32 v8, v36  }
0x1ba: {  	v53 =	vld [tilespmem:$0x1FF30];
	v45 =	vperm.xlane v41, v2;
	v52 =	vmax.f32 v10, v48;
	v11 =	vsel vm14, v11, v16  }
0x1bb: {  	v8 =	vsel vm5, v38, v8;
	v51 =	vmax.f32 v9, v47;
	v42 =	vperm.xlane v11, v5  }
0x1bc: {  	v10 =	vsel vm10, v52, v10;
	v43 =	vperm.xlane v8, v5;
	v15 =	vmax.f32 v41, v45  }
0x1bd: {  	v56 =	vperm.xlane v10, v5;
	v12 =	vsel vm8, v15, v41;
	v13 =	vmax.f32 v11, v42  }
0x1be: {  	v46 =	vmax.f32 v8, v43;
	v11 =	vsel vm0, v13, v11;
	vm0 =	vnez.u8 v50  }
0x1bf: {  	v59 =	vld [tilespmem:$0x1FFC0];
	v15 =	vperm.xlane v12, v4;
	v8 =	vsel vm0, v46, v8;
	vm0 =	vnez.u8 v53  }
0x1c0: {  	v16 =	vmax.f32 v10, v56;
	v9 =	vsel vm0, v51, v9  }
0x1c1: {  	v10 =	vsel vm3, v16, v10;
	v15 =	vmax.f32 v12, v15;
	v55 =	vperm.xlane v9, v5  }
0x1c2: {  	v54 =	vperm.xlane v11, v7;
	v62 =	vperm.xlane v10, v7;
	v12 =	vsel vm12, v15, v12  }
0x1c3: {  	v57 =	vperm.xlane v8, v7;
	v58 =	vperm.xlane v12, v5;
	v14 =	vmax.f32 v9, v55  }
0x1c4: {  	vm0 =	vnez.u8 v59;
	v13 =	vmax.f32 v11, v54;
	v9 =	vsel vm11, v14, v9  }
0x1c5: {  	v11 =	vsel vm0, v13, v11;
	v61 =	vmax.f32 v12, v58;
	v14 =	vperm.xlane v9, v7  }
0x1c6: {  	p1 =	por $0x1, $0x1;
	v60 =	vmax.f32 v8, v57;
	vm0 =	vmmov vm15;
	v12 =	vsel vm1, v61, v12  }
.Ltmp5:
0x1c7: {  	s31 =	sadd.s32 $0x20, s23;
	v8 =	vsel vm7, v60, v8;
	[tilespmem:s23+$0xFFFFFFF0] =	vst v11;
	v63 =	vperm.xlane v12, v7;
	v11 =	vmax.f32 v9, v14;
	(pc) =	sbr.rel @!p1 .LBB2_12-.Ltmp5, $4  }
0x1c8: {  	[tilespmem:s31+$0x0] =	vst v8;
	v8 =	vmax.f32 v10, v62;
	v9 =	vsel vm0, v11, v9  }
0x1c9: {  	s0 =	sadd.s32 $0x20, s31;
	v8 =	vsel vm2, v8, v10;
	vm0 =	vmmov vm6;
	[tilespmem:s31+$0xFFFFFFF0] =	vst v9;
	v9 =	vmax.f32 v12, v63  }
0x1ca: {  	[tilespmem:s0+$0x0] =	vst v8;
	v9 =	vsel vm0, v9, v12  }
0x1cb: {  	p0 =	por $0x0, $0x0;
	vm1 =	vcmask $0x3F3C;
	vm2 =	vcmask $0x3F04;
	[tilespmem:s0+$0xFFFFFFF0] =	vst v9;
	s0 =	simm.s32 $0x80  }
0x1cc: {  	s1 =	simm.s32 $0x0  }
0x1cd: {  	v8 =	vld [tilespmem:s1+$0x15500];
	_ =	sdelay $0x6  }
0x1ce: {  	v10 =	vld [tilespmem:s1+$0x19380]  }
0x1cf: {  	v9 =	vld.idx.msk [tilespmem:v8+s11+$0x0], $0xffff;
	_ =	sdelay $0x4  }
0x1d0: {  	v9 =	vmax.f32 v9, v10  }
0x1d1: {  	[tilespmem:v8+s11+$0x0] =	vst.idx.msk $0xffff, v9  }
0x1d2: {  	v9 =	vld.idx.msk [tilespmem:v8+s12+$0x0], $0xffff  }
0x1d3: {  	v10 =	vld [tilespmem:s1+$0x1A000];
	_ =	sdelay $0x4  }
0x1d4: {  	v9 =	vmax.f32 v9, v10  }
0x1d5: {  	[tilespmem:v8+s12+$0x0] =	vst.idx.msk $0xffff, v9  }
0x1d6: {  	v9 =	vld.idx.msk [tilespmem:v8+s13+$0x0], $0xffff  }
0x1d7: {  	v10 =	vld [tilespmem:s1+$0x1AC80];
	_ =	sdelay $0x4  }
0x1d8: {  	v9 =	vmax.f32 v9, v10  }
0x1d9: {  	[tilespmem:v8+s13+$0x0] =	vst.idx.msk $0xffff, v9  }
0x1da: {  	v9 =	vld.idx.msk [tilespmem:v8+s16+$0x0], $0xffff  }
0x1db: {  	v10 =	vld [tilespmem:s1+$0x1B900];
	_ =	sdelay $0x4  }
0x1dc: {  	v9 =	vmax.f32 v9, v10  }
0x1dd: {  	[tilespmem:v8+s16+$0x0] =	vst.idx.msk $0xffff, v9  }
0x1de: {  	v8 =	vld [tilespmem:s1+$0x15510];
	_ =	sdelay $0x6  }
0x1df: {  	v10 =	vld [tilespmem:s1+$0x19390]  }
0x1e0: {  	v9 =	vld.idx.msk [tilespmem:v8+s11+$0x0], $0xffff;
	_ =	sdelay $0x4  }
0x1e1: {  	v9 =	vmax.f32 v9, v10  }
0x1e2: {  	[tilespmem:v8+s11+$0x0] =	vst.idx.msk $0xffff, v9  }
0x1e3: {  	v9 =	vld.idx.msk [tilespmem:v8+s12+$0x0], $0xffff  }
0x1e4: {  	v10 =	vld [tilespmem:s1+$0x1A010];
	_ =	sdelay $0x4  }
0x1e5: {  	v9 =	vmax.f32 v9, v10  }
0x1e6: {  	[tilespmem:v8+s12+$0x0] =	vst.idx.msk $0xffff, v9  }
0x1e7: {  	v9 =	vld.idx.msk [tilespmem:v8+s13+$0x0], $0xffff  }
0x1e8: {  	v10 =	vld [tilespmem:s1+$0x1AC90];
	_ =	sdelay $0x4  }
0x1e9: {  	v9 =	vmax.f32 v9, v10  }
0x1ea: {  	[tilespmem:v8+s13+$0x0] =	vst.idx.msk $0xffff, v9  }
0x1eb: {  	v9 =	vld.idx.msk [tilespmem:v8+s16+$0x0], $0xffff  }
0x1ec: {  	p1 =	por $0x1, $0x1;
	v10 =	vld [tilespmem:s1+$0x1B910]  }
.Ltmp6:
0x1ed: {  	_ = 	snop;
	(pc) =	sbr.rel @!p1 .LBB2_9-.Ltmp6, $2  }
0x1ee: {  	_ =	sdelay $0x2  }
0x1ef: {  	p0 =	por $0x1, $0x1;
	s1 =	simm.s32 $0x100;
	v9 =	vmax.f32 v9, v10  }
.LBB2_10:
0x1f0: {  	p1 =	sne.s32 s1, $0x3180  }
0x1f1: {  	s2 =	sshra.s32 s0, $0x2;
	[tilespmem:v8+s16+$0x0] =	vst.idx.msk $0xffff, v9;
	s0 =	smov.u32 s1;
	s1 =	sadd.s32 $0x80, s1  }
0x1f2: {  	v8 =	vld [tilespmem:s2+$0x15500];
	_ =	sdelay $0x7  }
0x1f3: {  	v9 =	vld.idx.msk [tilespmem:v8+s11+$0x0], $0xffff  }
0x1f4: {  	v10 =	vld [tilespmem:s2+$0x19380];
	_ =	sdelay $0x4  }
0x1f5: {  	v9 =	vmax.f32 v9, v10  }
0x1f6: {  	[tilespmem:v8+s11+$0x0] =	vst.idx.msk $0xffff, v9  }
0x1f7: {  	v9 =	vld.idx.msk [tilespmem:v8+s12+$0x0], $0xffff  }
0x1f8: {  	v10 =	vld [tilespmem:s2+$0x1A000];
	_ =	sdelay $0x4  }
0x1f9: {  	v9 =	vmax.f32 v9, v10  }
0x1fa: {  	[tilespmem:v8+s12+$0x0] =	vst.idx.msk $0xffff, v9  }
0x1fb: {  	v9 =	vld.idx.msk [tilespmem:v8+s13+$0x0], $0xffff  }
0x1fc: {  	v10 =	vld [tilespmem:s2+$0x1AC80];
	_ =	sdelay $0x4  }
0x1fd: {  	v9 =	vmax.f32 v9, v10  }
0x1fe: {  	[tilespmem:v8+s13+$0x0] =	vst.idx.msk $0xffff, v9  }
0x1ff: {  	v9 =	vld.idx.msk [tilespmem:v8+s16+$0x0], $0xffff  }
0x200: {  	v10 =	vld [tilespmem:s2+$0x1B900];
	_ =	sdelay $0x4  }
0x201: {  	v9 =	vmax.f32 v9, v10  }
0x202: {  	[tilespmem:v8+s16+$0x0] =	vst.idx.msk $0xffff, v9  }
0x203: {  	v8 =	vld [tilespmem:s2+$0x15510];
	_ =	sdelay $0x7  }
0x204: {  	v9 =	vld.idx.msk [tilespmem:v8+s11+$0x0], $0xffff  }
0x205: {  	v10 =	vld [tilespmem:s2+$0x19390];
	_ =	sdelay $0x4  }
0x206: {  	v9 =	vmax.f32 v9, v10  }
0x207: {  	[tilespmem:v8+s11+$0x0] =	vst.idx.msk $0xffff, v9  }
0x208: {  	v9 =	vld.idx.msk [tilespmem:v8+s12+$0x0], $0xffff  }
0x209: {  	v10 =	vld [tilespmem:s2+$0x1A010];
	_ =	sdelay $0x4  }
0x20a: {  	v9 =	vmax.f32 v9, v10  }
0x20b: {  	[tilespmem:v8+s12+$0x0] =	vst.idx.msk $0xffff, v9  }
0x20c: {  	v9 =	vld.idx.msk [tilespmem:v8+s13+$0x0], $0xffff  }
0x20d: {  	v10 =	vld [tilespmem:s2+$0x1AC90];
	_ =	sdelay $0x4  }
0x20e: {  	v9 =	vmax.f32 v9, v10  }
0x20f: {  	[tilespmem:v8+s13+$0x0] =	vst.idx.msk $0xffff, v9  }
0x210: {  	v9 =	vld.idx.msk [tilespmem:v8+s16+$0x0], $0xffff  }
0x211: {  	v10 =	vld [tilespmem:s2+$0x1B910]  }
.Ltmp7:
0x212: {  	(pc) =	sbr.rel @p1 .LBB2_10-.Ltmp7, $2  }
0x213: {  	_ =	sdelay $0x2  }
0x214: {  	v9 =	vmax.f32 v9, v10  }
0x215: {  	s19 =	smov.u32 s0  }
.LBB2_12:
0x216: {  	_ =	sdelay $0x3  }
0x217: {  	s0 =	sshra.s32 s19, $0x2;
	[tilespmem:v8+s16+$0x0] =	vst.idx.msk @p0 $0xffff, v9  }
0x218: {  	v8 =	vld [tilespmem:s0+$0x15500];
	_ =	sdelay $0x6  }
0x219: {  	v10 =	vld [tilespmem:s0+$0x19380]  }
0x21a: {  	v9 =	vld.idx.msk [tilespmem:v8+s11+$0x0], $0xffff;
	_ =	sdelay $0x4  }
0x21b: {  	v9 =	vmax.f32 v9, v10  }
0x21c: {  	[tilespmem:v8+s11+$0x0] =	vst.idx.msk $0xffff, v9  }
0x21d: {  	v9 =	vld.idx.msk [tilespmem:v8+s12+$0x0], $0xffff  }
0x21e: {  	v57 =	vld [tilespmem:s0+$0x1A000];
	_ =	sdelay $0x4  }
0x21f: {  	v9 =	vmax.f32 v9, v57  }
0x220: {  	[tilespmem:v8+s12+$0x0] =	vst.idx.msk $0xffff, v9  }
0x221: {  	v9 =	vld.idx.msk [tilespmem:v8+s13+$0x0], $0xffff  }
0x222: {  	v58 =	vld [tilespmem:s0+$0x1AC80];
	_ =	sdelay $0x4  }
0x223: {  	v9 =	vmax.f32 v9, v58  }
0x224: {  	[tilespmem:v8+s13+$0x0] =	vst.idx.msk $0xffff, v9  }
0x225: {  	v9 =	vld.idx.msk [tilespmem:v8+s16+$0x0], $0xffff  }
0x226: {  	v59 =	vld [tilespmem:s0+$0x1B900];
	_ =	sdelay $0x4  }
0x227: {  	v9 =	vmax.f32 v9, v59  }
0x228: {  	[tilespmem:v8+s16+$0x0] =	vst.idx.msk $0xffff, v9  }
0x229: {  	v8 =	vld [tilespmem:s0+$0x15510];
	_ =	sdelay $0x6  }
0x22a: {  	v60 =	vld [tilespmem:s0+$0x19390]  }
0x22b: {  	v9 =	vld.idx.msk [tilespmem:v8+s11+$0x0], $0xffff;
	_ =	sdelay $0x4  }
0x22c: {  	v9 =	vmax.f32 v9, v60  }
0x22d: {  	[tilespmem:v8+s11+$0x0] =	vst.idx.msk $0xffff, v9  }
0x22e: {  	v9 =	vld.idx.msk [tilespmem:v8+s12+$0x0], $0xffff  }
0x22f: {  	v61 =	vld [tilespmem:s0+$0x1A010];
	_ =	sdelay $0x4  }
0x230: {  	v9 =	vmax.f32 v9, v61  }
0x231: {  	[tilespmem:v8+s12+$0x0] =	vst.idx.msk $0xffff, v9  }
0x232: {  	v9 =	vld.idx.msk [tilespmem:v8+s13+$0x0], $0xffff  }
0x233: {  	v62 =	vld [tilespmem:s0+$0x1AC90];
	_ =	sdelay $0x4  }
0x234: {  	v9 =	vmax.f32 v9, v62  }
0x235: {  	[tilespmem:v8+s13+$0x0] =	vst.idx.msk $0xffff, v9  }
0x236: {  	v9 =	vld.idx.msk [tilespmem:v8+s16+$0x0], $0xffff  }
0x237: {  	s18 =	sadd.s32 $0x1, s18;
	v63 =	vld [tilespmem:s0+$0x1B910]  }
0x238: {  	p0 =	sne.s32 s18, $0x19  }
.Ltmp8:
0x239: {  	_ = 	snop;
	(pc) =	sbr.rel @p0 .LBB2_5-.Ltmp8, $3  }
0x23a: {  	_ =	sdelay $0x1  }
0x23b: {  	v9 =	vmax.f32 v9, v63  }
0x23c: {  	[tilespmem:v8+s16+$0x0] =	vst.idx.msk $0xffff, v9  }
0x23d: {  	s0 =	rddreg [dreg:$0xa];
	s1 =	simm.s32 $0x2  }
0x23e: {  	[hbm4b:s0+s21] =	stream.strided.scatter [tilespmem:s11], [sflag:$0x2], $0x2780, s22, s21, $0x38;
	[tilespmem:$0x1C580] =	vst v63  }
0x23f: {  	_ =	swait.ge [sflag:s1], $0x2780  }
0x240: {  	[sflag:s1] =	ssyncset.done $0x0  }
0x241: {  	s28 =	rddreg [dreg:$0xb];
	[sflag:s1] =	ssyncadd.s32 $0xFFFFD880  }
0x242: {  	[hbm4b:s28+s21] =	stream.strided.scatter [tilespmem:s12], [sflag:$0x2], $0x2780, s22, s21, $0x38;
	[tilespmem:$0x1C580] =	vst v63  }
0x243: {  	_ =	swait.ge [sflag:s1], $0x2780  }
0x244: {  	[sflag:s1] =	ssyncset.done $0x0  }
0x245: {  	s29 =	rddreg [dreg:$0xc];
	[sflag:s1] =	ssyncadd.s32 $0xFFFFD880  }
0x246: {  	[hbm4b:s29+s21] =	stream.strided.scatter [tilespmem:s13], [sflag:$0x2], $0x2780, s22, s21, $0x38;
	[tilespmem:$0x1C580] =	vst v63  }
0x247: {  	_ =	swait.ge [sflag:s1], $0x2780  }
0x248: {  	[sflag:s1] =	ssyncset.done $0x0  }
0x249: {  	s30 =	rddreg [dreg:$0xd];
	[sflag:s1] =	ssyncadd.s32 $0xFFFFD880  }
0x24a: {  	[hbm4b:s30+s21] =	stream.strided.scatter [tilespmem:s16], [sflag:$0x2], $0x2780, s22, s21, $0x38;
	[tilespmem:$0x1C580] =	vst v63  }
0x24b: {  	_ =	swait.ge [sflag:s1], $0x2780  }
0x24c: {  	s2 =	rddreg [dreg:$0xf]  }
0x24d: {  	s31 =	rddreg [dreg:$0xe];
	s2 =	sadd.s32 $0x1, s2  }
0x24e: {  	p0 =	sne.s32 s2, s31  }
.Ltmp9:
0x24f: {  	_ = 	snop;
	(pc) =	sbr.rel @p0 .LBB2_1-.Ltmp9, $3  }
0x250: {  	_ =	sdelay $0x1  }
0x251: {  	[sflag:s1] =	ssyncset.done $0x0  }
0x252: {  	[sflag:s1] =	ssyncadd.s32 $0xFFFFD880  }
0x253: {  	_ =	sfence.sel $0x180000  }
0x254: {  	[bflag:$0x0] =	sbarrier.arrive $0xFFFF  }
0x255: {  	_ =	strace $0x90000047  }
0x256: {  	s0 =	stileid.u32;
	[bflag:$0x2] =	sbarrier.arrive $0xFFFF  }
0x257: {  	p0 =	sne.s32 s0, $0x0;
	s0 =	rddreg [dreg:$0x2]  }
0x258: {  	s0 =	sadd.s32 @!p0 $0x100000, s0  }
0x259: {  	[sflag:s0] =	ssyncadd.tile.s32 @!p0 $0x1;
	_ =	shalt  }
.Lfunc_end2:
_tile_overlayer_lowered:
.L_overlay_start_2:
0x25a: {  	(tag) =	ssettag $0x2  }
0x25b: {  	s0 =	rddreg [dreg:$0x0];
	s2 =	stileid.u32  }
0x25c: {  	s1 =	rddreg [dreg:$0x1];
	p0 =	sne.s32 s2, $0x0  }
0x25d: {  	s3 =	rddreg [dreg:$0x2];
	[bflag:$0x3] =	sbarrier.arrive $0xFFFF;
	s2 =	simm.s32 @!p0 $0x1C02  }
0x25e: {  	[timem:s3], [sflag:s2] =	dma.local @!p0 [hbm:s0], s1  }
0x25f: {  	s0 =	simm.s32 @!p0 $0x2  }
0x260: {  	_ =	swait.ge @!p0 [sflag:s0], s1  }
0x261: {  	s1 =	ssub.s32 @!p0 $0x0, s1;
	[sflag:s0] =	ssyncset.done @!p0 $0x0  }
0x262: {  	[sflag:s0] =	ssyncadd.s32 @!p0 s1  }
0x263: {  	[bflag:$0x3] =	sbarrier.arrive $0xFFFF  }
0x264: {  	_ =	shalt  }

</sc_bundles>
